<compile_context>
chip_gen: v7x
topology: tpu7x:2x2x1
jax: 0.10.2.dev20260603
libtpu: 0.0.44.dev20260713+nightly
codegen_flags: <defaults>
</compile_context>

<pallas_src>
import functools

import jax
import jax.numpy as jnp
from jax import lax
from jax.experimental import pallas as pl
from jax.experimental.pallas import tpu as pltpu
from jax.experimental.pallas import tpu_sc as plsc

NC = 2
NS = 16
NW = NC * NS
G = 64


def _sc_aggregate(h, ei_r, zeros_nd, *, n, d, chunks, k, groups):
    sg = chunks // groups
    rpt = (n // NS) & ~7
    last_rows = n - (NS - 1) * rpt
    mesh = plsc.VectorSubcoreMesh(core_axis_name="c", subcore_axis_name="s",
                                  num_cores=NC, num_subcores=NS)

    @functools.partial(
        pl.kernel,
        out_type=jax.ShapeDtypeStruct((NC, n, d), jnp.float32),
        mesh=mesh,
        scratch_types=[
            pltpu.VMEM((sg, k), jnp.int32),
            pltpu.VMEM((sg, k), jnp.int32),
            pltpu.VMEM((k, d), jnp.float32),
            pltpu.VMEM((k, d), jnp.float32),
            pltpu.VMEM_SHARED((n, d), jnp.float32),
            pltpu.SemaphoreType.DMA,
            pltpu.SemaphoreType.DMA,
            pltpu.SemaphoreType.DMA,
        ],
    )
    def agg_kernel(h_hbm, ei_hbm, z_hbm, out_hbm,
                   src_v, dst_v, rows0_v, rows1_v, agg_sh, sem0, sem1, semz):
        c = lax.axis_index("c")
        s = lax.axis_index("s")
        wid = s * NC + c
        row0 = pl.multiple_of(s * rpt, 8)

        def each_slice(fn):
            @pl.when(s < NS - 1)
            def _():
                fn(row0, rpt)

            @pl.when(s == NS - 1)
            def _():
                fn((NS - 1) * rpt, last_rows)

        each_slice(lambda r0, nr: pltpu.async_copy(
            z_hbm.at[pl.ds(r0, nr)], agg_sh.at[pl.ds(r0, nr)], semz))

        for g in range(groups):
            if g == 0:
                pltpu.async_copy(ei_hbm.at[0, wid, 0], src_v, sem0)
                pltpu.async_copy(ei_hbm.at[1, wid, 0], dst_v, sem1)
                pltpu.make_async_copy(ei_hbm.at[0, wid, 0], src_v, sem0).wait()
                pltpu.make_async_copy(ei_hbm.at[1, wid, 0], dst_v, sem1).wait()
                each_slice(lambda r0, nr: pltpu.make_async_copy(
                    z_hbm.at[pl.ds(r0, nr)], agg_sh.at[pl.ds(r0, nr)],
                    semz).wait())
                plsc.subcore_barrier()
            else:
                pltpu.sync_copy(ei_hbm.at[0, wid, g], src_v)
                pltpu.sync_copy(ei_hbm.at[1, wid, g], dst_v)
            pltpu.async_copy(h_hbm.at[src_v.at[0]], rows0_v, sem0)

            def body(j, carry):
                pltpu.async_copy(h_hbm.at[src_v.at[j + 1]], rows1_v, sem1)
                pltpu.make_async_copy(
                    h_hbm.at[src_v.at[j]], rows0_v, sem0).wait()
                pltpu.sync_copy(rows0_v, agg_sh.at[dst_v.at[j]], add=True)

                @pl.when(j + 2 < sg)
                def _():
                    pltpu.async_copy(h_hbm.at[src_v.at[j + 2]], rows0_v, sem0)

                pltpu.make_async_copy(
                    h_hbm.at[src_v.at[j + 1]], rows1_v, sem1).wait()
                pltpu.sync_copy(rows1_v, agg_sh.at[dst_v.at[j + 1]], add=True)
                return carry

            lax.fori_loop(0, sg // 2, lambda i, c: body(i * 2, c), 0)
        plsc.subcore_barrier()
        each_slice(lambda r0, nr: pltpu.sync_copy(
            agg_sh.at[pl.ds(r0, nr)], out_hbm.at[c, pl.ds(r0, nr)]))

    return agg_kernel(h, ei_r, zeros_nd)


def _tc_layer(aggp, h, wr, br_r, wroot, *, n, d, bn):
    nb = n // bn

    def body(ap, xb, wr_ref, b_ref, wroot_ref, o):
        agg = ap[0] + ap[1]
        o[...] = jnp.maximum(
            jnp.dot(agg, wr_ref[...], preferred_element_type=jnp.float32)
            + b_ref[...]
            + jnp.dot(xb[...], wroot_ref[...],
                      preferred_element_type=jnp.float32),
            0.0)

    return pl.pallas_call(
        body,
        grid=(nb,),
        in_specs=[
            pl.BlockSpec((NC, bn, d), lambda i: (0, i, 0)),
            pl.BlockSpec((bn, d), lambda i: (i, 0)),
            pl.BlockSpec((d, d), lambda i: (0, 0)),
            pl.BlockSpec((1, d), lambda i: (0, 0)),
            pl.BlockSpec((d, d), lambda i: (0, 0)),
        ],
        out_specs=pl.BlockSpec((bn, d), lambda i: (i, 0)),
        out_shape=jax.ShapeDtypeStruct((n, d), jnp.float32),
    )(aggp, h, wr, br_r, wroot)


def _tc_final(aggp, h, batch_r, wr, br_r, wroot, w1, b1_r, w2, b2_r,
              *, n, d, c_out, bn):
    nb = n // bn

    def body(ap, xb, bt, wr_ref, b_ref, wroot_ref,
             w1_ref, b1_ref, w2_ref, b2_ref, emb, out):
        i = pl.program_id(0)
        h3 = jnp.maximum(
            jnp.dot(ap[0] + ap[1], wr_ref[...],
                    preferred_element_type=jnp.float32)
            + b_ref[...]
            + jnp.dot(xb[...], wroot_ref[...],
                      preferred_element_type=jnp.float32),
            0.0)
        bvec = bt[0, 0, :]
        gids = lax.broadcasted_iota(jnp.int32, (G, bn), 0)
        mask = (gids == bvec[None, :]).astype(jnp.float32)
        part = jnp.dot(mask, h3, preferred_element_type=jnp.float32)

        @pl.when(i == 0)
        def _():
            emb[...] = part

        @pl.when(i > 0)
        def _():
            emb[...] = emb[...] + part

        @pl.when(i == nb - 1)
        def _():
            y = jnp.maximum(
                jnp.dot(emb[...], w1_ref[...],
                        preferred_element_type=jnp.float32) + b1_ref[...],
                0.0)
            out[...] = (jnp.dot(y, w2_ref[...],
                                preferred_element_type=jnp.float32)
                        + b2_ref[...])

    emb, out = pl.pallas_call(
        body,
        grid=(nb,),
        in_specs=[
            pl.BlockSpec((NC, bn, d), lambda i: (0, i, 0)),
            pl.BlockSpec((bn, d), lambda i: (i, 0)),
            pl.BlockSpec((1, 1, bn), lambda i: (i, 0, 0)),
            pl.BlockSpec((d, d), lambda i: (0, 0)),
            pl.BlockSpec((1, d), lambda i: (0, 0)),
            pl.BlockSpec((d, d), lambda i: (0, 0)),
            pl.BlockSpec((d, d), lambda i: (0, 0)),
            pl.BlockSpec((1, d), lambda i: (0, 0)),
            pl.BlockSpec((d, c_out), lambda i: (0, 0)),
            pl.BlockSpec((1, c_out), lambda i: (0, 0)),
        ],
        out_specs=[
            pl.BlockSpec((G, d), lambda i: (0, 0)),
            pl.BlockSpec((G, c_out), lambda i: (0, 0)),
        ],
        out_shape=[
            jax.ShapeDtypeStruct((G, d), jnp.float32),
            jax.ShapeDtypeStruct((G, c_out), jnp.float32),
        ],
    )(aggp, h, batch_r, wr, br_r, wroot, w1, b1_r, w2, b2_r)
    return emb, out


def kernel(x, edge_index, batch, Wr1, br1, Wroot1, Wr2, br2, Wroot2,
           Wr3, br3, Wroot3, W1, b1, W2, b2):
    n, d = x.shape
    e = edge_index.shape[1]
    c_out = W2.shape[1]

    k = 125
    groups = 2
    per_w = e // NW
    chunks = per_w // k
    ei_r = edge_index.reshape(2, NW, groups, chunks // groups, k)
    zeros_nd = jnp.zeros((n, d), jnp.float32)

    bn = 2000
    batch_r = batch.reshape(n // bn, 1, bn)
    br1_r = br1.reshape(1, d)
    br2_r = br2.reshape(1, d)
    br3_r = br3.reshape(1, d)
    b1_r = b1.reshape(1, d)
    b2_r = b2.reshape(1, c_out)

    sc_args = dict(n=n, d=d, chunks=chunks, k=k, groups=groups)
    aggp = _sc_aggregate(x, ei_r, zeros_nd, **sc_args)
    h1 = _tc_layer(aggp, x, Wr1, br1_r, Wroot1, n=n, d=d, bn=bn)
    aggp = _sc_aggregate(h1, ei_r, zeros_nd, **sc_args)
    h2 = _tc_layer(aggp, h1, Wr2, br2_r, Wroot2, n=n, d=d, bn=bn)
    aggp = _sc_aggregate(h2, ei_r, zeros_nd, **sc_args)
    emb, out = _tc_final(aggp, h2, batch_r, Wr3, br3_r, Wroot3,
                         W1, b1_r, W2, b2_r, n=n, d=d, c_out=c_out, bn=bn)
    return (out, emb)

# --- scband reference (transcript-rebuilt; emitter-appended) ---
"""Pipeline reference for scband-gcn-77661598646383 (READ-ONLY COPY).

The authoritative reference and input builder live on the scoring server;
editing this copy changes nothing except your own understanding.
"""

import jax, jax.numpy as jnp
import numpy as np

N = 10000
E = 320000
D = 128
C = 10
G = 64


def _lin_w(key, fin, fout):
    return (jax.random.normal(key, (fin, fout), dtype=jnp.float32) / np.sqrt(fin)).astype(jnp.float32)


def setup_inputs(seed: int = 0) -> dict:
    key = jax.random.key(seed)
    ks = jax.random.split(key, 20)
    x = jax.random.normal(ks[0], (N, D), dtype=jnp.float32)
    edge_index = jax.random.randint(ks[1], (2, E), 0, N, dtype=jnp.int32)
    batch = jnp.sort(jax.random.randint(ks[2], (N,), 0, G, dtype=jnp.int32))
    inp = {
        'x': x,
        'edge_index': edge_index,
        'batch': batch,
        # GraphConv layers: lin_rel (weight+bias) applied to aggregated neighbors, lin_root (no bias) applied to self
        'Wr1': _lin_w(ks[3], D, D), 'br1': jnp.zeros((D,), jnp.float32), 'Wroot1': _lin_w(ks[4], D, D),
        'Wr2': _lin_w(ks[5], D, D), 'br2': jnp.zeros((D,), jnp.float32), 'Wroot2': _lin_w(ks[6], D, D),
        'Wr3': _lin_w(ks[7], D, D), 'br3': jnp.zeros((D,), jnp.float32), 'Wroot3': _lin_w(ks[8], D, D),
        'W1': _lin_w(ks[9], D, D), 'b1': jnp.zeros((D,), jnp.float32),
        'W2': _lin_w(ks[10], D, C), 'b2': jnp.zeros((C,), jnp.float32),
    }
    return inp


def _graph_conv(x, edge_index, Wr, br, Wroot):
    # PyG GraphConv (aggr='add'): out = lin_rel(sum_{j in N(i)} x_j) + lin_root(x_i)
    src = edge_index[0]
    dst = edge_index[1]
    msg = jnp.take(x, src, axis=0)
    agg = jax.ops.segment_sum(msg, dst, num_segments=N)
    return agg @ Wr + br + x @ Wroot


def reference(x, edge_index, batch, Wr1, br1, Wroot1, Wr2, br2, Wroot2, Wr3, br3, Wroot3, W1, b1, W2, b2):
    h = jax.nn.relu(_graph_conv(x, edge_index, Wr1, br1, Wroot1))
    h = jax.nn.relu(_graph_conv(h, edge_index, Wr2, br2, Wroot2))
    h = jax.nn.relu(_graph_conv(h, edge_index, Wr3, br3, Wroot3))
    embedding = jax.ops.segment_sum(h, batch, num_segments=G)  # global_add_pool
    y = jax.nn.relu(embedding @ W1 + b1)
    # dropout omitted (eval mode / identity)
    out = y @ W2 + b2
    return (out, embedding)

if __name__ == "__main__":
    import jax
    _d = setup_inputs()
    print(jax.jit(kernel)(*tuple(_d.values())))

</pallas_src>

<mosaic_0001>
#map = affine_map<(d0, d1) -> (0, 0)>
#map1 = affine_map<(d0, d1) -> (0, 0, 0, 0, 0)>
#map2 = affine_map<(d0, d1) -> (0, 0, 0)>
module attributes {stable_mosaic.version = 14 : i64} {
  func.func @agg_kernel(%arg0: i32, %arg1: i32, %arg2: memref<10000x128xf32, #tpu.memory_space<hbm>>, %arg3: memref<2x32x2x40x125xi32, #tpu.memory_space<hbm>>, %arg4: memref<10000x128xf32, #tpu.memory_space<hbm>>, %arg5: memref<2x10000x128xf32, #tpu.memory_space<hbm>>, %arg6: memref<40x125xi32, #tpu.memory_space<vmem>>, %arg7: memref<40x125xi32, #tpu.memory_space<vmem>>, %arg8: memref<125x128xf32, #tpu.memory_space<vmem>>, %arg9: memref<125x128xf32, #tpu.memory_space<vmem>>, %arg10: memref<10000x128xf32, #tpu.memory_space<vmem_shared>>, %arg11: memref<!tpu.dma_semaphore, #tpu.memory_space<semaphore_mem>>, %arg12: memref<!tpu.dma_semaphore, #tpu.memory_space<semaphore_mem>>, %arg13: memref<!tpu.dma_semaphore, #tpu.memory_space<semaphore_mem>>) attributes {dimension_semantics = [#tpu.dimension_semantics<core_parallel>, #tpu.dimension_semantics<subcore_parallel>], iteration_bounds = array<i64: 2, 16>, scalar_prefetch = 0 : i64, scratch_operands = 8 : i64, tpu.core_type = #tpu.core_type<sc_vector_subcore>, window_params = [{transform_indices = #map}, {transform_indices = #map1}, {transform_indices = #map}, {transform_indices = #map2}]} {
    %mul3A = arith.constant 2 : i32
    %mul3A_0 = arith.muli %arg1, %mul3A : i32
    %add3A = arith.addi %mul3A_0, %arg0 : i32
    %mul3A_1 = arith.constant 624 : i32
    %mul3A_2 = arith.muli %arg1, %mul3A_1 : i32
    %multiple_of3A = tpu.assume_multiple %mul3A_2, 8 : i32
    %lt3A = arith.constant 15 : i32
    %lt3A_3 = arith.cmpi slt, %arg1, %lt3A : i32
    %convert_element_type3A = arith.extui %lt3A_3 : i1 to i32
    %cond3A = arith.constant 0 : i32
    %cond3A_4 = arith.cmpi ne, %convert_element_type3A, %cond3A : i32
    scf.if %cond3A_4 {
      %dma_start3A_96 = arith.constant 0 : i32
      %dma_start3A_97 = tpu.memref_slice %arg10[%multiple_of3A, %dma_start3A_96] : memref<10000x128xf32, #tpu.memory_space<vmem_shared>> -> memref<624x128xf32, #tpu.memory_space<vmem_shared>>
      %dma_start3A_98 = arith.constant 0 : i32
      %dma_start3A_99 = tpu.memref_slice %arg4[%multiple_of3A, %dma_start3A_98] : memref<10000x128xf32, #tpu.memory_space<hbm>> -> memref<624x128xf32, #tpu.memory_space<hbm>>
      tpu.enqueue_dma source(%dma_start3A_99 : memref<624x128xf32, #tpu.memory_space<hbm>>) target(%dma_start3A_97 : memref<624x128xf32, #tpu.memory_space<vmem_shared>>) target_semaphore(%arg13 : memref<!tpu.dma_semaphore, #tpu.memory_space<semaphore_mem>>)
    } else {
    }
    %eq3A = arith.constant 15 : i32
    %eq3A_5 = arith.cmpi eq, %arg1, %eq3A : i32
    %convert_element_type3A_6 = arith.extui %eq3A_5 : i1 to i32
    %cond3A_7 = arith.constant 0 : i32
    %cond3A_8 = arith.cmpi ne, %convert_element_type3A_6, %cond3A_7 : i32
    scf.if %cond3A_8 {
      %dma_start3A_96 = arith.constant 9360 : i32
      %dma_start3A_97 = arith.constant 0 : i32
      %dma_start3A_98 = tpu.memref_slice %arg10[%dma_start3A_96, %dma_start3A_97] : memref<10000x128xf32, #tpu.memory_space<vmem_shared>> -> memref<640x128xf32, #tpu.memory_space<vmem_shared>>
      %dma_start3A_99 = arith.constant 9360 : i32
      %dma_start3A_100 = arith.constant 0 : i32
      %dma_start3A_101 = tpu.memref_slice %arg4[%dma_start3A_99, %dma_start3A_100] : memref<10000x128xf32, #tpu.memory_space<hbm>> -> memref<640x128xf32, #tpu.memory_space<hbm>>
      tpu.enqueue_dma source(%dma_start3A_101 : memref<640x128xf32, #tpu.memory_space<hbm>>) target(%dma_start3A_98 : memref<640x128xf32, #tpu.memory_space<vmem_shared>>) target_semaphore(%arg13 : memref<!tpu.dma_semaphore, #tpu.memory_space<semaphore_mem>>)
    } else {
    }
    %dma_start3A = arith.constant 0 : i32
    %dma_start3A_9 = arith.constant 0 : i32
    %dma_start3A_10 = arith.constant 0 : i32
    %dma_start3A_11 = arith.constant 0 : i32
    %dma_start3A_12 = tpu.memref_slice %arg3[%dma_start3A, %add3A, %dma_start3A_9, %dma_start3A_10, %dma_start3A_11] : memref<2x32x2x40x125xi32, #tpu.memory_space<hbm>> -> memref<1x1x1x40x125xi32, #tpu.memory_space<hbm>>
    %dma_start3A_13 = tpu.memref_squeeze %dma_start3A_12 : memref<1x1x1x40x125xi32, #tpu.memory_space<hbm>> -> memref<40x125xi32, #tpu.memory_space<hbm>>
    %dma_start3A_14 = arith.constant 0 : i32
    %dma_start3A_15 = arith.constant 0 : i32
    %dma_start3A_16 = tpu.memref_slice %arg3[%dma_start3A, %add3A, %dma_start3A_9, %dma_start3A_14, %dma_start3A_15] : memref<2x32x2x40x125xi32, #tpu.memory_space<hbm>> -> memref<1x1x1x40x125xi32, #tpu.memory_space<hbm>>
    %dma_start3A_17 = tpu.memref_squeeze %dma_start3A_16 : memref<1x1x1x40x125xi32, #tpu.memory_space<hbm>> -> memref<40x125xi32, #tpu.memory_space<hbm>>
    tpu.enqueue_dma source(%dma_start3A_17 : memref<40x125xi32, #tpu.memory_space<hbm>>) target(%arg6 : memref<40x125xi32, #tpu.memory_space<vmem>>) target_semaphore(%arg11 : memref<!tpu.dma_semaphore, #tpu.memory_space<semaphore_mem>>)
    %dma_start3A_18 = arith.constant 1 : i32
    %dma_start3A_19 = arith.constant 0 : i32
    %dma_start3A_20 = arith.constant 0 : i32
    %dma_start3A_21 = arith.constant 0 : i32
    %dma_start3A_22 = tpu.memref_slice %arg3[%dma_start3A_18, %add3A, %dma_start3A_19, %dma_start3A_20, %dma_start3A_21] : memref<2x32x2x40x125xi32, #tpu.memory_space<hbm>> -> memref<1x1x1x40x125xi32, #tpu.memory_space<hbm>>
    %dma_start3A_23 = tpu.memref_squeeze %dma_start3A_22 : memref<1x1x1x40x125xi32, #tpu.memory_space<hbm>> -> memref<40x125xi32, #tpu.memory_space<hbm>>
    %dma_start3A_24 = arith.constant 0 : i32
    %dma_start3A_25 = arith.constant 0 : i32
    %dma_start3A_26 = tpu.memref_slice %arg3[%dma_start3A_18, %add3A, %dma_start3A_19, %dma_start3A_24, %dma_start3A_25] : memref<2x32x2x40x125xi32, #tpu.memory_space<hbm>> -> memref<1x1x1x40x125xi32, #tpu.memory_space<hbm>>
    %dma_start3A_27 = tpu.memref_squeeze %dma_start3A_26 : memref<1x1x1x40x125xi32, #tpu.memory_space<hbm>> -> memref<40x125xi32, #tpu.memory_space<hbm>>
    tpu.enqueue_dma source(%dma_start3A_27 : memref<40x125xi32, #tpu.memory_space<hbm>>) target(%arg7 : memref<40x125xi32, #tpu.memory_space<vmem>>) target_semaphore(%arg12 : memref<!tpu.dma_semaphore, #tpu.memory_space<semaphore_mem>>)
    %dma_wait3A = arith.constant 0 : i32
    %dma_wait3A_28 = arith.constant 0 : i32
    %dma_wait3A_29 = arith.constant 0 : i32
    %dma_wait3A_30 = arith.constant 0 : i32
    %dma_wait3A_31 = tpu.memref_slice %arg3[%dma_wait3A, %add3A, %dma_wait3A_28, %dma_wait3A_29, %dma_wait3A_30] : memref<2x32x2x40x125xi32, #tpu.memory_space<hbm>> -> memref<1x1x1x40x125xi32, #tpu.memory_space<hbm>>
    %dma_wait3A_32 = tpu.memref_squeeze %dma_wait3A_31 : memref<1x1x1x40x125xi32, #tpu.memory_space<hbm>> -> memref<40x125xi32, #tpu.memory_space<hbm>>
    %dma_wait3A_33 = arith.constant 0 : i32
    %dma_wait3A_34 = arith.constant 0 : i32
    %dma_wait3A_35 = tpu.memref_slice %arg3[%dma_wait3A, %add3A, %dma_wait3A_28, %dma_wait3A_33, %dma_wait3A_34] : memref<2x32x2x40x125xi32, #tpu.memory_space<hbm>> -> memref<1x1x1x40x125xi32, #tpu.memory_space<hbm>>
    %dma_wait3A_36 = tpu.memref_squeeze %dma_wait3A_35 : memref<1x1x1x40x125xi32, #tpu.memory_space<hbm>> -> memref<40x125xi32, #tpu.memory_space<hbm>>
    tpu.wait_dma2 semaphore(%arg11 : memref<!tpu.dma_semaphore, #tpu.memory_space<semaphore_mem>>) src(%dma_wait3A_36 : memref<40x125xi32, #tpu.memory_space<hbm>>) dst(%arg6 : memref<40x125xi32, #tpu.memory_space<vmem>>)
    %dma_wait3A_37 = arith.constant 1 : i32
    %dma_wait3A_38 = arith.constant 0 : i32
    %dma_wait3A_39 = arith.constant 0 : i32
    %dma_wait3A_40 = arith.constant 0 : i32
    %dma_wait3A_41 = tpu.memref_slice %arg3[%dma_wait3A_37, %add3A, %dma_wait3A_38, %dma_wait3A_39, %dma_wait3A_40] : memref<2x32x2x40x125xi32, #tpu.memory_space<hbm>> -> memref<1x1x1x40x125xi32, #tpu.memory_space<hbm>>
    %dma_wait3A_42 = tpu.memref_squeeze %dma_wait3A_41 : memref<1x1x1x40x125xi32, #tpu.memory_space<hbm>> -> memref<40x125xi32, #tpu.memory_space<hbm>>
    %dma_wait3A_43 = arith.constant 0 : i32
    %dma_wait3A_44 = arith.constant 0 : i32
    %dma_wait3A_45 = tpu.memref_slice %arg3[%dma_wait3A_37, %add3A, %dma_wait3A_38, %dma_wait3A_43, %dma_wait3A_44] : memref<2x32x2x40x125xi32, #tpu.memory_space<hbm>> -> memref<1x1x1x40x125xi32, #tpu.memory_space<hbm>>
    %dma_wait3A_46 = tpu.memref_squeeze %dma_wait3A_45 : memref<1x1x1x40x125xi32, #tpu.memory_space<hbm>> -> memref<40x125xi32, #tpu.memory_space<hbm>>
    tpu.wait_dma2 semaphore(%arg12 : memref<!tpu.dma_semaphore, #tpu.memory_space<semaphore_mem>>) src(%dma_wait3A_46 : memref<40x125xi32, #tpu.memory_space<hbm>>) dst(%arg7 : memref<40x125xi32, #tpu.memory_space<vmem>>)
    %lt3A_47 = arith.constant 15 : i32
    %lt3A_48 = arith.cmpi slt, %arg1, %lt3A_47 : i32
    %convert_element_type3A_49 = arith.extui %lt3A_48 : i1 to i32
    %cond3A_50 = arith.constant 0 : i32
    %cond3A_51 = arith.cmpi ne, %convert_element_type3A_49, %cond3A_50 : i32
    scf.if %cond3A_51 {
      %dma_wait3A_96 = arith.constant 0 : i32
      %dma_wait3A_97 = tpu.memref_slice %arg10[%multiple_of3A, %dma_wait3A_96] : memref<10000x128xf32, #tpu.memory_space<vmem_shared>> -> memref<624x128xf32, #tpu.memory_space<vmem_shared>>
      %dma_wait3A_98 = arith.constant 0 : i32
      %dma_wait3A_99 = tpu.memref_slice %arg4[%multiple_of3A, %dma_wait3A_98] : memref<10000x128xf32, #tpu.memory_space<hbm>> -> memref<624x128xf32, #tpu.memory_space<hbm>>
      tpu.wait_dma2 semaphore(%arg13 : memref<!tpu.dma_semaphore, #tpu.memory_space<semaphore_mem>>) src(%dma_wait3A_99 : memref<624x128xf32, #tpu.memory_space<hbm>>) dst(%dma_wait3A_97 : memref<624x128xf32, #tpu.memory_space<vmem_shared>>)
    } else {
    }
    %eq3A_52 = arith.constant 15 : i32
    %eq3A_53 = arith.cmpi eq, %arg1, %eq3A_52 : i32
    %convert_element_type3A_54 = arith.extui %eq3A_53 : i1 to i32
    %cond3A_55 = arith.constant 0 : i32
    %cond3A_56 = arith.cmpi ne, %convert_element_type3A_54, %cond3A_55 : i32
    scf.if %cond3A_56 {
      %dma_wait3A_96 = arith.constant 9360 : i32
      %dma_wait3A_97 = arith.constant 0 : i32
      %dma_wait3A_98 = tpu.memref_slice %arg10[%dma_wait3A_96, %dma_wait3A_97] : memref<10000x128xf32, #tpu.memory_space<vmem_shared>> -> memref<640x128xf32, #tpu.memory_space<vmem_shared>>
      %dma_wait3A_99 = arith.constant 9360 : i32
      %dma_wait3A_100 = arith.constant 0 : i32
      %dma_wait3A_101 = tpu.memref_slice %arg4[%dma_wait3A_99, %dma_wait3A_100] : memref<10000x128xf32, #tpu.memory_space<hbm>> -> memref<640x128xf32, #tpu.memory_space<hbm>>
      tpu.wait_dma2 semaphore(%arg13 : memref<!tpu.dma_semaphore, #tpu.memory_space<semaphore_mem>>) src(%dma_wait3A_101 : memref<640x128xf32, #tpu.memory_space<hbm>>) dst(%dma_wait3A_98 : memref<640x128xf32, #tpu.memory_space<vmem_shared>>)
    } else {
    }
    %barrier3A = arith.constant 0 : index
    tpu.barrier barrier_id(%barrier3A)
    %dma_start3A_57 = arith.constant 0 : i32
    %dma_start3A_58 = arith.constant 0 : i32
    %dma_start3A_59 = tpu.memref_slice %arg6[%dma_start3A_57, %dma_start3A_58] : memref<40x125xi32, #tpu.memory_space<vmem>> -> memref<1x125xi32, #tpu.memory_space<vmem>>
    %dma_start3A_60 = tpu.memref_squeeze %dma_start3A_59 : memref<1x125xi32, #tpu.memory_space<vmem>> -> memref<125xi32, #tpu.memory_space<vmem>>
    %dma_start3A_61 = arith.constant 0 : i32
    %dma_start3A_62 = arith.constant 0 : i32
    %dma_start3A_63 = tpu.memref_slice %arg2[%dma_start3A_61, %dma_start3A_62] : memref<10000x128xf32, #tpu.memory_space<hbm>> -> memref<10000x128xf32, #tpu.memory_space<hbm>>
    tpu.enqueue_indirect_dma source(%dma_start3A_63 : memref<10000x128xf32, #tpu.memory_space<hbm>>) target(%arg8 : memref<125x128xf32, #tpu.memory_space<vmem>>) offsets(%dma_start3A_60 : memref<125xi32, #tpu.memory_space<vmem>>) semaphore(%arg11 : memref<!tpu.dma_semaphore, #tpu.memory_space<semaphore_mem>>)
    %scan3A = arith.constant 0 : i32
    %scan3A_64 = arith.constant 0 : i32
    %scan3A_65 = arith.constant 20 : i32
    %scan3A_66 = arith.addi %scan3A_64, %scan3A_65 : i32
    %scan3A_67 = arith.constant 1 : i32
    scf.for %scan3A_96 = %scan3A_64 to %scan3A_66 step %scan3A_67  : i32 {
      %mul3A_97 = arith.constant 2 : i32
      %mul3A_98 = arith.muli %scan3A_96, %mul3A_97 : i32
      %add3A_99 = arith.constant 1 : i32
      %add3A_100 = arith.addi %mul3A_98, %add3A_99 : i32
      %dma_start3A_101 = arith.constant 0 : i32
      %dma_start3A_102 = tpu.memref_slice %arg6[%add3A_100, %dma_start3A_101] : memref<40x125xi32, #tpu.memory_space<vmem>> -> memref<1x125xi32, #tpu.memory_space<vmem>>
      %dma_start3A_103 = tpu.memref_squeeze %dma_start3A_102 : memref<1x125xi32, #tpu.memory_space<vmem>> -> memref<125xi32, #tpu.memory_space<vmem>>
      %dma_start3A_104 = arith.constant 0 : i32
      %dma_start3A_105 = arith.constant 0 : i32
      %dma_start3A_106 = tpu.memref_slice %arg2[%dma_start3A_104, %dma_start3A_105] : memref<10000x128xf32, #tpu.memory_space<hbm>> -> memref<10000x128xf32, #tpu.memory_space<hbm>>
      tpu.enqueue_indirect_dma source(%dma_start3A_106 : memref<10000x128xf32, #tpu.memory_space<hbm>>) target(%arg9 : memref<125x128xf32, #tpu.memory_space<vmem>>) offsets(%dma_start3A_103 : memref<125xi32, #tpu.memory_space<vmem>>) semaphore(%arg12 : memref<!tpu.dma_semaphore, #tpu.memory_space<semaphore_mem>>)
      %dma_wait3A_107 = arith.constant 0 : i32
      %dma_wait3A_108 = tpu.memref_slice %arg6[%mul3A_98, %dma_wait3A_107] : memref<40x125xi32, #tpu.memory_space<vmem>> -> memref<1x125xi32, #tpu.memory_space<vmem>>
      %dma_wait3A_109 = tpu.memref_squeeze %dma_wait3A_108 : memref<1x125xi32, #tpu.memory_space<vmem>> -> memref<125xi32, #tpu.memory_space<vmem>>
      %dma_wait3A_110 = arith.constant 0 : i32
      %dma_wait3A_111 = arith.constant 0 : i32
      %dma_wait3A_112 = tpu.memref_slice %arg2[%dma_wait3A_110, %dma_wait3A_111] : memref<10000x128xf32, #tpu.memory_space<hbm>> -> memref<10000x128xf32, #tpu.memory_space<hbm>>
      tpu.wait_indirect_dma semaphore(%arg11 : memref<!tpu.dma_semaphore, #tpu.memory_space<semaphore_mem>>) src(%dma_wait3A_112 : memref<10000x128xf32, #tpu.memory_space<hbm>>) dst(%arg8 : memref<125x128xf32, #tpu.memory_space<vmem>>)
      "tpu.region"() ({
        %run_scoped3A_130 = tpu.sem_alloc : memref<!tpu.dma_semaphore, #tpu.memory_space<semaphore_mem>>
        %dma_start3A_131 = arith.constant 0 : i32
        %dma_start3A_132 = tpu.memref_slice %arg7[%mul3A_98, %dma_start3A_131] : memref<40x125xi32, #tpu.memory_space<vmem>> -> memref<1x125xi32, #tpu.memory_space<vmem>>
        %dma_start3A_133 = tpu.memref_squeeze %dma_start3A_132 : memref<1x125xi32, #tpu.memory_space<vmem>> -> memref<125xi32, #tpu.memory_space<vmem>>
        %dma_start3A_134 = arith.constant 0 : i32
        %dma_start3A_135 = arith.constant 0 : i32
        %dma_start3A_136 = tpu.memref_slice %arg10[%dma_start3A_134, %dma_start3A_135] : memref<10000x128xf32, #tpu.memory_space<vmem_shared>> -> memref<10000x128xf32, #tpu.memory_space<vmem_shared>>
        tpu.enqueue_indirect_dma source(%arg8 : memref<125x128xf32, #tpu.memory_space<vmem>>) target(%dma_start3A_136 : memref<10000x128xf32, #tpu.memory_space<vmem_shared>>) offsets(%dma_start3A_133 : memref<125xi32, #tpu.memory_space<vmem>>) semaphore(%run_scoped3A_130 : memref<!tpu.dma_semaphore, #tpu.memory_space<semaphore_mem>>) {add = true}
        %dma_wait3A_137 = arith.constant 0 : i32
        %dma_wait3A_138 = tpu.memref_slice %arg7[%mul3A_98, %dma_wait3A_137] : memref<40x125xi32, #tpu.memory_space<vmem>> -> memref<1x125xi32, #tpu.memory_space<vmem>>
        %dma_wait3A_139 = tpu.memref_squeeze %dma_wait3A_138 : memref<1x125xi32, #tpu.memory_space<vmem>> -> memref<125xi32, #tpu.memory_space<vmem>>
        %dma_wait3A_140 = arith.constant 0 : i32
        %dma_wait3A_141 = arith.constant 0 : i32
        %dma_wait3A_142 = tpu.memref_slice %arg10[%dma_wait3A_140, %dma_wait3A_141] : memref<10000x128xf32, #tpu.memory_space<vmem_shared>> -> memref<10000x128xf32, #tpu.memory_space<vmem_shared>>
        tpu.wait_indirect_dma semaphore(%run_scoped3A_130 : memref<!tpu.dma_semaphore, #tpu.memory_space<semaphore_mem>>) src(%arg8 : memref<125x128xf32, #tpu.memory_space<vmem>>) dst(%dma_wait3A_142 : memref<10000x128xf32, #tpu.memory_space<vmem_shared>>)
        tpu.yield
      }) : () -> ()
      %add3A_113 = arith.constant 2 : i32
      %add3A_114 = arith.addi %mul3A_98, %add3A_113 : i32
      %lt3A_115 = arith.constant 40 : i32
      %lt3A_116 = arith.cmpi slt, %add3A_114, %lt3A_115 : i32
      %convert_element_type3A_117 = arith.extui %lt3A_116 : i1 to i32
      %cond3A_118 = arith.constant 0 : i32
      %cond3A_119 = arith.cmpi ne, %convert_element_type3A_117, %cond3A_118 : i32
      scf.if %cond3A_119 {
        %add3A_130 = arith.constant 2 : i32
        %add3A_131 = arith.addi %mul3A_98, %add3A_130 : i32
        %dma_start3A_132 = arith.constant 0 : i32
        %dma_start3A_133 = tpu.memref_slice %arg6[%add3A_131, %dma_start3A_132] : memref<40x125xi32, #tpu.memory_space<vmem>> -> memref<1x125xi32, #tpu.memory_space<vmem>>
        %dma_start3A_134 = tpu.memref_squeeze %dma_start3A_133 : memref<1x125xi32, #tpu.memory_space<vmem>> -> memref<125xi32, #tpu.memory_space<vmem>>
        %dma_start3A_135 = arith.constant 0 : i32
        %dma_start3A_136 = arith.constant 0 : i32
        %dma_start3A_137 = tpu.memref_slice %arg2[%dma_start3A_135, %dma_start3A_136] : memref<10000x128xf32, #tpu.memory_space<hbm>> -> memref<10000x128xf32, #tpu.memory_space<hbm>>
        tpu.enqueue_indirect_dma source(%dma_start3A_137 : memref<10000x128xf32, #tpu.memory_space<hbm>>) target(%arg8 : memref<125x128xf32, #tpu.memory_space<vmem>>) offsets(%dma_start3A_134 : memref<125xi32, #tpu.memory_space<vmem>>) semaphore(%arg11 : memref<!tpu.dma_semaphore, #tpu.memory_space<semaphore_mem>>)
      } else {
      }
      %add3A_120 = arith.constant 1 : i32
      %add3A_121 = arith.addi %mul3A_98, %add3A_120 : i32
      %dma_wait3A_122 = arith.constant 0 : i32
      %dma_wait3A_123 = tpu.memref_slice %arg6[%add3A_121, %dma_wait3A_122] : memref<40x125xi32, #tpu.memory_space<vmem>> -> memref<1x125xi32, #tpu.memory_space<vmem>>
      %dma_wait3A_124 = tpu.memref_squeeze %dma_wait3A_123 : memref<1x125xi32, #tpu.memory_space<vmem>> -> memref<125xi32, #tpu.memory_space<vmem>>
      %dma_wait3A_125 = arith.constant 0 : i32
      %dma_wait3A_126 = arith.constant 0 : i32
      %dma_wait3A_127 = tpu.memref_slice %arg2[%dma_wait3A_125, %dma_wait3A_126] : memref<10000x128xf32, #tpu.memory_space<hbm>> -> memref<10000x128xf32, #tpu.memory_space<hbm>>
      tpu.wait_indirect_dma semaphore(%arg12 : memref<!tpu.dma_semaphore, #tpu.memory_space<semaphore_mem>>) src(%dma_wait3A_127 : memref<10000x128xf32, #tpu.memory_space<hbm>>) dst(%arg9 : memref<125x128xf32, #tpu.memory_space<vmem>>)
      %add3A_128 = arith.constant 1 : i32
      %add3A_129 = arith.addi %mul3A_98, %add3A_128 : i32
      "tpu.region"() ({
        %run_scoped3A_130 = tpu.sem_alloc : memref<!tpu.dma_semaphore, #tpu.memory_space<semaphore_mem>>
        %dma_start3A_131 = arith.constant 0 : i32
        %dma_start3A_132 = tpu.memref_slice %arg7[%add3A_129, %dma_start3A_131] : memref<40x125xi32, #tpu.memory_space<vmem>> -> memref<1x125xi32, #tpu.memory_space<vmem>>
        %dma_start3A_133 = tpu.memref_squeeze %dma_start3A_132 : memref<1x125xi32, #tpu.memory_space<vmem>> -> memref<125xi32, #tpu.memory_space<vmem>>
        %dma_start3A_134 = arith.constant 0 : i32
        %dma_start3A_135 = arith.constant 0 : i32
        %dma_start3A_136 = tpu.memref_slice %arg10[%dma_start3A_134, %dma_start3A_135] : memref<10000x128xf32, #tpu.memory_space<vmem_shared>> -> memref<10000x128xf32, #tpu.memory_space<vmem_shared>>
        tpu.enqueue_indirect_dma source(%arg9 : memref<125x128xf32, #tpu.memory_space<vmem>>) target(%dma_start3A_136 : memref<10000x128xf32, #tpu.memory_space<vmem_shared>>) offsets(%dma_start3A_133 : memref<125xi32, #tpu.memory_space<vmem>>) semaphore(%run_scoped3A_130 : memref<!tpu.dma_semaphore, #tpu.memory_space<semaphore_mem>>) {add = true}
        %dma_wait3A_137 = arith.constant 0 : i32
        %dma_wait3A_138 = tpu.memref_slice %arg7[%add3A_129, %dma_wait3A_137] : memref<40x125xi32, #tpu.memory_space<vmem>> -> memref<1x125xi32, #tpu.memory_space<vmem>>
        %dma_wait3A_139 = tpu.memref_squeeze %dma_wait3A_138 : memref<1x125xi32, #tpu.memory_space<vmem>> -> memref<125xi32, #tpu.memory_space<vmem>>
        %dma_wait3A_140 = arith.constant 0 : i32
        %dma_wait3A_141 = arith.constant 0 : i32
        %dma_wait3A_142 = tpu.memref_slice %arg10[%dma_wait3A_140, %dma_wait3A_141] : memref<10000x128xf32, #tpu.memory_space<vmem_shared>> -> memref<10000x128xf32, #tpu.memory_space<vmem_shared>>
        tpu.wait_indirect_dma semaphore(%run_scoped3A_130 : memref<!tpu.dma_semaphore, #tpu.memory_space<semaphore_mem>>) src(%arg9 : memref<125x128xf32, #tpu.memory_space<vmem>>) dst(%dma_wait3A_142 : memref<10000x128xf32, #tpu.memory_space<vmem_shared>>)
        tpu.yield
      }) : () -> ()
    }
    %scan3A_68 = arith.constant 20 : i32
    %run_scoped3A = arith.constant 0 : i32
    %run_scoped3A_69 = arith.constant 1 : i32
    "tpu.region"() ({
      %run_scoped3A_96 = tpu.sem_alloc : memref<!tpu.dma_semaphore, #tpu.memory_space<semaphore_mem>>
      %dma_start3A_97 = arith.constant 0 : i32
      %dma_start3A_98 = arith.constant 0 : i32
      %dma_start3A_99 = tpu.memref_slice %arg3[%run_scoped3A, %add3A, %run_scoped3A_69, %dma_start3A_97, %dma_start3A_98] : memref<2x32x2x40x125xi32, #tpu.memory_space<hbm>> -> memref<1x1x1x40x125xi32, #tpu.memory_space<hbm>>
      %dma_start3A_100 = tpu.memref_squeeze %dma_start3A_99 : memref<1x1x1x40x125xi32, #tpu.memory_space<hbm>> -> memref<40x125xi32, #tpu.memory_space<hbm>>
      %dma_start3A_101 = arith.constant 0 : i32
      %dma_start3A_102 = arith.constant 0 : i32
      %dma_start3A_103 = tpu.memref_slice %arg3[%run_scoped3A, %add3A, %run_scoped3A_69, %dma_start3A_101, %dma_start3A_102] : memref<2x32x2x40x125xi32, #tpu.memory_space<hbm>> -> memref<1x1x1x40x125xi32, #tpu.memory_space<hbm>>
      %dma_start3A_104 = tpu.memref_squeeze %dma_start3A_103 : memref<1x1x1x40x125xi32, #tpu.memory_space<hbm>> -> memref<40x125xi32, #tpu.memory_space<hbm>>
      tpu.enqueue_dma source(%dma_start3A_104 : memref<40x125xi32, #tpu.memory_space<hbm>>) target(%arg6 : memref<40x125xi32, #tpu.memory_space<vmem>>) target_semaphore(%run_scoped3A_96 : memref<!tpu.dma_semaphore, #tpu.memory_space<semaphore_mem>>)
      %dma_wait3A_105 = arith.constant 0 : i32
      %dma_wait3A_106 = arith.constant 0 : i32
      %dma_wait3A_107 = tpu.memref_slice %arg3[%run_scoped3A, %add3A, %run_scoped3A_69, %dma_wait3A_105, %dma_wait3A_106] : memref<2x32x2x40x125xi32, #tpu.memory_space<hbm>> -> memref<1x1x1x40x125xi32, #tpu.memory_space<hbm>>
      %dma_wait3A_108 = tpu.memref_squeeze %dma_wait3A_107 : memref<1x1x1x40x125xi32, #tpu.memory_space<hbm>> -> memref<40x125xi32, #tpu.memory_space<hbm>>
      %dma_wait3A_109 = arith.constant 0 : i32
      %dma_wait3A_110 = arith.constant 0 : i32
      %dma_wait3A_111 = tpu.memref_slice %arg3[%run_scoped3A, %add3A, %run_scoped3A_69, %dma_wait3A_109, %dma_wait3A_110] : memref<2x32x2x40x125xi32, #tpu.memory_space<hbm>> -> memref<1x1x1x40x125xi32, #tpu.memory_space<hbm>>
      %dma_wait3A_112 = tpu.memref_squeeze %dma_wait3A_111 : memref<1x1x1x40x125xi32, #tpu.memory_space<hbm>> -> memref<40x125xi32, #tpu.memory_space<hbm>>
      tpu.wait_dma2 semaphore(%run_scoped3A_96 : memref<!tpu.dma_semaphore, #tpu.memory_space<semaphore_mem>>) src(%dma_wait3A_112 : memref<40x125xi32, #tpu.memory_space<hbm>>) dst(%arg6 : memref<40x125xi32, #tpu.memory_space<vmem>>)
      tpu.yield
    }) : () -> ()
    %run_scoped3A_70 = arith.constant 1 : i32
    %run_scoped3A_71 = arith.constant 1 : i32
    "tpu.region"() ({
      %run_scoped3A_96 = tpu.sem_alloc : memref<!tpu.dma_semaphore, #tpu.memory_space<semaphore_mem>>
      %dma_start3A_97 = arith.constant 0 : i32
      %dma_start3A_98 = arith.constant 0 : i32
      %dma_start3A_99 = tpu.memref_slice %arg3[%run_scoped3A_70, %add3A, %run_scoped3A_71, %dma_start3A_97, %dma_start3A_98] : memref<2x32x2x40x125xi32, #tpu.memory_space<hbm>> -> memref<1x1x1x40x125xi32, #tpu.memory_space<hbm>>
      %dma_start3A_100 = tpu.memref_squeeze %dma_start3A_99 : memref<1x1x1x40x125xi32, #tpu.memory_space<hbm>> -> memref<40x125xi32, #tpu.memory_space<hbm>>
      %dma_start3A_101 = arith.constant 0 : i32
      %dma_start3A_102 = arith.constant 0 : i32
      %dma_start3A_103 = tpu.memref_slice %arg3[%run_scoped3A_70, %add3A, %run_scoped3A_71, %dma_start3A_101, %dma_start3A_102] : memref<2x32x2x40x125xi32, #tpu.memory_space<hbm>> -> memref<1x1x1x40x125xi32, #tpu.memory_space<hbm>>
      %dma_start3A_104 = tpu.memref_squeeze %dma_start3A_103 : memref<1x1x1x40x125xi32, #tpu.memory_space<hbm>> -> memref<40x125xi32, #tpu.memory_space<hbm>>
      tpu.enqueue_dma source(%dma_start3A_104 : memref<40x125xi32, #tpu.memory_space<hbm>>) target(%arg7 : memref<40x125xi32, #tpu.memory_space<vmem>>) target_semaphore(%run_scoped3A_96 : memref<!tpu.dma_semaphore, #tpu.memory_space<semaphore_mem>>)
      %dma_wait3A_105 = arith.constant 0 : i32
      %dma_wait3A_106 = arith.constant 0 : i32
      %dma_wait3A_107 = tpu.memref_slice %arg3[%run_scoped3A_70, %add3A, %run_scoped3A_71, %dma_wait3A_105, %dma_wait3A_106] : memref<2x32x2x40x125xi32, #tpu.memory_space<hbm>> -> memref<1x1x1x40x125xi32, #tpu.memory_space<hbm>>
      %dma_wait3A_108 = tpu.memref_squeeze %dma_wait3A_107 : memref<1x1x1x40x125xi32, #tpu.memory_space<hbm>> -> memref<40x125xi32, #tpu.memory_space<hbm>>
      %dma_wait3A_109 = arith.constant 0 : i32
      %dma_wait3A_110 = arith.constant 0 : i32
      %dma_wait3A_111 = tpu.memref_slice %arg3[%run_scoped3A_70, %add3A, %run_scoped3A_71, %dma_wait3A_109, %dma_wait3A_110] : memref<2x32x2x40x125xi32, #tpu.memory_space<hbm>> -> memref<1x1x1x40x125xi32, #tpu.memory_space<hbm>>
      %dma_wait3A_112 = tpu.memref_squeeze %dma_wait3A_111 : memref<1x1x1x40x125xi32, #tpu.memory_space<hbm>> -> memref<40x125xi32, #tpu.memory_space<hbm>>
      tpu.wait_dma2 semaphore(%run_scoped3A_96 : memref<!tpu.dma_semaphore, #tpu.memory_space<semaphore_mem>>) src(%dma_wait3A_112 : memref<40x125xi32, #tpu.memory_space<hbm>>) dst(%arg7 : memref<40x125xi32, #tpu.memory_space<vmem>>)
      tpu.yield
    }) : () -> ()
    %dma_start3A_72 = arith.constant 0 : i32
    %dma_start3A_73 = arith.constant 0 : i32
    %dma_start3A_74 = tpu.memref_slice %arg6[%dma_start3A_72, %dma_start3A_73] : memref<40x125xi32, #tpu.memory_space<vmem>> -> memref<1x125xi32, #tpu.memory_space<vmem>>
    %dma_start3A_75 = tpu.memref_squeeze %dma_start3A_74 : memref<1x125xi32, #tpu.memory_space<vmem>> -> memref<125xi32, #tpu.memory_space<vmem>>
    %dma_start3A_76 = arith.constant 0 : i32
    %dma_start3A_77 = arith.constant 0 : i32
    %dma_start3A_78 = tpu.memref_slice %arg2[%dma_start3A_76, %dma_start3A_77] : memref<10000x128xf32, #tpu.memory_space<hbm>> -> memref<10000x128xf32, #tpu.memory_space<hbm>>
    tpu.enqueue_indirect_dma source(%dma_start3A_78 : memref<10000x128xf32, #tpu.memory_space<hbm>>) target(%arg8 : memref<125x128xf32, #tpu.memory_space<vmem>>) offsets(%dma_start3A_75 : memref<125xi32, #tpu.memory_space<vmem>>) semaphore(%arg11 : memref<!tpu.dma_semaphore, #tpu.memory_space<semaphore_mem>>)
    %scan3A_79 = arith.constant 0 : i32
    %scan3A_80 = arith.constant 0 : i32
    %scan3A_81 = arith.constant 20 : i32
    %scan3A_82 = arith.addi %scan3A_80, %scan3A_81 : i32
    %scan3A_83 = arith.constant 1 : i32
    scf.for %scan3A_96 = %scan3A_80 to %scan3A_82 step %scan3A_83  : i32 {
      %mul3A_97 = arith.constant 2 : i32
      %mul3A_98 = arith.muli %scan3A_96, %mul3A_97 : i32
      %add3A_99 = arith.constant 1 : i32
      %add3A_100 = arith.addi %mul3A_98, %add3A_99 : i32
      %dma_start3A_101 = arith.constant 0 : i32
      %dma_start3A_102 = tpu.memref_slice %arg6[%add3A_100, %dma_start3A_101] : memref<40x125xi32, #tpu.memory_space<vmem>> -> memref<1x125xi32, #tpu.memory_space<vmem>>
      %dma_start3A_103 = tpu.memref_squeeze %dma_start3A_102 : memref<1x125xi32, #tpu.memory_space<vmem>> -> memref<125xi32, #tpu.memory_space<vmem>>
      %dma_start3A_104 = arith.constant 0 : i32
      %dma_start3A_105 = arith.constant 0 : i32
      %dma_start3A_106 = tpu.memref_slice %arg2[%dma_start3A_104, %dma_start3A_105] : memref<10000x128xf32, #tpu.memory_space<hbm>> -> memref<10000x128xf32, #tpu.memory_space<hbm>>
      tpu.enqueue_indirect_dma source(%dma_start3A_106 : memref<10000x128xf32, #tpu.memory_space<hbm>>) target(%arg9 : memref<125x128xf32, #tpu.memory_space<vmem>>) offsets(%dma_start3A_103 : memref<125xi32, #tpu.memory_space<vmem>>) semaphore(%arg12 : memref<!tpu.dma_semaphore, #tpu.memory_space<semaphore_mem>>)
      %dma_wait3A_107 = arith.constant 0 : i32
      %dma_wait3A_108 = tpu.memref_slice %arg6[%mul3A_98, %dma_wait3A_107] : memref<40x125xi32, #tpu.memory_space<vmem>> -> memref<1x125xi32, #tpu.memory_space<vmem>>
      %dma_wait3A_109 = tpu.memref_squeeze %dma_wait3A_108 : memref<1x125xi32, #tpu.memory_space<vmem>> -> memref<125xi32, #tpu.memory_space<vmem>>
      %dma_wait3A_110 = arith.constant 0 : i32
      %dma_wait3A_111 = arith.constant 0 : i32
      %dma_wait3A_112 = tpu.memref_slice %arg2[%dma_wait3A_110, %dma_wait3A_111] : memref<10000x128xf32, #tpu.memory_space<hbm>> -> memref<10000x128xf32, #tpu.memory_space<hbm>>
      tpu.wait_indirect_dma semaphore(%arg11 : memref<!tpu.dma_semaphore, #tpu.memory_space<semaphore_mem>>) src(%dma_wait3A_112 : memref<10000x128xf32, #tpu.memory_space<hbm>>) dst(%arg8 : memref<125x128xf32, #tpu.memory_space<vmem>>)
      "tpu.region"() ({
        %run_scoped3A_130 = tpu.sem_alloc : memref<!tpu.dma_semaphore, #tpu.memory_space<semaphore_mem>>
        %dma_start3A_131 = arith.constant 0 : i32
        %dma_start3A_132 = tpu.memref_slice %arg7[%mul3A_98, %dma_start3A_131] : memref<40x125xi32, #tpu.memory_space<vmem>> -> memref<1x125xi32, #tpu.memory_space<vmem>>
        %dma_start3A_133 = tpu.memref_squeeze %dma_start3A_132 : memref<1x125xi32, #tpu.memory_space<vmem>> -> memref<125xi32, #tpu.memory_space<vmem>>
        %dma_start3A_134 = arith.constant 0 : i32
        %dma_start3A_135 = arith.constant 0 : i32
        %dma_start3A_136 = tpu.memref_slice %arg10[%dma_start3A_134, %dma_start3A_135] : memref<10000x128xf32, #tpu.memory_space<vmem_shared>> -> memref<10000x128xf32, #tpu.memory_space<vmem_shared>>
        tpu.enqueue_indirect_dma source(%arg8 : memref<125x128xf32, #tpu.memory_space<vmem>>) target(%dma_start3A_136 : memref<10000x128xf32, #tpu.memory_space<vmem_shared>>) offsets(%dma_start3A_133 : memref<125xi32, #tpu.memory_space<vmem>>) semaphore(%run_scoped3A_130 : memref<!tpu.dma_semaphore, #tpu.memory_space<semaphore_mem>>) {add = true}
        %dma_wait3A_137 = arith.constant 0 : i32
        %dma_wait3A_138 = tpu.memref_slice %arg7[%mul3A_98, %dma_wait3A_137] : memref<40x125xi32, #tpu.memory_space<vmem>> -> memref<1x125xi32, #tpu.memory_space<vmem>>
        %dma_wait3A_139 = tpu.memref_squeeze %dma_wait3A_138 : memref<1x125xi32, #tpu.memory_space<vmem>> -> memref<125xi32, #tpu.memory_space<vmem>>
        %dma_wait3A_140 = arith.constant 0 : i32
        %dma_wait3A_141 = arith.constant 0 : i32
        %dma_wait3A_142 = tpu.memref_slice %arg10[%dma_wait3A_140, %dma_wait3A_141] : memref<10000x128xf32, #tpu.memory_space<vmem_shared>> -> memref<10000x128xf32, #tpu.memory_space<vmem_shared>>
        tpu.wait_indirect_dma semaphore(%run_scoped3A_130 : memref<!tpu.dma_semaphore, #tpu.memory_space<semaphore_mem>>) src(%arg8 : memref<125x128xf32, #tpu.memory_space<vmem>>) dst(%dma_wait3A_142 : memref<10000x128xf32, #tpu.memory_space<vmem_shared>>)
        tpu.yield
      }) : () -> ()
      %add3A_113 = arith.constant 2 : i32
      %add3A_114 = arith.addi %mul3A_98, %add3A_113 : i32
      %lt3A_115 = arith.constant 40 : i32
      %lt3A_116 = arith.cmpi slt, %add3A_114, %lt3A_115 : i32
      %convert_element_type3A_117 = arith.extui %lt3A_116 : i1 to i32
      %cond3A_118 = arith.constant 0 : i32
      %cond3A_119 = arith.cmpi ne, %convert_element_type3A_117, %cond3A_118 : i32
      scf.if %cond3A_119 {
        %add3A_130 = arith.constant 2 : i32
        %add3A_131 = arith.addi %mul3A_98, %add3A_130 : i32
        %dma_start3A_132 = arith.constant 0 : i32
        %dma_start3A_133 = tpu.memref_slice %arg6[%add3A_131, %dma_start3A_132] : memref<40x125xi32, #tpu.memory_space<vmem>> -> memref<1x125xi32, #tpu.memory_space<vmem>>
        %dma_start3A_134 = tpu.memref_squeeze %dma_start3A_133 : memref<1x125xi32, #tpu.memory_space<vmem>> -> memref<125xi32, #tpu.memory_space<vmem>>
        %dma_start3A_135 = arith.constant 0 : i32
        %dma_start3A_136 = arith.constant 0 : i32
        %dma_start3A_137 = tpu.memref_slice %arg2[%dma_start3A_135, %dma_start3A_136] : memref<10000x128xf32, #tpu.memory_space<hbm>> -> memref<10000x128xf32, #tpu.memory_space<hbm>>
        tpu.enqueue_indirect_dma source(%dma_start3A_137 : memref<10000x128xf32, #tpu.memory_space<hbm>>) target(%arg8 : memref<125x128xf32, #tpu.memory_space<vmem>>) offsets(%dma_start3A_134 : memref<125xi32, #tpu.memory_space<vmem>>) semaphore(%arg11 : memref<!tpu.dma_semaphore, #tpu.memory_space<semaphore_mem>>)
      } else {
      }
      %add3A_120 = arith.constant 1 : i32
      %add3A_121 = arith.addi %mul3A_98, %add3A_120 : i32
      %dma_wait3A_122 = arith.constant 0 : i32
      %dma_wait3A_123 = tpu.memref_slice %arg6[%add3A_121, %dma_wait3A_122] : memref<40x125xi32, #tpu.memory_space<vmem>> -> memref<1x125xi32, #tpu.memory_space<vmem>>
      %dma_wait3A_124 = tpu.memref_squeeze %dma_wait3A_123 : memref<1x125xi32, #tpu.memory_space<vmem>> -> memref<125xi32, #tpu.memory_space<vmem>>
      %dma_wait3A_125 = arith.constant 0 : i32
      %dma_wait3A_126 = arith.constant 0 : i32
      %dma_wait3A_127 = tpu.memref_slice %arg2[%dma_wait3A_125, %dma_wait3A_126] : memref<10000x128xf32, #tpu.memory_space<hbm>> -> memref<10000x128xf32, #tpu.memory_space<hbm>>
      tpu.wait_indirect_dma semaphore(%arg12 : memref<!tpu.dma_semaphore, #tpu.memory_space<semaphore_mem>>) src(%dma_wait3A_127 : memref<10000x128xf32, #tpu.memory_space<hbm>>) dst(%arg9 : memref<125x128xf32, #tpu.memory_space<vmem>>)
      %add3A_128 = arith.constant 1 : i32
      %add3A_129 = arith.addi %mul3A_98, %add3A_128 : i32
      "tpu.region"() ({
        %run_scoped3A_130 = tpu.sem_alloc : memref<!tpu.dma_semaphore, #tpu.memory_space<semaphore_mem>>
        %dma_start3A_131 = arith.constant 0 : i32
        %dma_start3A_132 = tpu.memref_slice %arg7[%add3A_129, %dma_start3A_131] : memref<40x125xi32, #tpu.memory_space<vmem>> -> memref<1x125xi32, #tpu.memory_space<vmem>>
        %dma_start3A_133 = tpu.memref_squeeze %dma_start3A_132 : memref<1x125xi32, #tpu.memory_space<vmem>> -> memref<125xi32, #tpu.memory_space<vmem>>
        %dma_start3A_134 = arith.constant 0 : i32
        %dma_start3A_135 = arith.constant 0 : i32
        %dma_start3A_136 = tpu.memref_slice %arg10[%dma_start3A_134, %dma_start3A_135] : memref<10000x128xf32, #tpu.memory_space<vmem_shared>> -> memref<10000x128xf32, #tpu.memory_space<vmem_shared>>
        tpu.enqueue_indirect_dma source(%arg9 : memref<125x128xf32, #tpu.memory_space<vmem>>) target(%dma_start3A_136 : memref<10000x128xf32, #tpu.memory_space<vmem_shared>>) offsets(%dma_start3A_133 : memref<125xi32, #tpu.memory_space<vmem>>) semaphore(%run_scoped3A_130 : memref<!tpu.dma_semaphore, #tpu.memory_space<semaphore_mem>>) {add = true}
        %dma_wait3A_137 = arith.constant 0 : i32
        %dma_wait3A_138 = tpu.memref_slice %arg7[%add3A_129, %dma_wait3A_137] : memref<40x125xi32, #tpu.memory_space<vmem>> -> memref<1x125xi32, #tpu.memory_space<vmem>>
        %dma_wait3A_139 = tpu.memref_squeeze %dma_wait3A_138 : memref<1x125xi32, #tpu.memory_space<vmem>> -> memref<125xi32, #tpu.memory_space<vmem>>
        %dma_wait3A_140 = arith.constant 0 : i32
        %dma_wait3A_141 = arith.constant 0 : i32
        %dma_wait3A_142 = tpu.memref_slice %arg10[%dma_wait3A_140, %dma_wait3A_141] : memref<10000x128xf32, #tpu.memory_space<vmem_shared>> -> memref<10000x128xf32, #tpu.memory_space<vmem_shared>>
        tpu.wait_indirect_dma semaphore(%run_scoped3A_130 : memref<!tpu.dma_semaphore, #tpu.memory_space<semaphore_mem>>) src(%arg9 : memref<125x128xf32, #tpu.memory_space<vmem>>) dst(%dma_wait3A_142 : memref<10000x128xf32, #tpu.memory_space<vmem_shared>>)
        tpu.yield
      }) : () -> ()
    }
    %scan3A_84 = arith.constant 20 : i32
    %barrier3A_85 = arith.constant 0 : index
    tpu.barrier barrier_id(%barrier3A_85)
    %lt3A_86 = arith.constant 15 : i32
    %lt3A_87 = arith.cmpi slt, %arg1, %lt3A_86 : i32
    %convert_element_type3A_88 = arith.extui %lt3A_87 : i1 to i32
    %cond3A_89 = arith.constant 0 : i32
    %cond3A_90 = arith.cmpi ne, %convert_element_type3A_88, %cond3A_89 : i32
    scf.if %cond3A_90 {
      "tpu.region"() ({
        %run_scoped3A_96 = tpu.sem_alloc : memref<!tpu.dma_semaphore, #tpu.memory_space<semaphore_mem>>
        %dma_start3A_97 = arith.constant 0 : i32
        %dma_start3A_98 = tpu.memref_slice %arg5[%arg0, %multiple_of3A, %dma_start3A_97] : memref<2x10000x128xf32, #tpu.memory_space<hbm>> -> memref<1x624x128xf32, #tpu.memory_space<hbm>>
        %dma_start3A_99 = tpu.memref_squeeze %dma_start3A_98 : memref<1x624x128xf32, #tpu.memory_space<hbm>> -> memref<624x128xf32, #tpu.memory_space<hbm>>
        %dma_start3A_100 = arith.constant 0 : i32
        %dma_start3A_101 = tpu.memref_slice %arg10[%multiple_of3A, %dma_start3A_100] : memref<10000x128xf32, #tpu.memory_space<vmem_shared>> -> memref<624x128xf32, #tpu.memory_space<vmem_shared>>
        tpu.enqueue_dma source(%dma_start3A_101 : memref<624x128xf32, #tpu.memory_space<vmem_shared>>) target(%dma_start3A_99 : memref<624x128xf32, #tpu.memory_space<hbm>>) target_semaphore(%run_scoped3A_96 : memref<!tpu.dma_semaphore, #tpu.memory_space<semaphore_mem>>)
        %dma_wait3A_102 = arith.constant 0 : i32
        %dma_wait3A_103 = tpu.memref_slice %arg5[%arg0, %multiple_of3A, %dma_wait3A_102] : memref<2x10000x128xf32, #tpu.memory_space<hbm>> -> memref<1x624x128xf32, #tpu.memory_space<hbm>>
        %dma_wait3A_104 = tpu.memref_squeeze %dma_wait3A_103 : memref<1x624x128xf32, #tpu.memory_space<hbm>> -> memref<624x128xf32, #tpu.memory_space<hbm>>
        %dma_wait3A_105 = arith.constant 0 : i32
        %dma_wait3A_106 = tpu.memref_slice %arg10[%multiple_of3A, %dma_wait3A_105] : memref<10000x128xf32, #tpu.memory_space<vmem_shared>> -> memref<624x128xf32, #tpu.memory_space<vmem_shared>>
        tpu.wait_dma2 semaphore(%run_scoped3A_96 : memref<!tpu.dma_semaphore, #tpu.memory_space<semaphore_mem>>) src(%dma_wait3A_106 : memref<624x128xf32, #tpu.memory_space<vmem_shared>>) dst(%dma_wait3A_104 : memref<624x128xf32, #tpu.memory_space<hbm>>)
        tpu.yield
      }) : () -> ()
    } else {
    }
    %eq3A_91 = arith.constant 15 : i32
    %eq3A_92 = arith.cmpi eq, %arg1, %eq3A_91 : i32
    %convert_element_type3A_93 = arith.extui %eq3A_92 : i1 to i32
    %cond3A_94 = arith.constant 0 : i32
    %cond3A_95 = arith.cmpi ne, %convert_element_type3A_93, %cond3A_94 : i32
    scf.if %cond3A_95 {
      "tpu.region"() ({
        %run_scoped3A_96 = tpu.sem_alloc : memref<!tpu.dma_semaphore, #tpu.memory_space<semaphore_mem>>
        %dma_start3A_97 = arith.constant 9360 : i32
        %dma_start3A_98 = arith.constant 0 : i32
        %dma_start3A_99 = tpu.memref_slice %arg5[%arg0, %dma_start3A_97, %dma_start3A_98] : memref<2x10000x128xf32, #tpu.memory_space<hbm>> -> memref<1x640x128xf32, #tpu.memory_space<hbm>>
        %dma_start3A_100 = tpu.memref_squeeze %dma_start3A_99 : memref<1x640x128xf32, #tpu.memory_space<hbm>> -> memref<640x128xf32, #tpu.memory_space<hbm>>
        %dma_start3A_101 = arith.constant 9360 : i32
        %dma_start3A_102 = arith.constant 0 : i32
        %dma_start3A_103 = tpu.memref_slice %arg10[%dma_start3A_101, %dma_start3A_102] : memref<10000x128xf32, #tpu.memory_space<vmem_shared>> -> memref<640x128xf32, #tpu.memory_space<vmem_shared>>
        tpu.enqueue_dma source(%dma_start3A_103 : memref<640x128xf32, #tpu.memory_space<vmem_shared>>) target(%dma_start3A_100 : memref<640x128xf32, #tpu.memory_space<hbm>>) target_semaphore(%run_scoped3A_96 : memref<!tpu.dma_semaphore, #tpu.memory_space<semaphore_mem>>)
        %dma_wait3A_104 = arith.constant 9360 : i32
        %dma_wait3A_105 = arith.constant 0 : i32
        %dma_wait3A_106 = tpu.memref_slice %arg5[%arg0, %dma_wait3A_104, %dma_wait3A_105] : memref<2x10000x128xf32, #tpu.memory_space<hbm>> -> memref<1x640x128xf32, #tpu.memory_space<hbm>>
        %dma_wait3A_107 = tpu.memref_squeeze %dma_wait3A_106 : memref<1x640x128xf32, #tpu.memory_space<hbm>> -> memref<640x128xf32, #tpu.memory_space<hbm>>
        %dma_wait3A_108 = arith.constant 9360 : i32
        %dma_wait3A_109 = arith.constant 0 : i32
        %dma_wait3A_110 = tpu.memref_slice %arg10[%dma_wait3A_108, %dma_wait3A_109] : memref<10000x128xf32, #tpu.memory_space<vmem_shared>> -> memref<640x128xf32, #tpu.memory_space<vmem_shared>>
        tpu.wait_dma2 semaphore(%run_scoped3A_96 : memref<!tpu.dma_semaphore, #tpu.memory_space<semaphore_mem>>) src(%dma_wait3A_110 : memref<640x128xf32, #tpu.memory_space<vmem_shared>>) dst(%dma_wait3A_107 : memref<640x128xf32, #tpu.memory_space<hbm>>)
        tpu.yield
      }) : () -> ()
    } else {
    }
    return
  }
}

#map = affine_map<(d0, d1) -> (0, 0)>
#map1 = affine_map<(d0, d1) -> (0, 0, 0, 0, 0)>
#map2 = affine_map<(d0, d1) -> (0, 0, 0)>
module attributes {stable_mosaic.version = 14 : i64} {
  func.func @agg_kernel(%arg0: i32, %arg1: i32, %arg2: memref<10000x128xf32, #tpu.memory_space<hbm>>, %arg3: memref<2x32x2x40x125xi32, #tpu.memory_space<hbm>>, %arg4: memref<10000x128xf32, #tpu.memory_space<hbm>>, %arg5: memref<2x10000x128xf32, #tpu.memory_space<hbm>>, %arg6: memref<40x125xi32, #tpu.memory_space<vmem>>, %arg7: memref<40x125xi32, #tpu.memory_space<vmem>>, %arg8: memref<125x128xf32, #tpu.memory_space<vmem>>, %arg9: memref<125x128xf32, #tpu.memory_space<vmem>>, %arg10: memref<10000x128xf32, #tpu.memory_space<vmem_shared>>, %arg11: memref<!tpu.dma_semaphore, #tpu.memory_space<semaphore_mem>>, %arg12: memref<!tpu.dma_semaphore, #tpu.memory_space<semaphore_mem>>, %arg13: memref<!tpu.dma_semaphore, #tpu.memory_space<semaphore_mem>>) attributes {dimension_semantics = [#tpu.dimension_semantics<core_parallel>, #tpu.dimension_semantics<subcore_parallel>], iteration_bounds = array<i64: 2, 16>, scalar_prefetch = 0 : i64, scratch_operands = 8 : i64, tpu.core_type = #tpu.core_type<sc_vector_subcore>, window_params = [{transform_indices = #map}, {transform_indices = #map1}, {transform_indices = #map}, {transform_indices = #map2}]} {
    %mul3A = arith.constant 2 : i32
    %mul3A_0 = arith.muli %arg1, %mul3A : i32
    %add3A = arith.addi %mul3A_0, %arg0 : i32
    %mul3A_1 = arith.constant 624 : i32
    %mul3A_2 = arith.muli %arg1, %mul3A_1 : i32
    %multiple_of3A = tpu.assume_multiple %mul3A_2, 8 : i32
    %lt3A = arith.constant 15 : i32
    %lt3A_3 = arith.cmpi slt, %arg1, %lt3A : i32
    %convert_element_type3A = arith.extui %lt3A_3 : i1 to i32
    %cond3A = arith.constant 0 : i32
    %cond3A_4 = arith.cmpi ne, %convert_element_type3A, %cond3A : i32
    scf.if %cond3A_4 {
      %dma_start3A_96 = arith.constant 0 : i32
      %dma_start3A_97 = tpu.memref_slice %arg10[%multiple_of3A, %dma_start3A_96] : memref<10000x128xf32, #tpu.memory_space<vmem_shared>> -> memref<624x128xf32, #tpu.memory_space<vmem_shared>>
      %dma_start3A_98 = arith.constant 0 : i32
      %dma_start3A_99 = tpu.memref_slice %arg4[%multiple_of3A, %dma_start3A_98] : memref<10000x128xf32, #tpu.memory_space<hbm>> -> memref<624x128xf32, #tpu.memory_space<hbm>>
      tpu.enqueue_dma source(%dma_start3A_99 : memref<624x128xf32, #tpu.memory_space<hbm>>) target(%dma_start3A_97 : memref<624x128xf32, #tpu.memory_space<vmem_shared>>) target_semaphore(%arg13 : memref<!tpu.dma_semaphore, #tpu.memory_space<semaphore_mem>>)
    } else {
    }
    %eq3A = arith.constant 15 : i32
    %eq3A_5 = arith.cmpi eq, %arg1, %eq3A : i32
    %convert_element_type3A_6 = arith.extui %eq3A_5 : i1 to i32
    %cond3A_7 = arith.constant 0 : i32
    %cond3A_8 = arith.cmpi ne, %convert_element_type3A_6, %cond3A_7 : i32
    scf.if %cond3A_8 {
      %dma_start3A_96 = arith.constant 9360 : i32
      %dma_start3A_97 = arith.constant 0 : i32
      %dma_start3A_98 = tpu.memref_slice %arg10[%dma_start3A_96, %dma_start3A_97] : memref<10000x128xf32, #tpu.memory_space<vmem_shared>> -> memref<640x128xf32, #tpu.memory_space<vmem_shared>>
      %dma_start3A_99 = arith.constant 9360 : i32
      %dma_start3A_100 = arith.constant 0 : i32
      %dma_start3A_101 = tpu.memref_slice %arg4[%dma_start3A_99, %dma_start3A_100] : memref<10000x128xf32, #tpu.memory_space<hbm>> -> memref<640x128xf32, #tpu.memory_space<hbm>>
      tpu.enqueue_dma source(%dma_start3A_101 : memref<640x128xf32, #tpu.memory_space<hbm>>) target(%dma_start3A_98 : memref<640x128xf32, #tpu.memory_space<vmem_shared>>) target_semaphore(%arg13 : memref<!tpu.dma_semaphore, #tpu.memory_space<semaphore_mem>>)
    } else {
    }
    %dma_start3A = arith.constant 0 : i32
    %dma_start3A_9 = arith.constant 0 : i32
    %dma_start3A_10 = arith.constant 0 : i32
    %dma_start3A_11 = arith.constant 0 : i32
    %dma_start3A_12 = tpu.memref_slice %arg3[%dma_start3A, %add3A, %dma_start3A_9, %dma_start3A_10, %dma_start3A_11] : memref<2x32x2x40x125xi32, #tpu.memory_space<hbm>> -> memref<1x1x1x40x125xi32, #tpu.memory_space<hbm>>
    %dma_start3A_13 = tpu.memref_squeeze %dma_start3A_12 : memref<1x1x1x40x125xi32, #tpu.memory_space<hbm>> -> memref<40x125xi32, #tpu.memory_space<hbm>>
    %dma_start3A_14 = arith.constant 0 : i32
    %dma_start3A_15 = arith.constant 0 : i32
    %dma_start3A_16 = tpu.memref_slice %arg3[%dma_start3A, %add3A, %dma_start3A_9, %dma_start3A_14, %dma_start3A_15] : memref<2x32x2x40x125xi32, #tpu.memory_space<hbm>> -> memref<1x1x1x40x125xi32, #tpu.memory_space<hbm>>
    %dma_start3A_17 = tpu.memref_squeeze %dma_start3A_16 : memref<1x1x1x40x125xi32, #tpu.memory_space<hbm>> -> memref<40x125xi32, #tpu.memory_space<hbm>>
    tpu.enqueue_dma source(%dma_start3A_17 : memref<40x125xi32, #tpu.memory_space<hbm>>) target(%arg6 : memref<40x125xi32, #tpu.memory_space<vmem>>) target_semaphore(%arg11 : memref<!tpu.dma_semaphore, #tpu.memory_space<semaphore_mem>>)
    %dma_start3A_18 = arith.constant 1 : i32
    %dma_start3A_19 = arith.constant 0 : i32
    %dma_start3A_20 = arith.constant 0 : i32
    %dma_start3A_21 = arith.constant 0 : i32
    %dma_start3A_22 = tpu.memref_slice %arg3[%dma_start3A_18, %add3A, %dma_start3A_19, %dma_start3A_20, %dma_start3A_21] : memref<2x32x2x40x125xi32, #tpu.memory_space<hbm>> -> memref<1x1x1x40x125xi32, #tpu.memory_space<hbm>>
    %dma_start3A_23 = tpu.memref_squeeze %dma_start3A_22 : memref<1x1x1x40x125xi32, #tpu.memory_space<hbm>> -> memref<40x125xi32, #tpu.memory_space<hbm>>
    %dma_start3A_24 = arith.constant 0 : i32
    %dma_start3A_25 = arith.constant 0 : i32
    %dma_start3A_26 = tpu.memref_slice %arg3[%dma_start3A_18, %add3A, %dma_start3A_19, %dma_start3A_24, %dma_start3A_25] : memref<2x32x2x40x125xi32, #tpu.memory_space<hbm>> -> memref<1x1x1x40x125xi32, #tpu.memory_space<hbm>>
    %dma_start3A_27 = tpu.memref_squeeze %dma_start3A_26 : memref<1x1x1x40x125xi32, #tpu.memory_space<hbm>> -> memref<40x125xi32, #tpu.memory_space<hbm>>
    tpu.enqueue_dma source(%dma_start3A_27 : memref<40x125xi32, #tpu.memory_space<hbm>>) target(%arg7 : memref<40x125xi32, #tpu.memory_space<vmem>>) target_semaphore(%arg12 : memref<!tpu.dma_semaphore, #tpu.memory_space<semaphore_mem>>)
    %dma_wait3A = arith.constant 0 : i32
    %dma_wait3A_28 = arith.constant 0 : i32
    %dma_wait3A_29 = arith.constant 0 : i32
    %dma_wait3A_30 = arith.constant 0 : i32
    %dma_wait3A_31 = tpu.memref_slice %arg3[%dma_wait3A, %add3A, %dma_wait3A_28, %dma_wait3A_29, %dma_wait3A_30] : memref<2x32x2x40x125xi32, #tpu.memory_space<hbm>> -> memref<1x1x1x40x125xi32, #tpu.memory_space<hbm>>
    %dma_wait3A_32 = tpu.memref_squeeze %dma_wait3A_31 : memref<1x1x1x40x125xi32, #tpu.memory_space<hbm>> -> memref<40x125xi32, #tpu.memory_space<hbm>>
    %dma_wait3A_33 = arith.constant 0 : i32
    %dma_wait3A_34 = arith.constant 0 : i32
    %dma_wait3A_35 = tpu.memref_slice %arg3[%dma_wait3A, %add3A, %dma_wait3A_28, %dma_wait3A_33, %dma_wait3A_34] : memref<2x32x2x40x125xi32, #tpu.memory_space<hbm>> -> memref<1x1x1x40x125xi32, #tpu.memory_space<hbm>>
    %dma_wait3A_36 = tpu.memref_squeeze %dma_wait3A_35 : memref<1x1x1x40x125xi32, #tpu.memory_space<hbm>> -> memref<40x125xi32, #tpu.memory_space<hbm>>
    tpu.wait_dma2 semaphore(%arg11 : memref<!tpu.dma_semaphore, #tpu.memory_space<semaphore_mem>>) src(%dma_wait3A_36 : memref<40x125xi32, #tpu.memory_space<hbm>>) dst(%arg6 : memref<40x125xi32, #tpu.memory_space<vmem>>)
    %dma_wait3A_37 = arith.constant 1 : i32
    %dma_wait3A_38 = arith.constant 0 : i32
    %dma_wait3A_39 = arith.constant 0 : i32
    %dma_wait3A_40 = arith.constant 0 : i32
    %dma_wait3A_41 = tpu.memref_slice %arg3[%dma_wait3A_37, %add3A, %dma_wait3A_38, %dma_wait3A_39, %dma_wait3A_40] : memref<2x32x2x40x125xi32, #tpu.memory_space<hbm>> -> memref<1x1x1x40x125xi32, #tpu.memory_space<hbm>>
    %dma_wait3A_42 = tpu.memref_squeeze %dma_wait3A_41 : memref<1x1x1x40x125xi32, #tpu.memory_space<hbm>> -> memref<40x125xi32, #tpu.memory_space<hbm>>
    %dma_wait3A_43 = arith.constant 0 : i32
    %dma_wait3A_44 = arith.constant 0 : i32
    %dma_wait3A_45 = tpu.memref_slice %arg3[%dma_wait3A_37, %add3A, %dma_wait3A_38, %dma_wait3A_43, %dma_wait3A_44] : memref<2x32x2x40x125xi32, #tpu.memory_space<hbm>> -> memref<1x1x1x40x125xi32, #tpu.memory_space<hbm>>
    %dma_wait3A_46 = tpu.memref_squeeze %dma_wait3A_45 : memref<1x1x1x40x125xi32, #tpu.memory_space<hbm>> -> memref<40x125xi32, #tpu.memory_space<hbm>>
    tpu.wait_dma2 semaphore(%arg12 : memref<!tpu.dma_semaphore, #tpu.memory_space<semaphore_mem>>) src(%dma_wait3A_46 : memref<40x125xi32, #tpu.memory_space<hbm>>) dst(%arg7 : memref<40x125xi32, #tpu.memory_space<vmem>>)
    %lt3A_47 = arith.constant 15 : i32
    %lt3A_48 = arith.cmpi slt, %arg1, %lt3A_47 : i32
    %convert_element_type3A_49 = arith.extui %lt3A_48 : i1 to i32
    %cond3A_50 = arith.constant 0 : i32
    %cond3A_51 = arith.cmpi ne, %convert_element_type3A_49, %cond3A_50 : i32
    scf.if %cond3A_51 {
      %dma_wait3A_96 = arith.constant 0 : i32
      %dma_wait3A_97 = tpu.memref_slice %arg10[%multiple_of3A, %dma_wait3A_96] : memref<10000x128xf32, #tpu.memory_space<vmem_shared>> -> memref<624x128xf32, #tpu.memory_space<vmem_shared>>
      %dma_wait3A_98 = arith.constant 0 : i32
      %dma_wait3A_99 = tpu.memref_slice %arg4[%multiple_of3A, %dma_wait3A_98] : memref<10000x128xf32, #tpu.memory_space<hbm>> -> memref<624x128xf32, #tpu.memory_space<hbm>>
      tpu.wait_dma2 semaphore(%arg13 : memref<!tpu.dma_semaphore, #tpu.memory_space<semaphore_mem>>) src(%dma_wait3A_99 : memref<624x128xf32, #tpu.memory_space<hbm>>) dst(%dma_wait3A_97 : memref<624x128xf32, #tpu.memory_space<vmem_shared>>)
    } else {
    }
    %eq3A_52 = arith.constant 15 : i32
    %eq3A_53 = arith.cmpi eq, %arg1, %eq3A_52 : i32
    %convert_element_type3A_54 = arith.extui %eq3A_53 : i1 to i32
    %cond3A_55 = arith.constant 0 : i32
    %cond3A_56 = arith.cmpi ne, %convert_element_type3A_54, %cond3A_55 : i32
    scf.if %cond3A_56 {
      %dma_wait3A_96 = arith.constant 9360 : i32
      %dma_wait3A_97 = arith.constant 0 : i32
      %dma_wait3A_98 = tpu.memref_slice %arg10[%dma_wait3A_96, %dma_wait3A_97] : memref<10000x128xf32, #tpu.memory_space<vmem_shared>> -> memref<640x128xf32, #tpu.memory_space<vmem_shared>>
      %dma_wait3A_99 = arith.constant 9360 : i32
      %dma_wait3A_100 = arith.constant 0 : i32
      %dma_wait3A_101 = tpu.memref_slice %arg4[%dma_wait3A_99, %dma_wait3A_100] : memref<10000x128xf32, #tpu.memory_space<hbm>> -> memref<640x128xf32, #tpu.memory_space<hbm>>
      tpu.wait_dma2 semaphore(%arg13 : memref<!tpu.dma_semaphore, #tpu.memory_space<semaphore_mem>>) src(%dma_wait3A_101 : memref<640x128xf32, #tpu.memory_space<hbm>>) dst(%dma_wait3A_98 : memref<640x128xf32, #tpu.memory_space<vmem_shared>>)
    } else {
    }
    %barrier3A = arith.constant 0 : index
    tpu.barrier barrier_id(%barrier3A)
    %dma_start3A_57 = arith.constant 0 : i32
    %dma_start3A_58 = arith.constant 0 : i32
    %dma_start3A_59 = tpu.memref_slice %arg6[%dma_start3A_57, %dma_start3A_58] : memref<40x125xi32, #tpu.memory_space<vmem>> -> memref<1x125xi32, #tpu.memory_space<vmem>>
    %dma_start3A_60 = tpu.memref_squeeze %dma_start3A_59 : memref<1x125xi32, #tpu.memory_space<vmem>> -> memref<125xi32, #tpu.memory_space<vmem>>
    %dma_start3A_61 = arith.constant 0 : i32
    %dma_start3A_62 = arith.constant 0 : i32
    %dma_start3A_63 = tpu.memref_slice %arg2[%dma_start3A_61, %dma_start3A_62] : memref<10000x128xf32, #tpu.memory_space<hbm>> -> memref<10000x128xf32, #tpu.memory_space<hbm>>
    tpu.enqueue_indirect_dma source(%dma_start3A_63 : memref<10000x128xf32, #tpu.memory_space<hbm>>) target(%arg8 : memref<125x128xf32, #tpu.memory_space<vmem>>) offsets(%dma_start3A_60 : memref<125xi32, #tpu.memory_space<vmem>>) semaphore(%arg11 : memref<!tpu.dma_semaphore, #tpu.memory_space<semaphore_mem>>)
    %scan3A = arith.constant 0 : i32
    %scan3A_64 = arith.constant 0 : i32
    %scan3A_65 = arith.constant 20 : i32
    %scan3A_66 = arith.addi %scan3A_64, %scan3A_65 : i32
    %scan3A_67 = arith.constant 1 : i32
    scf.for %scan3A_96 = %scan3A_64 to %scan3A_66 step %scan3A_67  : i32 {
      %mul3A_97 = arith.constant 2 : i32
      %mul3A_98 = arith.muli %scan3A_96, %mul3A_97 : i32
      %add3A_99 = arith.constant 1 : i32
      %add3A_100 = arith.addi %mul3A_98, %add3A_99 : i32
      %dma_start3A_101 = arith.constant 0 : i32
      %dma_start3A_102 = tpu.memref_slice %arg6[%add3A_100, %dma_start3A_101] : memref<40x125xi32, #tpu.memory_space<vmem>> -> memref<1x125xi32, #tpu.memory_space<vmem>>
      %dma_start3A_103 = tpu.memref_squeeze %dma_start3A_102 : memref<1x125xi32, #tpu.memory_space<vmem>> -> memref<125xi32, #tpu.memory_space<vmem>>
      %dma_start3A_104 = arith.constant 0 : i32
      %dma_start3A_105 = arith.constant 0 : i32
      %dma_start3A_106 = tpu.memref_slice %arg2[%dma_start3A_104, %dma_start3A_105] : memref<10000x128xf32, #tpu.memory_space<hbm>> -> memref<10000x128xf32, #tpu.memory_space<hbm>>
      tpu.enqueue_indirect_dma source(%dma_start3A_106 : memref<10000x128xf32, #tpu.memory_space<hbm>>) target(%arg9 : memref<125x128xf32, #tpu.memory_space<vmem>>) offsets(%dma_start3A_103 : memref<125xi32, #tpu.memory_space<vmem>>) semaphore(%arg12 : memref<!tpu.dma_semaphore, #tpu.memory_space<semaphore_mem>>)
      %dma_wait3A_107 = arith.constant 0 : i32
      %dma_wait3A_108 = tpu.memref_slice %arg6[%mul3A_98, %dma_wait3A_107] : memref<40x125xi32, #tpu.memory_space<vmem>> -> memref<1x125xi32, #tpu.memory_space<vmem>>
      %dma_wait3A_109 = tpu.memref_squeeze %dma_wait3A_108 : memref<1x125xi32, #tpu.memory_space<vmem>> -> memref<125xi32, #tpu.memory_space<vmem>>
      %dma_wait3A_110 = arith.constant 0 : i32
      %dma_wait3A_111 = arith.constant 0 : i32
      %dma_wait3A_112 = tpu.memref_slice %arg2[%dma_wait3A_110, %dma_wait3A_111] : memref<10000x128xf32, #tpu.memory_space<hbm>> -> memref<10000x128xf32, #tpu.memory_space<hbm>>
      tpu.wait_indirect_dma semaphore(%arg11 : memref<!tpu.dma_semaphore, #tpu.memory_space<semaphore_mem>>) src(%dma_wait3A_112 : memref<10000x128xf32, #tpu.memory_space<hbm>>) dst(%arg8 : memref<125x128xf32, #tpu.memory_space<vmem>>)
      "tpu.region"() ({
        %run_scoped3A_130 = tpu.sem_alloc : memref<!tpu.dma_semaphore, #tpu.memory_space<semaphore_mem>>
        %dma_start3A_131 = arith.constant 0 : i32
        %dma_start3A_132 = tpu.memref_slice %arg7[%mul3A_98, %dma_start3A_131] : memref<40x125xi32, #tpu.memory_space<vmem>> -> memref<1x125xi32, #tpu.memory_space<vmem>>
        %dma_start3A_133 = tpu.memref_squeeze %dma_start3A_132 : memref<1x125xi32, #tpu.memory_space<vmem>> -> memref<125xi32, #tpu.memory_space<vmem>>
        %dma_start3A_134 = arith.constant 0 : i32
        %dma_start3A_135 = arith.constant 0 : i32
        %dma_start3A_136 = tpu.memref_slice %arg10[%dma_start3A_134, %dma_start3A_135] : memref<10000x128xf32, #tpu.memory_space<vmem_shared>> -> memref<10000x128xf32, #tpu.memory_space<vmem_shared>>
        tpu.enqueue_indirect_dma source(%arg8 : memref<125x128xf32, #tpu.memory_space<vmem>>) target(%dma_start3A_136 : memref<10000x128xf32, #tpu.memory_space<vmem_shared>>) offsets(%dma_start3A_133 : memref<125xi32, #tpu.memory_space<vmem>>) semaphore(%run_scoped3A_130 : memref<!tpu.dma_semaphore, #tpu.memory_space<semaphore_mem>>) {add = true}
        %dma_wait3A_137 = arith.constant 0 : i32
        %dma_wait3A_138 = tpu.memref_slice %arg7[%mul3A_98, %dma_wait3A_137] : memref<40x125xi32, #tpu.memory_space<vmem>> -> memref<1x125xi32, #tpu.memory_space<vmem>>
        %dma_wait3A_139 = tpu.memref_squeeze %dma_wait3A_138 : memref<1x125xi32, #tpu.memory_space<vmem>> -> memref<125xi32, #tpu.memory_space<vmem>>
        %dma_wait3A_140 = arith.constant 0 : i32
        %dma_wait3A_141 = arith.constant 0 : i32
        %dma_wait3A_142 = tpu.memref_slice %arg10[%dma_wait3A_140, %dma_wait3A_141] : memref<10000x128xf32, #tpu.memory_space<vmem_shared>> -> memref<10000x128xf32, #tpu.memory_space<vmem_shared>>
        tpu.wait_indirect_dma semaphore(%run_scoped3A_130 : memref<!tpu.dma_semaphore, #tpu.memory_space<semaphore_mem>>) src(%arg8 : memref<125x128xf32, #tpu.memory_space<vmem>>) dst(%dma_wait3A_142 : memref<10000x128xf32, #tpu.memory_space<vmem_shared>>)
        tpu.yield
      }) : () -> ()
      %add3A_113 = arith.constant 2 : i32
      %add3A_114 = arith.addi %mul3A_98, %add3A_113 : i32
      %lt3A_115 = arith.constant 40 : i32
      %lt3A_116 = arith.cmpi slt, %add3A_114, %lt3A_115 : i32
      %convert_element_type3A_117 = arith.extui %lt3A_116 : i1 to i32
      %cond3A_118 = arith.constant 0 : i32
      %cond3A_119 = arith.cmpi ne, %convert_element_type3A_117, %cond3A_118 : i32
      scf.if %cond3A_119 {
        %add3A_130 = arith.constant 2 : i32
        %add3A_131 = arith.addi %mul3A_98, %add3A_130 : i32
        %dma_start3A_132 = arith.constant 0 : i32
        %dma_start3A_133 = tpu.memref_slice %arg6[%add3A_131, %dma_start3A_132] : memref<40x125xi32, #tpu.memory_space<vmem>> -> memref<1x125xi32, #tpu.memory_space<vmem>>
        %dma_start3A_134 = tpu.memref_squeeze %dma_start3A_133 : memref<1x125xi32, #tpu.memory_space<vmem>> -> memref<125xi32, #tpu.memory_space<vmem>>
        %dma_start3A_135 = arith.constant 0 : i32
        %dma_start3A_136 = arith.constant 0 : i32
        %dma_start3A_137 = tpu.memref_slice %arg2[%dma_start3A_135, %dma_start3A_136] : memref<10000x128xf32, #tpu.memory_space<hbm>> -> memref<10000x128xf32, #tpu.memory_space<hbm>>
        tpu.enqueue_indirect_dma source(%dma_start3A_137 : memref<10000x128xf32, #tpu.memory_space<hbm>>) target(%arg8 : memref<125x128xf32, #tpu.memory_space<vmem>>) offsets(%dma_start3A_134 : memref<125xi32, #tpu.memory_space<vmem>>) semaphore(%arg11 : memref<!tpu.dma_semaphore, #tpu.memory_space<semaphore_mem>>)
      } else {
      }
      %add3A_120 = arith.constant 1 : i32
      %add3A_121 = arith.addi %mul3A_98, %add3A_120 : i32
      %dma_wait3A_122 = arith.constant 0 : i32
      %dma_wait3A_123 = tpu.memref_slice %arg6[%add3A_121, %dma_wait3A_122] : memref<40x125xi32, #tpu.memory_space<vmem>> -> memref<1x125xi32, #tpu.memory_space<vmem>>
      %dma_wait3A_124 = tpu.memref_squeeze %dma_wait3A_123 : memref<1x125xi32, #tpu.memory_space<vmem>> -> memref<125xi32, #tpu.memory_space<vmem>>
      %dma_wait3A_125 = arith.constant 0 : i32
      %dma_wait3A_126 = arith.constant 0 : i32
      %dma_wait3A_127 = tpu.memref_slice %arg2[%dma_wait3A_125, %dma_wait3A_126] : memref<10000x128xf32, #tpu.memory_space<hbm>> -> memref<10000x128xf32, #tpu.memory_space<hbm>>
      tpu.wait_indirect_dma semaphore(%arg12 : memref<!tpu.dma_semaphore, #tpu.memory_space<semaphore_mem>>) src(%dma_wait3A_127 : memref<10000x128xf32, #tpu.memory_space<hbm>>) dst(%arg9 : memref<125x128xf32, #tpu.memory_space<vmem>>)
      %add3A_128 = arith.constant 1 : i32
      %add3A_129 = arith.addi %mul3A_98, %add3A_128 : i32
      "tpu.region"() ({
        %run_scoped3A_130 = tpu.sem_alloc : memref<!tpu.dma_semaphore, #tpu.memory_space<semaphore_mem>>
        %dma_start3A_131 = arith.constant 0 : i32
        %dma_start3A_132 = tpu.memref_slice %arg7[%add3A_129, %dma_start3A_131] : memref<40x125xi32, #tpu.memory_space<vmem>> -> memref<1x125xi32, #tpu.memory_space<vmem>>
        %dma_start3A_133 = tpu.memref_squeeze %dma_start3A_132 : memref<1x125xi32, #tpu.memory_space<vmem>> -> memref<125xi32, #tpu.memory_space<vmem>>
        %dma_start3A_134 = arith.constant 0 : i32
        %dma_start3A_135 = arith.constant 0 : i32
        %dma_start3A_136 = tpu.memref_slice %arg10[%dma_start3A_134, %dma_start3A_135] : memref<10000x128xf32, #tpu.memory_space<vmem_shared>> -> memref<10000x128xf32, #tpu.memory_space<vmem_shared>>
        tpu.enqueue_indirect_dma source(%arg9 : memref<125x128xf32, #tpu.memory_space<vmem>>) target(%dma_start3A_136 : memref<10000x128xf32, #tpu.memory_space<vmem_shared>>) offsets(%dma_start3A_133 : memref<125xi32, #tpu.memory_space<vmem>>) semaphore(%run_scoped3A_130 : memref<!tpu.dma_semaphore, #tpu.memory_space<semaphore_mem>>) {add = true}
        %dma_wait3A_137 = arith.constant 0 : i32
        %dma_wait3A_138 = tpu.memref_slice %arg7[%add3A_129, %dma_wait3A_137] : memref<40x125xi32, #tpu.memory_space<vmem>> -> memref<1x125xi32, #tpu.memory_space<vmem>>
        %dma_wait3A_139 = tpu.memref_squeeze %dma_wait3A_138 : memref<1x125xi32, #tpu.memory_space<vmem>> -> memref<125xi32, #tpu.memory_space<vmem>>
        %dma_wait3A_140 = arith.constant 0 : i32
        %dma_wait3A_141 = arith.constant 0 : i32
        %dma_wait3A_142 = tpu.memref_slice %arg10[%dma_wait3A_140, %dma_wait3A_141] : memref<10000x128xf32, #tpu.memory_space<vmem_shared>> -> memref<10000x128xf32, #tpu.memory_space<vmem_shared>>
        tpu.wait_indirect_dma semaphore(%run_scoped3A_130 : memref<!tpu.dma_semaphore, #tpu.memory_space<semaphore_mem>>) src(%arg9 : memref<125x128xf32, #tpu.memory_space<vmem>>) dst(%dma_wait3A_142 : memref<10000x128xf32, #tpu.memory_space<vmem_shared>>)
        tpu.yield
      }) : () -> ()
    }
    %scan3A_68 = arith.constant 20 : i32
    %run_scoped3A = arith.constant 0 : i32
    %run_scoped3A_69 = arith.constant 1 : i32
    "tpu.region"() ({
      %run_scoped3A_96 = tpu.sem_alloc : memref<!tpu.dma_semaphore, #tpu.memory_space<semaphore_mem>>
      %dma_start3A_97 = arith.constant 0 : i32
      %dma_start3A_98 = arith.constant 0 : i32
      %dma_start3A_99 = tpu.memref_slice %arg3[%run_scoped3A, %add3A, %run_scoped3A_69, %dma_start3A_97, %dma_start3A_98] : memref<2x32x2x40x125xi32, #tpu.memory_space<hbm>> -> memref<1x1x1x40x125xi32, #tpu.memory_space<hbm>>
      %dma_start3A_100 = tpu.memref_squeeze %dma_start3A_99 : memref<1x1x1x40x125xi32, #tpu.memory_space<hbm>> -> memref<40x125xi32, #tpu.memory_space<hbm>>
      %dma_start3A_101 = arith.constant 0 : i32
      %dma_start3A_102 = arith.constant 0 : i32
      %dma_start3A_103 = tpu.memref_slice %arg3[%run_scoped3A, %add3A, %run_scoped3A_69, %dma_start3A_101, %dma_start3A_102] : memref<2x32x2x40x125xi32, #tpu.memory_space<hbm>> -> memref<1x1x1x40x125xi32, #tpu.memory_space<hbm>>
      %dma_start3A_104 = tpu.memref_squeeze %dma_start3A_103 : memref<1x1x1x40x125xi32, #tpu.memory_space<hbm>> -> memref<40x125xi32, #tpu.memory_space<hbm>>
      tpu.enqueue_dma source(%dma_start3A_104 : memref<40x125xi32, #tpu.memory_space<hbm>>) target(%arg6 : memref<40x125xi32, #tpu.memory_space<vmem>>) target_semaphore(%run_scoped3A_96 : memref<!tpu.dma_semaphore, #tpu.memory_space<semaphore_mem>>)
      %dma_wait3A_105 = arith.constant 0 : i32
      %dma_wait3A_106 = arith.constant 0 : i32
      %dma_wait3A_107 = tpu.memref_slice %arg3[%run_scoped3A, %add3A, %run_scoped3A_69, %dma_wait3A_105, %dma_wait3A_106] : memref<2x32x2x40x125xi32, #tpu.memory_space<hbm>> -> memref<1x1x1x40x125xi32, #tpu.memory_space<hbm>>
      %dma_wait3A_108 = tpu.memref_squeeze %dma_wait3A_107 : memref<1x1x1x40x125xi32, #tpu.memory_space<hbm>> -> memref<40x125xi32, #tpu.memory_space<hbm>>
      %dma_wait3A_109 = arith.constant 0 : i32
      %dma_wait3A_110 = arith.constant 0 : i32
      %dma_wait3A_111 = tpu.memref_slice %arg3[%run_scoped3A, %add3A, %run_scoped3A_69, %dma_wait3A_109, %dma_wait3A_110] : memref<2x32x2x40x125xi32, #tpu.memory_space<hbm>> -> memref<1x1x1x40x125xi32, #tpu.memory_space<hbm>>
      %dma_wait3A_112 = tpu.memref_squeeze %dma_wait3A_111 : memref<1x1x1x40x125xi32, #tpu.memory_space<hbm>> -> memref<40x125xi32, #tpu.memory_space<hbm>>
      tpu.wait_dma2 semaphore(%run_scoped3A_96 : memref<!tpu.dma_semaphore, #tpu.memory_space<semaphore_mem>>) src(%dma_wait3A_112 : memref<40x125xi32, #tpu.memory_space<hbm>>) dst(%arg6 : memref<40x125xi32, #tpu.memory_space<vmem>>)
      tpu.yield
    }) : () -> ()
    %run_scoped3A_70 = arith.constant 1 : i32
    %run_scoped3A_71 = arith.constant 1 : i32
    "tpu.region"() ({
      %run_scoped3A_96 = tpu.sem_alloc : memref<!tpu.dma_semaphore, #tpu.memory_space<semaphore_mem>>
      %dma_start3A_97 = arith.constant 0 : i32
      %dma_start3A_98 = arith.constant 0 : i32
      %dma_start3A_99 = tpu.memref_slice %arg3[%run_scoped3A_70, %add3A, %run_scoped3A_71, %dma_start3A_97, %dma_start3A_98] : memref<2x32x2x40x125xi32, #tpu.memory_space<hbm>> -> memref<1x1x1x40x125xi32, #tpu.memory_space<hbm>>
      %dma_start3A_100 = tpu.memref_squeeze %dma_start3A_99 : memref<1x1x1x40x125xi32, #tpu.memory_space<hbm>> -> memref<40x125xi32, #tpu.memory_space<hbm>>
      %dma_start3A_101 = arith.constant 0 : i32
      %dma_start3A_102 = arith.constant 0 : i32
      %dma_start3A_103 = tpu.memref_slice %arg3[%run_scoped3A_70, %add3A, %run_scoped3A_71, %dma_start3A_101, %dma_start3A_102] : memref<2x32x2x40x125xi32, #tpu.memory_space<hbm>> -> memref<1x1x1x40x125xi32, #tpu.memory_space<hbm>>
      %dma_start3A_104 = tpu.memref_squeeze %dma_start3A_103 : memref<1x1x1x40x125xi32, #tpu.memory_space<hbm>> -> memref<40x125xi32, #tpu.memory_space<hbm>>
      tpu.enqueue_dma source(%dma_start3A_104 : memref<40x125xi32, #tpu.memory_space<hbm>>) target(%arg7 : memref<40x125xi32, #tpu.memory_space<vmem>>) target_semaphore(%run_scoped3A_96 : memref<!tpu.dma_semaphore, #tpu.memory_space<semaphore_mem>>)
      %dma_wait3A_105 = arith.constant 0 : i32
      %dma_wait3A_106 = arith.constant 0 : i32
      %dma_wait3A_107 = tpu.memref_slice %arg3[%run_scoped3A_70, %add3A, %run_scoped3A_71, %dma_wait3A_105, %dma_wait3A_106] : memref<2x32x2x40x125xi32, #tpu.memory_space<hbm>> -> memref<1x1x1x40x125xi32, #tpu.memory_space<hbm>>
      %dma_wait3A_108 = tpu.memref_squeeze %dma_wait3A_107 : memref<1x1x1x40x125xi32, #tpu.memory_space<hbm>> -> memref<40x125xi32, #tpu.memory_space<hbm>>
      %dma_wait3A_109 = arith.constant 0 : i32
      %dma_wait3A_110 = arith.constant 0 : i32
      %dma_wait3A_111 = tpu.memref_slice %arg3[%run_scoped3A_70, %add3A, %run_scoped3A_71, %dma_wait3A_109, %dma_wait3A_110] : memref<2x32x2x40x125xi32, #tpu.memory_space<hbm>> -> memref<1x1x1x40x125xi32, #tpu.memory_space<hbm>>
      %dma_wait3A_112 = tpu.memref_squeeze %dma_wait3A_111 : memref<1x1x1x40x125xi32, #tpu.memory_space<hbm>> -> memref<40x125xi32, #tpu.memory_space<hbm>>
      tpu.wait_dma2 semaphore(%run_scoped3A_96 : memref<!tpu.dma_semaphore, #tpu.memory_space<semaphore_mem>>) src(%dma_wait3A_112 : memref<40x125xi32, #tpu.memory_space<hbm>>) dst(%arg7 : memref<40x125xi32, #tpu.memory_space<vmem>>)
      tpu.yield
    }) : () -> ()
    %dma_start3A_72 = arith.constant 0 : i32
    %dma_start3A_73 = arith.constant 0 : i32
    %dma_start3A_74 = tpu.memref_slice %arg6[%dma_start3A_72, %dma_start3A_73] : memref<40x125xi32, #tpu.memory_space<vmem>> -> memref<1x125xi32, #tpu.memory_space<vmem>>
    %dma_start3A_75 = tpu.memref_squeeze %dma_start3A_74 : memref<1x125xi32, #tpu.memory_space<vmem>> -> memref<125xi32, #tpu.memory_space<vmem>>
    %dma_start3A_76 = arith.constant 0 : i32
    %dma_start3A_77 = arith.constant 0 : i32
    %dma_start3A_78 = tpu.memref_slice %arg2[%dma_start3A_76, %dma_start3A_77] : memref<10000x128xf32, #tpu.memory_space<hbm>> -> memref<10000x128xf32, #tpu.memory_space<hbm>>
    tpu.enqueue_indirect_dma source(%dma_start3A_78 : memref<10000x128xf32, #tpu.memory_space<hbm>>) target(%arg8 : memref<125x128xf32, #tpu.memory_space<vmem>>) offsets(%dma_start3A_75 : memref<125xi32, #tpu.memory_space<vmem>>) semaphore(%arg11 : memref<!tpu.dma_semaphore, #tpu.memory_space<semaphore_mem>>)
    %scan3A_79 = arith.constant 0 : i32
    %scan3A_80 = arith.constant 0 : i32
    %scan3A_81 = arith.constant 20 : i32
    %scan3A_82 = arith.addi %scan3A_80, %scan3A_81 : i32
    %scan3A_83 = arith.constant 1 : i32
    scf.for %scan3A_96 = %scan3A_80 to %scan3A_82 step %scan3A_83  : i32 {
      %mul3A_97 = arith.constant 2 : i32
      %mul3A_98 = arith.muli %scan3A_96, %mul3A_97 : i32
      %add3A_99 = arith.constant 1 : i32
      %add3A_100 = arith.addi %mul3A_98, %add3A_99 : i32
      %dma_start3A_101 = arith.constant 0 : i32
      %dma_start3A_102 = tpu.memref_slice %arg6[%add3A_100, %dma_start3A_101] : memref<40x125xi32, #tpu.memory_space<vmem>> -> memref<1x125xi32, #tpu.memory_space<vmem>>
      %dma_start3A_103 = tpu.memref_squeeze %dma_start3A_102 : memref<1x125xi32, #tpu.memory_space<vmem>> -> memref<125xi32, #tpu.memory_space<vmem>>
      %dma_start3A_104 = arith.constant 0 : i32
      %dma_start3A_105 = arith.constant 0 : i32
      %dma_start3A_106 = tpu.memref_slice %arg2[%dma_start3A_104, %dma_start3A_105] : memref<10000x128xf32, #tpu.memory_space<hbm>> -> memref<10000x128xf32, #tpu.memory_space<hbm>>
      tpu.enqueue_indirect_dma source(%dma_start3A_106 : memref<10000x128xf32, #tpu.memory_space<hbm>>) target(%arg9 : memref<125x128xf32, #tpu.memory_space<vmem>>) offsets(%dma_start3A_103 : memref<125xi32, #tpu.memory_space<vmem>>) semaphore(%arg12 : memref<!tpu.dma_semaphore, #tpu.memory_space<semaphore_mem>>)
      %dma_wait3A_107 = arith.constant 0 : i32
      %dma_wait3A_108 = tpu.memref_slice %arg6[%mul3A_98, %dma_wait3A_107] : memref<40x125xi32, #tpu.memory_space<vmem>> -> memref<1x125xi32, #tpu.memory_space<vmem>>
      %dma_wait3A_109 = tpu.memref_squeeze %dma_wait3A_108 : memref<1x125xi32, #tpu.memory_space<vmem>> -> memref<125xi32, #tpu.memory_space<vmem>>
      %dma_wait3A_110 = arith.constant 0 : i32
      %dma_wait3A_111 = arith.constant 0 : i32
      %dma_wait3A_112 = tpu.memref_slice %arg2[%dma_wait3A_110, %dma_wait3A_111] : memref<10000x128xf32, #tpu.memory_space<hbm>> -> memref<10000x128xf32, #tpu.memory_space<hbm>>
      tpu.wait_indirect_dma semaphore(%arg11 : memref<!tpu.dma_semaphore, #tpu.memory_space<semaphore_mem>>) src(%dma_wait3A_112 : memref<10000x128xf32, #tpu.memory_space<hbm>>) dst(%arg8 : memref<125x128xf32, #tpu.memory_space<vmem>>)
      "tpu.region"() ({
        %run_scoped3A_130 = tpu.sem_alloc : memref<!tpu.dma_semaphore, #tpu.memory_space<semaphore_mem>>
        %dma_start3A_131 = arith.constant 0 : i32
        %dma_start3A_132 = tpu.memref_slice %arg7[%mul3A_98, %dma_start3A_131] : memref<40x125xi32, #tpu.memory_space<vmem>> -> memref<1x125xi32, #tpu.memory_space<vmem>>
        %dma_start3A_133 = tpu.memref_squeeze %dma_start3A_132 : memref<1x125xi32, #tpu.memory_space<vmem>> -> memref<125xi32, #tpu.memory_space<vmem>>
        %dma_start3A_134 = arith.constant 0 : i32
        %dma_start3A_135 = arith.constant 0 : i32
        %dma_start3A_136 = tpu.memref_slice %arg10[%dma_start3A_134, %dma_start3A_135] : memref<10000x128xf32, #tpu.memory_space<vmem_shared>> -> memref<10000x128xf32, #tpu.memory_space<vmem_shared>>
        tpu.enqueue_indirect_dma source(%arg8 : memref<125x128xf32, #tpu.memory_space<vmem>>) target(%dma_start3A_136 : memref<10000x128xf32, #tpu.memory_space<vmem_shared>>) offsets(%dma_start3A_133 : memref<125xi32, #tpu.memory_space<vmem>>) semaphore(%run_scoped3A_130 : memref<!tpu.dma_semaphore, #tpu.memory_space<semaphore_mem>>) {add = true}
        %dma_wait3A_137 = arith.constant 0 : i32
        %dma_wait3A_138 = tpu.memref_slice %arg7[%mul3A_98, %dma_wait3A_137] : memref<40x125xi32, #tpu.memory_space<vmem>> -> memref<1x125xi32, #tpu.memory_space<vmem>>
        %dma_wait3A_139 = tpu.memref_squeeze %dma_wait3A_138 : memref<1x125xi32, #tpu.memory_space<vmem>> -> memref<125xi32, #tpu.memory_space<vmem>>
        %dma_wait3A_140 = arith.constant 0 : i32
        %dma_wait3A_141 = arith.constant 0 : i32
        %dma_wait3A_142 = tpu.memref_slice %arg10[%dma_wait3A_140, %dma_wait3A_141] : memref<10000x128xf32, #tpu.memory_space<vmem_shared>> -> memref<10000x128xf32, #tpu.memory_space<vmem_shared>>
        tpu.wait_indirect_dma semaphore(%run_scoped3A_130 : memref<!tpu.dma_semaphore, #tpu.memory_space<semaphore_mem>>) src(%arg8 : memref<125x128xf32, #tpu.memory_space<vmem>>) dst(%dma_wait3A_142 : memref<10000x128xf32, #tpu.memory_space<vmem_shared>>)
        tpu.yield
      }) : () -> ()
      %add3A_113 = arith.constant 2 : i32
      %add3A_114 = arith.addi %mul3A_98, %add3A_113 : i32
      %lt3A_115 = arith.constant 40 : i32
      %lt3A_116 = arith.cmpi slt, %add3A_114, %lt3A_115 : i32
      %convert_element_type3A_117 = arith.extui %lt3A_116 : i1 to i32
      %cond3A_118 = arith.constant 0 : i32
      %cond3A_119 = arith.cmpi ne, %convert_element_type3A_117, %cond3A_118 : i32
      scf.if %cond3A_119 {
        %add3A_130 = arith.constant 2 : i32
        %add3A_131 = arith.addi %mul3A_98, %add3A_130 : i32
        %dma_start3A_132 = arith.constant 0 : i32
        %dma_start3A_133 = tpu.memref_slice %arg6[%add3A_131, %dma_start3A_132] : memref<40x125xi32, #tpu.memory_space<vmem>> -> memref<1x125xi32, #tpu.memory_space<vmem>>
        %dma_start3A_134 = tpu.memref_squeeze %dma_start3A_133 : memref<1x125xi32, #tpu.memory_space<vmem>> -> memref<125xi32, #tpu.memory_space<vmem>>
        %dma_start3A_135 = arith.constant 0 : i32
        %dma_start3A_136 = arith.constant 0 : i32
        %dma_start3A_137 = tpu.memref_slice %arg2[%dma_start3A_135, %dma_start3A_136] : memref<10000x128xf32, #tpu.memory_space<hbm>> -> memref<10000x128xf32, #tpu.memory_space<hbm>>
        tpu.enqueue_indirect_dma source(%dma_start3A_137 : memref<10000x128xf32, #tpu.memory_space<hbm>>) target(%arg8 : memref<125x128xf32, #tpu.memory_space<vmem>>) offsets(%dma_start3A_134 : memref<125xi32, #tpu.memory_space<vmem>>) semaphore(%arg11 : memref<!tpu.dma_semaphore, #tpu.memory_space<semaphore_mem>>)
      } else {
      }
      %add3A_120 = arith.constant 1 : i32
      %add3A_121 = arith.addi %mul3A_98, %add3A_120 : i32
      %dma_wait3A_122 = arith.constant 0 : i32
      %dma_wait3A_123 = tpu.memref_slice %arg6[%add3A_121, %dma_wait3A_122] : memref<40x125xi32, #tpu.memory_space<vmem>> -> memref<1x125xi32, #tpu.memory_space<vmem>>
      %dma_wait3A_124 = tpu.memref_squeeze %dma_wait3A_123 : memref<1x125xi32, #tpu.memory_space<vmem>> -> memref<125xi32, #tpu.memory_space<vmem>>
      %dma_wait3A_125 = arith.constant 0 : i32
      %dma_wait3A_126 = arith.constant 0 : i32
      %dma_wait3A_127 = tpu.memref_slice %arg2[%dma_wait3A_125, %dma_wait3A_126] : memref<10000x128xf32, #tpu.memory_space<hbm>> -> memref<10000x128xf32, #tpu.memory_space<hbm>>
      tpu.wait_indirect_dma semaphore(%arg12 : memref<!tpu.dma_semaphore, #tpu.memory_space<semaphore_mem>>) src(%dma_wait3A_127 : memref<10000x128xf32, #tpu.memory_space<hbm>>) dst(%arg9 : memref<125x128xf32, #tpu.memory_space<vmem>>)
      %add3A_128 = arith.constant 1 : i32
      %add3A_129 = arith.addi %mul3A_98, %add3A_128 : i32
      "tpu.region"() ({
        %run_scoped3A_130 = tpu.sem_alloc : memref<!tpu.dma_semaphore, #tpu.memory_space<semaphore_mem>>
        %dma_start3A_131 = arith.constant 0 : i32
        %dma_start3A_132 = tpu.memref_slice %arg7[%add3A_129, %dma_start3A_131] : memref<40x125xi32, #tpu.memory_space<vmem>> -> memref<1x125xi32, #tpu.memory_space<vmem>>
        %dma_start3A_133 = tpu.memref_squeeze %dma_start3A_132 : memref<1x125xi32, #tpu.memory_space<vmem>> -> memref<125xi32, #tpu.memory_space<vmem>>
        %dma_start3A_134 = arith.constant 0 : i32
        %dma_start3A_135 = arith.constant 0 : i32
        %dma_start3A_136 = tpu.memref_slice %arg10[%dma_start3A_134, %dma_start3A_135] : memref<10000x128xf32, #tpu.memory_space<vmem_shared>> -> memref<10000x128xf32, #tpu.memory_space<vmem_shared>>
        tpu.enqueue_indirect_dma source(%arg9 : memref<125x128xf32, #tpu.memory_space<vmem>>) target(%dma_start3A_136 : memref<10000x128xf32, #tpu.memory_space<vmem_shared>>) offsets(%dma_start3A_133 : memref<125xi32, #tpu.memory_space<vmem>>) semaphore(%run_scoped3A_130 : memref<!tpu.dma_semaphore, #tpu.memory_space<semaphore_mem>>) {add = true}
        %dma_wait3A_137 = arith.constant 0 : i32
        %dma_wait3A_138 = tpu.memref_slice %arg7[%add3A_129, %dma_wait3A_137] : memref<40x125xi32, #tpu.memory_space<vmem>> -> memref<1x125xi32, #tpu.memory_space<vmem>>
        %dma_wait3A_139 = tpu.memref_squeeze %dma_wait3A_138 : memref<1x125xi32, #tpu.memory_space<vmem>> -> memref<125xi32, #tpu.memory_space<vmem>>
        %dma_wait3A_140 = arith.constant 0 : i32
        %dma_wait3A_141 = arith.constant 0 : i32
        %dma_wait3A_142 = tpu.memref_slice %arg10[%dma_wait3A_140, %dma_wait3A_141] : memref<10000x128xf32, #tpu.memory_space<vmem_shared>> -> memref<10000x128xf32, #tpu.memory_space<vmem_shared>>
        tpu.wait_indirect_dma semaphore(%run_scoped3A_130 : memref<!tpu.dma_semaphore, #tpu.memory_space<semaphore_mem>>) src(%arg9 : memref<125x128xf32, #tpu.memory_space<vmem>>) dst(%dma_wait3A_142 : memref<10000x128xf32, #tpu.memory_space<vmem_shared>>)
        tpu.yield
      }) : () -> ()
    }
    %scan3A_84 = arith.constant 20 : i32
    %barrier3A_85 = arith.constant 0 : index
    tpu.barrier barrier_id(%barrier3A_85)
    %lt3A_86 = arith.constant 15 : i32
    %lt3A_87 = arith.cmpi slt, %arg1, %lt3A_86 : i32
    %convert_element_type3A_88 = arith.extui %lt3A_87 : i1 to i32
    %cond3A_89 = arith.constant 0 : i32
    %cond3A_90 = arith.cmpi ne, %convert_element_type3A_88, %cond3A_89 : i32
    scf.if %cond3A_90 {
      "tpu.region"() ({
        %run_scoped3A_96 = tpu.sem_alloc : memref<!tpu.dma_semaphore, #tpu.memory_space<semaphore_mem>>
        %dma_start3A_97 = arith.constant 0 : i32
        %dma_start3A_98 = tpu.memref_slice %arg5[%arg0, %multiple_of3A, %dma_start3A_97] : memref<2x10000x128xf32, #tpu.memory_space<hbm>> -> memref<1x624x128xf32, #tpu.memory_space<hbm>>
        %dma_start3A_99 = tpu.memref_squeeze %dma_start3A_98 : memref<1x624x128xf32, #tpu.memory_space<hbm>> -> memref<624x128xf32, #tpu.memory_space<hbm>>
        %dma_start3A_100 = arith.constant 0 : i32
        %dma_start3A_101 = tpu.memref_slice %arg10[%multiple_of3A, %dma_start3A_100] : memref<10000x128xf32, #tpu.memory_space<vmem_shared>> -> memref<624x128xf32, #tpu.memory_space<vmem_shared>>
        tpu.enqueue_dma source(%dma_start3A_101 : memref<624x128xf32, #tpu.memory_space<vmem_shared>>) target(%dma_start3A_99 : memref<624x128xf32, #tpu.memory_space<hbm>>) target_semaphore(%run_scoped3A_96 : memref<!tpu.dma_semaphore, #tpu.memory_space<semaphore_mem>>)
        %dma_wait3A_102 = arith.constant 0 : i32
        %dma_wait3A_103 = tpu.memref_slice %arg5[%arg0, %multiple_of3A, %dma_wait3A_102] : memref<2x10000x128xf32, #tpu.memory_space<hbm>> -> memref<1x624x128xf32, #tpu.memory_space<hbm>>
        %dma_wait3A_104 = tpu.memref_squeeze %dma_wait3A_103 : memref<1x624x128xf32, #tpu.memory_space<hbm>> -> memref<624x128xf32, #tpu.memory_space<hbm>>
        %dma_wait3A_105 = arith.constant 0 : i32
        %dma_wait3A_106 = tpu.memref_slice %arg10[%multiple_of3A, %dma_wait3A_105] : memref<10000x128xf32, #tpu.memory_space<vmem_shared>> -> memref<624x128xf32, #tpu.memory_space<vmem_shared>>
        tpu.wait_dma2 semaphore(%run_scoped3A_96 : memref<!tpu.dma_semaphore, #tpu.memory_space<semaphore_mem>>) src(%dma_wait3A_106 : memref<624x128xf32, #tpu.memory_space<vmem_shared>>) dst(%dma_wait3A_104 : memref<624x128xf32, #tpu.memory_space<hbm>>)
        tpu.yield
      }) : () -> ()
    } else {
    }
    %eq3A_91 = arith.constant 15 : i32
    %eq3A_92 = arith.cmpi eq, %arg1, %eq3A_91 : i32
    %convert_element_type3A_93 = arith.extui %eq3A_92 : i1 to i32
    %cond3A_94 = arith.constant 0 : i32
    %cond3A_95 = arith.cmpi ne, %convert_element_type3A_93, %cond3A_94 : i32
    scf.if %cond3A_95 {
      "tpu.region"() ({
        %run_scoped3A_96 = tpu.sem_alloc : memref<!tpu.dma_semaphore, #tpu.memory_space<semaphore_mem>>
        %dma_start3A_97 = arith.constant 9360 : i32
        %dma_start3A_98 = arith.constant 0 : i32
        %dma_start3A_99 = tpu.memref_slice %arg5[%arg0, %dma_start3A_97, %dma_start3A_98] : memref<2x10000x128xf32, #tpu.memory_space<hbm>> -> memref<1x640x128xf32, #tpu.memory_space<hbm>>
        %dma_start3A_100 = tpu.memref_squeeze %dma_start3A_99 : memref<1x640x128xf32, #tpu.memory_space<hbm>> -> memref<640x128xf32, #tpu.memory_space<hbm>>
        %dma_start3A_101 = arith.constant 9360 : i32
        %dma_start3A_102 = arith.constant 0 : i32
        %dma_start3A_103 = tpu.memref_slice %arg10[%dma_start3A_101, %dma_start3A_102] : memref<10000x128xf32, #tpu.memory_space<vmem_shared>> -> memref<640x128xf32, #tpu.memory_space<vmem_shared>>
        tpu.enqueue_dma source(%dma_start3A_103 : memref<640x128xf32, #tpu.memory_space<vmem_shared>>) target(%dma_start3A_100 : memref<640x128xf32, #tpu.memory_space<hbm>>) target_semaphore(%run_scoped3A_96 : memref<!tpu.dma_semaphore, #tpu.memory_space<semaphore_mem>>)
        %dma_wait3A_104 = arith.constant 9360 : i32
        %dma_wait3A_105 = arith.constant 0 : i32
        %dma_wait3A_106 = tpu.memref_slice %arg5[%arg0, %dma_wait3A_104, %dma_wait3A_105] : memref<2x10000x128xf32, #tpu.memory_space<hbm>> -> memref<1x640x128xf32, #tpu.memory_space<hbm>>
        %dma_wait3A_107 = tpu.memref_squeeze %dma_wait3A_106 : memref<1x640x128xf32, #tpu.memory_space<hbm>> -> memref<640x128xf32, #tpu.memory_space<hbm>>
        %dma_wait3A_108 = arith.constant 9360 : i32
        %dma_wait3A_109 = arith.constant 0 : i32
        %dma_wait3A_110 = tpu.memref_slice %arg10[%dma_wait3A_108, %dma_wait3A_109] : memref<10000x128xf32, #tpu.memory_space<vmem_shared>> -> memref<640x128xf32, #tpu.memory_space<vmem_shared>>
        tpu.wait_dma2 semaphore(%run_scoped3A_96 : memref<!tpu.dma_semaphore, #tpu.memory_space<semaphore_mem>>) src(%dma_wait3A_110 : memref<640x128xf32, #tpu.memory_space<vmem_shared>>) dst(%dma_wait3A_107 : memref<640x128xf32, #tpu.memory_space<hbm>>)
        tpu.yield
      }) : () -> ()
    } else {
    }
    return
  }
}

#map = affine_map<(d0, d1) -> (0, 0)>
#map1 = affine_map<(d0, d1) -> (0, 0, 0, 0, 0)>
#map2 = affine_map<(d0, d1) -> (0, 0, 0)>
module attributes {stable_mosaic.version = 14 : i64} {
  func.func @agg_kernel(%arg0: i32, %arg1: i32, %arg2: memref<10000x128xf32, #tpu.memory_space<hbm>>, %arg3: memref<2x32x2x40x125xi32, #tpu.memory_space<hbm>>, %arg4: memref<10000x128xf32, #tpu.memory_space<hbm>>, %arg5: memref<2x10000x128xf32, #tpu.memory_space<hbm>>, %arg6: memref<40x125xi32, #tpu.memory_space<vmem>>, %arg7: memref<40x125xi32, #tpu.memory_space<vmem>>, %arg8: memref<125x128xf32, #tpu.memory_space<vmem>>, %arg9: memref<125x128xf32, #tpu.memory_space<vmem>>, %arg10: memref<10000x128xf32, #tpu.memory_space<vmem_shared>>, %arg11: memref<!tpu.dma_semaphore, #tpu.memory_space<semaphore_mem>>, %arg12: memref<!tpu.dma_semaphore, #tpu.memory_space<semaphore_mem>>, %arg13: memref<!tpu.dma_semaphore, #tpu.memory_space<semaphore_mem>>) attributes {dimension_semantics = [#tpu.dimension_semantics<core_parallel>, #tpu.dimension_semantics<subcore_parallel>], iteration_bounds = array<i64: 2, 16>, scalar_prefetch = 0 : i64, scratch_operands = 8 : i64, tpu.core_type = #tpu.core_type<sc_vector_subcore>, window_params = [{transform_indices = #map}, {transform_indices = #map1}, {transform_indices = #map}, {transform_indices = #map2}]} {
    %mul3A = arith.constant 2 : i32
    %mul3A_0 = arith.muli %arg1, %mul3A : i32
    %add3A = arith.addi %mul3A_0, %arg0 : i32
    %mul3A_1 = arith.constant 624 : i32
    %mul3A_2 = arith.muli %arg1, %mul3A_1 : i32
    %multiple_of3A = tpu.assume_multiple %mul3A_2, 8 : i32
    %lt3A = arith.constant 15 : i32
    %lt3A_3 = arith.cmpi slt, %arg1, %lt3A : i32
    %convert_element_type3A = arith.extui %lt3A_3 : i1 to i32
    %cond3A = arith.constant 0 : i32
    %cond3A_4 = arith.cmpi ne, %convert_element_type3A, %cond3A : i32
    scf.if %cond3A_4 {
      %dma_start3A_96 = arith.constant 0 : i32
      %dma_start3A_97 = tpu.memref_slice %arg10[%multiple_of3A, %dma_start3A_96] : memref<10000x128xf32, #tpu.memory_space<vmem_shared>> -> memref<624x128xf32, #tpu.memory_space<vmem_shared>>
      %dma_start3A_98 = arith.constant 0 : i32
      %dma_start3A_99 = tpu.memref_slice %arg4[%multiple_of3A, %dma_start3A_98] : memref<10000x128xf32, #tpu.memory_space<hbm>> -> memref<624x128xf32, #tpu.memory_space<hbm>>
      tpu.enqueue_dma source(%dma_start3A_99 : memref<624x128xf32, #tpu.memory_space<hbm>>) target(%dma_start3A_97 : memref<624x128xf32, #tpu.memory_space<vmem_shared>>) target_semaphore(%arg13 : memref<!tpu.dma_semaphore, #tpu.memory_space<semaphore_mem>>)
    } else {
    }
    %eq3A = arith.constant 15 : i32
    %eq3A_5 = arith.cmpi eq, %arg1, %eq3A : i32
    %convert_element_type3A_6 = arith.extui %eq3A_5 : i1 to i32
    %cond3A_7 = arith.constant 0 : i32
    %cond3A_8 = arith.cmpi ne, %convert_element_type3A_6, %cond3A_7 : i32
    scf.if %cond3A_8 {
      %dma_start3A_96 = arith.constant 9360 : i32
      %dma_start3A_97 = arith.constant 0 : i32
      %dma_start3A_98 = tpu.memref_slice %arg10[%dma_start3A_96, %dma_start3A_97] : memref<10000x128xf32, #tpu.memory_space<vmem_shared>> -> memref<640x128xf32, #tpu.memory_space<vmem_shared>>
      %dma_start3A_99 = arith.constant 9360 : i32
      %dma_start3A_100 = arith.constant 0 : i32
      %dma_start3A_101 = tpu.memref_slice %arg4[%dma_start3A_99, %dma_start3A_100] : memref<10000x128xf32, #tpu.memory_space<hbm>> -> memref<640x128xf32, #tpu.memory_space<hbm>>
      tpu.enqueue_dma source(%dma_start3A_101 : memref<640x128xf32, #tpu.memory_space<hbm>>) target(%dma_start3A_98 : memref<640x128xf32, #tpu.memory_space<vmem_shared>>) target_semaphore(%arg13 : memref<!tpu.dma_semaphore, #tpu.memory_space<semaphore_mem>>)
    } else {
    }
    %dma_start3A = arith.constant 0 : i32
    %dma_start3A_9 = arith.constant 0 : i32
    %dma_start3A_10 = arith.constant 0 : i32
    %dma_start3A_11 = arith.constant 0 : i32
    %dma_start3A_12 = tpu.memref_slice %arg3[%dma_start3A, %add3A, %dma_start3A_9, %dma_start3A_10, %dma_start3A_11] : memref<2x32x2x40x125xi32, #tpu.memory_space<hbm>> -> memref<1x1x1x40x125xi32, #tpu.memory_space<hbm>>
    %dma_start3A_13 = tpu.memref_squeeze %dma_start3A_12 : memref<1x1x1x40x125xi32, #tpu.memory_space<hbm>> -> memref<40x125xi32, #tpu.memory_space<hbm>>
    %dma_start3A_14 = arith.constant 0 : i32
    %dma_start3A_15 = arith.constant 0 : i32
    %dma_start3A_16 = tpu.memref_slice %arg3[%dma_start3A, %add3A, %dma_start3A_9, %dma_start3A_14, %dma_start3A_15] : memref<2x32x2x40x125xi32, #tpu.memory_space<hbm>> -> memref<1x1x1x40x125xi32, #tpu.memory_space<hbm>>
    %dma_start3A_17 = tpu.memref_squeeze %dma_start3A_16 : memref<1x1x1x40x125xi32, #tpu.memory_space<hbm>> -> memref<40x125xi32, #tpu.memory_space<hbm>>
    tpu.enqueue_dma source(%dma_start3A_17 : memref<40x125xi32, #tpu.memory_space<hbm>>) target(%arg6 : memref<40x125xi32, #tpu.memory_space<vmem>>) target_semaphore(%arg11 : memref<!tpu.dma_semaphore, #tpu.memory_space<semaphore_mem>>)
    %dma_start3A_18 = arith.constant 1 : i32
    %dma_start3A_19 = arith.constant 0 : i32
    %dma_start3A_20 = arith.constant 0 : i32
    %dma_start3A_21 = arith.constant 0 : i32
    %dma_start3A_22 = tpu.memref_slice %arg3[%dma_start3A_18, %add3A, %dma_start3A_19, %dma_start3A_20, %dma_start3A_21] : memref<2x32x2x40x125xi32, #tpu.memory_space<hbm>> -> memref<1x1x1x40x125xi32, #tpu.memory_space<hbm>>
    %dma_start3A_23 = tpu.memref_squeeze %dma_start3A_22 : memref<1x1x1x40x125xi32, #tpu.memory_space<hbm>> -> memref<40x125xi32, #tpu.memory_space<hbm>>
    %dma_start3A_24 = arith.constant 0 : i32
    %dma_start3A_25 = arith.constant 0 : i32
    %dma_start3A_26 = tpu.memref_slice %arg3[%dma_start3A_18, %add3A, %dma_start3A_19, %dma_start3A_24, %dma_start3A_25] : memref<2x32x2x40x125xi32, #tpu.memory_space<hbm>> -> memref<1x1x1x40x125xi32, #tpu.memory_space<hbm>>
    %dma_start3A_27 = tpu.memref_squeeze %dma_start3A_26 : memref<1x1x1x40x125xi32, #tpu.memory_space<hbm>> -> memref<40x125xi32, #tpu.memory_space<hbm>>
    tpu.enqueue_dma source(%dma_start3A_27 : memref<40x125xi32, #tpu.memory_space<hbm>>) target(%arg7 : memref<40x125xi32, #tpu.memory_space<vmem>>) target_semaphore(%arg12 : memref<!tpu.dma_semaphore, #tpu.memory_space<semaphore_mem>>)
    %dma_wait3A = arith.constant 0 : i32
    %dma_wait3A_28 = arith.constant 0 : i32
    %dma_wait3A_29 = arith.constant 0 : i32
    %dma_wait3A_30 = arith.constant 0 : i32
    %dma_wait3A_31 = tpu.memref_slice %arg3[%dma_wait3A, %add3A, %dma_wait3A_28, %dma_wait3A_29, %dma_wait3A_30] : memref<2x32x2x40x125xi32, #tpu.memory_space<hbm>> -> memref<1x1x1x40x125xi32, #tpu.memory_space<hbm>>
    %dma_wait3A_32 = tpu.memref_squeeze %dma_wait3A_31 : memref<1x1x1x40x125xi32, #tpu.memory_space<hbm>> -> memref<40x125xi32, #tpu.memory_space<hbm>>
    %dma_wait3A_33 = arith.constant 0 : i32
    %dma_wait3A_34 = arith.constant 0 : i32
    %dma_wait3A_35 = tpu.memref_slice %arg3[%dma_wait3A, %add3A, %dma_wait3A_28, %dma_wait3A_33, %dma_wait3A_34] : memref<2x32x2x40x125xi32, #tpu.memory_space<hbm>> -> memref<1x1x1x40x125xi32, #tpu.memory_space<hbm>>
    %dma_wait3A_36 = tpu.memref_squeeze %dma_wait3A_35 : memref<1x1x1x40x125xi32, #tpu.memory_space<hbm>> -> memref<40x125xi32, #tpu.memory_space<hbm>>
    tpu.wait_dma2 semaphore(%arg11 : memref<!tpu.dma_semaphore, #tpu.memory_space<semaphore_mem>>) src(%dma_wait3A_36 : memref<40x125xi32, #tpu.memory_space<hbm>>) dst(%arg6 : memref<40x125xi32, #tpu.memory_space<vmem>>)
    %dma_wait3A_37 = arith.constant 1 : i32
    %dma_wait3A_38 = arith.constant 0 : i32
    %dma_wait3A_39 = arith.constant 0 : i32
    %dma_wait3A_40 = arith.constant 0 : i32
    %dma_wait3A_41 = tpu.memref_slice %arg3[%dma_wait3A_37, %add3A, %dma_wait3A_38, %dma_wait3A_39, %dma_wait3A_40] : memref<2x32x2x40x125xi32, #tpu.memory_space<hbm>> -> memref<1x1x1x40x125xi32, #tpu.memory_space<hbm>>
    %dma_wait3A_42 = tpu.memref_squeeze %dma_wait3A_41 : memref<1x1x1x40x125xi32, #tpu.memory_space<hbm>> -> memref<40x125xi32, #tpu.memory_space<hbm>>
    %dma_wait3A_43 = arith.constant 0 : i32
    %dma_wait3A_44 = arith.constant 0 : i32
    %dma_wait3A_45 = tpu.memref_slice %arg3[%dma_wait3A_37, %add3A, %dma_wait3A_38, %dma_wait3A_43, %dma_wait3A_44] : memref<2x32x2x40x125xi32, #tpu.memory_space<hbm>> -> memref<1x1x1x40x125xi32, #tpu.memory_space<hbm>>
    %dma_wait3A_46 = tpu.memref_squeeze %dma_wait3A_45 : memref<1x1x1x40x125xi32, #tpu.memory_space<hbm>> -> memref<40x125xi32, #tpu.memory_space<hbm>>
    tpu.wait_dma2 semaphore(%arg12 : memref<!tpu.dma_semaphore, #tpu.memory_space<semaphore_mem>>) src(%dma_wait3A_46 : memref<40x125xi32, #tpu.memory_space<hbm>>) dst(%arg7 : memref<40x125xi32, #tpu.memory_space<vmem>>)
    %lt3A_47 = arith.constant 15 : i32
    %lt3A_48 = arith.cmpi slt, %arg1, %lt3A_47 : i32
    %convert_element_type3A_49 = arith.extui %lt3A_48 : i1 to i32
    %cond3A_50 = arith.constant 0 : i32
    %cond3A_51 = arith.cmpi ne, %convert_element_type3A_49, %cond3A_50 : i32
    scf.if %cond3A_51 {
      %dma_wait3A_96 = arith.constant 0 : i32
      %dma_wait3A_97 = tpu.memref_slice %arg10[%multiple_of3A, %dma_wait3A_96] : memref<10000x128xf32, #tpu.memory_space<vmem_shared>> -> memref<624x128xf32, #tpu.memory_space<vmem_shared>>
      %dma_wait3A_98 = arith.constant 0 : i32
      %dma_wait3A_99 = tpu.memref_slice %arg4[%multiple_of3A, %dma_wait3A_98] : memref<10000x128xf32, #tpu.memory_space<hbm>> -> memref<624x128xf32, #tpu.memory_space<hbm>>
      tpu.wait_dma2 semaphore(%arg13 : memref<!tpu.dma_semaphore, #tpu.memory_space<semaphore_mem>>) src(%dma_wait3A_99 : memref<624x128xf32, #tpu.memory_space<hbm>>) dst(%dma_wait3A_97 : memref<624x128xf32, #tpu.memory_space<vmem_shared>>)
    } else {
    }
    %eq3A_52 = arith.constant 15 : i32
    %eq3A_53 = arith.cmpi eq, %arg1, %eq3A_52 : i32
    %convert_element_type3A_54 = arith.extui %eq3A_53 : i1 to i32
    %cond3A_55 = arith.constant 0 : i32
    %cond3A_56 = arith.cmpi ne, %convert_element_type3A_54, %cond3A_55 : i32
    scf.if %cond3A_56 {
      %dma_wait3A_96 = arith.constant 9360 : i32
      %dma_wait3A_97 = arith.constant 0 : i32
      %dma_wait3A_98 = tpu.memref_slice %arg10[%dma_wait3A_96, %dma_wait3A_97] : memref<10000x128xf32, #tpu.memory_space<vmem_shared>> -> memref<640x128xf32, #tpu.memory_space<vmem_shared>>
      %dma_wait3A_99 = arith.constant 9360 : i32
      %dma_wait3A_100 = arith.constant 0 : i32
      %dma_wait3A_101 = tpu.memref_slice %arg4[%dma_wait3A_99, %dma_wait3A_100] : memref<10000x128xf32, #tpu.memory_space<hbm>> -> memref<640x128xf32, #tpu.memory_space<hbm>>
      tpu.wait_dma2 semaphore(%arg13 : memref<!tpu.dma_semaphore, #tpu.memory_space<semaphore_mem>>) src(%dma_wait3A_101 : memref<640x128xf32, #tpu.memory_space<hbm>>) dst(%dma_wait3A_98 : memref<640x128xf32, #tpu.memory_space<vmem_shared>>)
    } else {
    }
    %barrier3A = arith.constant 0 : index
    tpu.barrier barrier_id(%barrier3A)
    %dma_start3A_57 = arith.constant 0 : i32
    %dma_start3A_58 = arith.constant 0 : i32
    %dma_start3A_59 = tpu.memref_slice %arg6[%dma_start3A_57, %dma_start3A_58] : memref<40x125xi32, #tpu.memory_space<vmem>> -> memref<1x125xi32, #tpu.memory_space<vmem>>
    %dma_start3A_60 = tpu.memref_squeeze %dma_start3A_59 : memref<1x125xi32, #tpu.memory_space<vmem>> -> memref<125xi32, #tpu.memory_space<vmem>>
    %dma_start3A_61 = arith.constant 0 : i32
    %dma_start3A_62 = arith.constant 0 : i32
    %dma_start3A_63 = tpu.memref_slice %arg2[%dma_start3A_61, %dma_start3A_62] : memref<10000x128xf32, #tpu.memory_space<hbm>> -> memref<10000x128xf32, #tpu.memory_space<hbm>>
    tpu.enqueue_indirect_dma source(%dma_start3A_63 : memref<10000x128xf32, #tpu.memory_space<hbm>>) target(%arg8 : memref<125x128xf32, #tpu.memory_space<vmem>>) offsets(%dma_start3A_60 : memref<125xi32, #tpu.memory_space<vmem>>) semaphore(%arg11 : memref<!tpu.dma_semaphore, #tpu.memory_space<semaphore_mem>>)
    %scan3A = arith.constant 0 : i32
    %scan3A_64 = arith.constant 0 : i32
    %scan3A_65 = arith.constant 20 : i32
    %scan3A_66 = arith.addi %scan3A_64, %scan3A_65 : i32
    %scan3A_67 = arith.constant 1 : i32
    scf.for %scan3A_96 = %scan3A_64 to %scan3A_66 step %scan3A_67  : i32 {
      %mul3A_97 = arith.constant 2 : i32
      %mul3A_98 = arith.muli %scan3A_96, %mul3A_97 : i32
      %add3A_99 = arith.constant 1 : i32
      %add3A_100 = arith.addi %mul3A_98, %add3A_99 : i32
      %dma_start3A_101 = arith.constant 0 : i32
      %dma_start3A_102 = tpu.memref_slice %arg6[%add3A_100, %dma_start3A_101] : memref<40x125xi32, #tpu.memory_space<vmem>> -> memref<1x125xi32, #tpu.memory_space<vmem>>
      %dma_start3A_103 = tpu.memref_squeeze %dma_start3A_102 : memref<1x125xi32, #tpu.memory_space<vmem>> -> memref<125xi32, #tpu.memory_space<vmem>>
      %dma_start3A_104 = arith.constant 0 : i32
      %dma_start3A_105 = arith.constant 0 : i32
      %dma_start3A_106 = tpu.memref_slice %arg2[%dma_start3A_104, %dma_start3A_105] : memref<10000x128xf32, #tpu.memory_space<hbm>> -> memref<10000x128xf32, #tpu.memory_space<hbm>>
      tpu.enqueue_indirect_dma source(%dma_start3A_106 : memref<10000x128xf32, #tpu.memory_space<hbm>>) target(%arg9 : memref<125x128xf32, #tpu.memory_space<vmem>>) offsets(%dma_start3A_103 : memref<125xi32, #tpu.memory_space<vmem>>) semaphore(%arg12 : memref<!tpu.dma_semaphore, #tpu.memory_space<semaphore_mem>>)
      %dma_wait3A_107 = arith.constant 0 : i32
      %dma_wait3A_108 = tpu.memref_slice %arg6[%mul3A_98, %dma_wait3A_107] : memref<40x125xi32, #tpu.memory_space<vmem>> -> memref<1x125xi32, #tpu.memory_space<vmem>>
      %dma_wait3A_109 = tpu.memref_squeeze %dma_wait3A_108 : memref<1x125xi32, #tpu.memory_space<vmem>> -> memref<125xi32, #tpu.memory_space<vmem>>
      %dma_wait3A_110 = arith.constant 0 : i32
      %dma_wait3A_111 = arith.constant 0 : i32
      %dma_wait3A_112 = tpu.memref_slice %arg2[%dma_wait3A_110, %dma_wait3A_111] : memref<10000x128xf32, #tpu.memory_space<hbm>> -> memref<10000x128xf32, #tpu.memory_space<hbm>>
      tpu.wait_indirect_dma semaphore(%arg11 : memref<!tpu.dma_semaphore, #tpu.memory_space<semaphore_mem>>) src(%dma_wait3A_112 : memref<10000x128xf32, #tpu.memory_space<hbm>>) dst(%arg8 : memref<125x128xf32, #tpu.memory_space<vmem>>)
      "tpu.region"() ({
        %run_scoped3A_130 = tpu.sem_alloc : memref<!tpu.dma_semaphore, #tpu.memory_space<semaphore_mem>>
        %dma_start3A_131 = arith.constant 0 : i32
        %dma_start3A_132 = tpu.memref_slice %arg7[%mul3A_98, %dma_start3A_131] : memref<40x125xi32, #tpu.memory_space<vmem>> -> memref<1x125xi32, #tpu.memory_space<vmem>>
        %dma_start3A_133 = tpu.memref_squeeze %dma_start3A_132 : memref<1x125xi32, #tpu.memory_space<vmem>> -> memref<125xi32, #tpu.memory_space<vmem>>
        %dma_start3A_134 = arith.constant 0 : i32
        %dma_start3A_135 = arith.constant 0 : i32
        %dma_start3A_136 = tpu.memref_slice %arg10[%dma_start3A_134, %dma_start3A_135] : memref<10000x128xf32, #tpu.memory_space<vmem_shared>> -> memref<10000x128xf32, #tpu.memory_space<vmem_shared>>
        tpu.enqueue_indirect_dma source(%arg8 : memref<125x128xf32, #tpu.memory_space<vmem>>) target(%dma_start3A_136 : memref<10000x128xf32, #tpu.memory_space<vmem_shared>>) offsets(%dma_start3A_133 : memref<125xi32, #tpu.memory_space<vmem>>) semaphore(%run_scoped3A_130 : memref<!tpu.dma_semaphore, #tpu.memory_space<semaphore_mem>>) {add = true}
        %dma_wait3A_137 = arith.constant 0 : i32
        %dma_wait3A_138 = tpu.memref_slice %arg7[%mul3A_98, %dma_wait3A_137] : memref<40x125xi32, #tpu.memory_space<vmem>> -> memref<1x125xi32, #tpu.memory_space<vmem>>
        %dma_wait3A_139 = tpu.memref_squeeze %dma_wait3A_138 : memref<1x125xi32, #tpu.memory_space<vmem>> -> memref<125xi32, #tpu.memory_space<vmem>>
        %dma_wait3A_140 = arith.constant 0 : i32
        %dma_wait3A_141 = arith.constant 0 : i32
        %dma_wait3A_142 = tpu.memref_slice %arg10[%dma_wait3A_140, %dma_wait3A_141] : memref<10000x128xf32, #tpu.memory_space<vmem_shared>> -> memref<10000x128xf32, #tpu.memory_space<vmem_shared>>
        tpu.wait_indirect_dma semaphore(%run_scoped3A_130 : memref<!tpu.dma_semaphore, #tpu.memory_space<semaphore_mem>>) src(%arg8 : memref<125x128xf32, #tpu.memory_space<vmem>>) dst(%dma_wait3A_142 : memref<10000x128xf32, #tpu.memory_space<vmem_shared>>)
        tpu.yield
      }) : () -> ()
      %add3A_113 = arith.constant 2 : i32
      %add3A_114 = arith.addi %mul3A_98, %add3A_113 : i32
      %lt3A_115 = arith.constant 40 : i32
      %lt3A_116 = arith.cmpi slt, %add3A_114, %lt3A_115 : i32
      %convert_element_type3A_117 = arith.extui %lt3A_116 : i1 to i32
      %cond3A_118 = arith.constant 0 : i32
      %cond3A_119 = arith.cmpi ne, %convert_element_type3A_117, %cond3A_118 : i32
      scf.if %cond3A_119 {
        %add3A_130 = arith.constant 2 : i32
        %add3A_131 = arith.addi %mul3A_98, %add3A_130 : i32
        %dma_start3A_132 = arith.constant 0 : i32
        %dma_start3A_133 = tpu.memref_slice %arg6[%add3A_131, %dma_start3A_132] : memref<40x125xi32, #tpu.memory_space<vmem>> -> memref<1x125xi32, #tpu.memory_space<vmem>>
        %dma_start3A_134 = tpu.memref_squeeze %dma_start3A_133 : memref<1x125xi32, #tpu.memory_space<vmem>> -> memref<125xi32, #tpu.memory_space<vmem>>
        %dma_start3A_135 = arith.constant 0 : i32
        %dma_start3A_136 = arith.constant 0 : i32
        %dma_start3A_137 = tpu.memref_slice %arg2[%dma_start3A_135, %dma_start3A_136] : memref<10000x128xf32, #tpu.memory_space<hbm>> -> memref<10000x128xf32, #tpu.memory_space<hbm>>
        tpu.enqueue_indirect_dma source(%dma_start3A_137 : memref<10000x128xf32, #tpu.memory_space<hbm>>) target(%arg8 : memref<125x128xf32, #tpu.memory_space<vmem>>) offsets(%dma_start3A_134 : memref<125xi32, #tpu.memory_space<vmem>>) semaphore(%arg11 : memref<!tpu.dma_semaphore, #tpu.memory_space<semaphore_mem>>)
      } else {
      }
      %add3A_120 = arith.constant 1 : i32
      %add3A_121 = arith.addi %mul3A_98, %add3A_120 : i32
      %dma_wait3A_122 = arith.constant 0 : i32
      %dma_wait3A_123 = tpu.memref_slice %arg6[%add3A_121, %dma_wait3A_122] : memref<40x125xi32, #tpu.memory_space<vmem>> -> memref<1x125xi32, #tpu.memory_space<vmem>>
      %dma_wait3A_124 = tpu.memref_squeeze %dma_wait3A_123 : memref<1x125xi32, #tpu.memory_space<vmem>> -> memref<125xi32, #tpu.memory_space<vmem>>
      %dma_wait3A_125 = arith.constant 0 : i32
      %dma_wait3A_126 = arith.constant 0 : i32
      %dma_wait3A_127 = tpu.memref_slice %arg2[%dma_wait3A_125, %dma_wait3A_126] : memref<10000x128xf32, #tpu.memory_space<hbm>> -> memref<10000x128xf32, #tpu.memory_space<hbm>>
      tpu.wait_indirect_dma semaphore(%arg12 : memref<!tpu.dma_semaphore, #tpu.memory_space<semaphore_mem>>) src(%dma_wait3A_127 : memref<10000x128xf32, #tpu.memory_space<hbm>>) dst(%arg9 : memref<125x128xf32, #tpu.memory_space<vmem>>)
      %add3A_128 = arith.constant 1 : i32
      %add3A_129 = arith.addi %mul3A_98, %add3A_128 : i32
      "tpu.region"() ({
        %run_scoped3A_130 = tpu.sem_alloc : memref<!tpu.dma_semaphore, #tpu.memory_space<semaphore_mem>>
        %dma_start3A_131 = arith.constant 0 : i32
        %dma_start3A_132 = tpu.memref_slice %arg7[%add3A_129, %dma_start3A_131] : memref<40x125xi32, #tpu.memory_space<vmem>> -> memref<1x125xi32, #tpu.memory_space<vmem>>
        %dma_start3A_133 = tpu.memref_squeeze %dma_start3A_132 : memref<1x125xi32, #tpu.memory_space<vmem>> -> memref<125xi32, #tpu.memory_space<vmem>>
        %dma_start3A_134 = arith.constant 0 : i32
        %dma_start3A_135 = arith.constant 0 : i32
        %dma_start3A_136 = tpu.memref_slice %arg10[%dma_start3A_134, %dma_start3A_135] : memref<10000x128xf32, #tpu.memory_space<vmem_shared>> -> memref<10000x128xf32, #tpu.memory_space<vmem_shared>>
        tpu.enqueue_indirect_dma source(%arg9 : memref<125x128xf32, #tpu.memory_space<vmem>>) target(%dma_start3A_136 : memref<10000x128xf32, #tpu.memory_space<vmem_shared>>) offsets(%dma_start3A_133 : memref<125xi32, #tpu.memory_space<vmem>>) semaphore(%run_scoped3A_130 : memref<!tpu.dma_semaphore, #tpu.memory_space<semaphore_mem>>) {add = true}
        %dma_wait3A_137 = arith.constant 0 : i32
        %dma_wait3A_138 = tpu.memref_slice %arg7[%add3A_129, %dma_wait3A_137] : memref<40x125xi32, #tpu.memory_space<vmem>> -> memref<1x125xi32, #tpu.memory_space<vmem>>
        %dma_wait3A_139 = tpu.memref_squeeze %dma_wait3A_138 : memref<1x125xi32, #tpu.memory_space<vmem>> -> memref<125xi32, #tpu.memory_space<vmem>>
        %dma_wait3A_140 = arith.constant 0 : i32
        %dma_wait3A_141 = arith.constant 0 : i32
        %dma_wait3A_142 = tpu.memref_slice %arg10[%dma_wait3A_140, %dma_wait3A_141] : memref<10000x128xf32, #tpu.memory_space<vmem_shared>> -> memref<10000x128xf32, #tpu.memory_space<vmem_shared>>
        tpu.wait_indirect_dma semaphore(%run_scoped3A_130 : memref<!tpu.dma_semaphore, #tpu.memory_space<semaphore_mem>>) src(%arg9 : memref<125x128xf32, #tpu.memory_space<vmem>>) dst(%dma_wait3A_142 : memref<10000x128xf32, #tpu.memory_space<vmem_shared>>)
        tpu.yield
      }) : () -> ()
    }
    %scan3A_68 = arith.constant 20 : i32
    %run_scoped3A = arith.constant 0 : i32
    %run_scoped3A_69 = arith.constant 1 : i32
    "tpu.region"() ({
      %run_scoped3A_96 = tpu.sem_alloc : memref<!tpu.dma_semaphore, #tpu.memory_space<semaphore_mem>>
      %dma_start3A_97 = arith.constant 0 : i32
      %dma_start3A_98 = arith.constant 0 : i32
      %dma_start3A_99 = tpu.memref_slice %arg3[%run_scoped3A, %add3A, %run_scoped3A_69, %dma_start3A_97, %dma_start3A_98] : memref<2x32x2x40x125xi32, #tpu.memory_space<hbm>> -> memref<1x1x1x40x125xi32, #tpu.memory_space<hbm>>
      %dma_start3A_100 = tpu.memref_squeeze %dma_start3A_99 : memref<1x1x1x40x125xi32, #tpu.memory_space<hbm>> -> memref<40x125xi32, #tpu.memory_space<hbm>>
      %dma_start3A_101 = arith.constant 0 : i32
      %dma_start3A_102 = arith.constant 0 : i32
      %dma_start3A_103 = tpu.memref_slice %arg3[%run_scoped3A, %add3A, %run_scoped3A_69, %dma_start3A_101, %dma_start3A_102] : memref<2x32x2x40x125xi32, #tpu.memory_space<hbm>> -> memref<1x1x1x40x125xi32, #tpu.memory_space<hbm>>
      %dma_start3A_104 = tpu.memref_squeeze %dma_start3A_103 : memref<1x1x1x40x125xi32, #tpu.memory_space<hbm>> -> memref<40x125xi32, #tpu.memory_space<hbm>>
      tpu.enqueue_dma source(%dma_start3A_104 : memref<40x125xi32, #tpu.memory_space<hbm>>) target(%arg6 : memref<40x125xi32, #tpu.memory_space<vmem>>) target_semaphore(%run_scoped3A_96 : memref<!tpu.dma_semaphore, #tpu.memory_space<semaphore_mem>>)
      %dma_wait3A_105 = arith.constant 0 : i32
      %dma_wait3A_106 = arith.constant 0 : i32
      %dma_wait3A_107 = tpu.memref_slice %arg3[%run_scoped3A, %add3A, %run_scoped3A_69, %dma_wait3A_105, %dma_wait3A_106] : memref<2x32x2x40x125xi32, #tpu.memory_space<hbm>> -> memref<1x1x1x40x125xi32, #tpu.memory_space<hbm>>
      %dma_wait3A_108 = tpu.memref_squeeze %dma_wait3A_107 : memref<1x1x1x40x125xi32, #tpu.memory_space<hbm>> -> memref<40x125xi32, #tpu.memory_space<hbm>>
      %dma_wait3A_109 = arith.constant 0 : i32
      %dma_wait3A_110 = arith.constant 0 : i32
      %dma_wait3A_111 = tpu.memref_slice %arg3[%run_scoped3A, %add3A, %run_scoped3A_69, %dma_wait3A_109, %dma_wait3A_110] : memref<2x32x2x40x125xi32, #tpu.memory_space<hbm>> -> memref<1x1x1x40x125xi32, #tpu.memory_space<hbm>>
      %dma_wait3A_112 = tpu.memref_squeeze %dma_wait3A_111 : memref<1x1x1x40x125xi32, #tpu.memory_space<hbm>> -> memref<40x125xi32, #tpu.memory_space<hbm>>
      tpu.wait_dma2 semaphore(%run_scoped3A_96 : memref<!tpu.dma_semaphore, #tpu.memory_space<semaphore_mem>>) src(%dma_wait3A_112 : memref<40x125xi32, #tpu.memory_space<hbm>>) dst(%arg6 : memref<40x125xi32, #tpu.memory_space<vmem>>)
      tpu.yield
    }) : () -> ()
    %run_scoped3A_70 = arith.constant 1 : i32
    %run_scoped3A_71 = arith.constant 1 : i32
    "tpu.region"() ({
      %run_scoped3A_96 = tpu.sem_alloc : memref<!tpu.dma_semaphore, #tpu.memory_space<semaphore_mem>>
      %dma_start3A_97 = arith.constant 0 : i32
      %dma_start3A_98 = arith.constant 0 : i32
      %dma_start3A_99 = tpu.memref_slice %arg3[%run_scoped3A_70, %add3A, %run_scoped3A_71, %dma_start3A_97, %dma_start3A_98] : memref<2x32x2x40x125xi32, #tpu.memory_space<hbm>> -> memref<1x1x1x40x125xi32, #tpu.memory_space<hbm>>
      %dma_start3A_100 = tpu.memref_squeeze %dma_start3A_99 : memref<1x1x1x40x125xi32, #tpu.memory_space<hbm>> -> memref<40x125xi32, #tpu.memory_space<hbm>>
      %dma_start3A_101 = arith.constant 0 : i32
      %dma_start3A_102 = arith.constant 0 : i32
      %dma_start3A_103 = tpu.memref_slice %arg3[%run_scoped3A_70, %add3A, %run_scoped3A_71, %dma_start3A_101, %dma_start3A_102] : memref<2x32x2x40x125xi32, #tpu.memory_space<hbm>> -> memref<1x1x1x40x125xi32, #tpu.memory_space<hbm>>
      %dma_start3A_104 = tpu.memref_squeeze %dma_start3A_103 : memref<1x1x1x40x125xi32, #tpu.memory_space<hbm>> -> memref<40x125xi32, #tpu.memory_space<hbm>>
      tpu.enqueue_dma source(%dma_start3A_104 : memref<40x125xi32, #tpu.memory_space<hbm>>) target(%arg7 : memref<40x125xi32, #tpu.memory_space<vmem>>) target_semaphore(%run_scoped3A_96 : memref<!tpu.dma_semaphore, #tpu.memory_space<semaphore_mem>>)
      %dma_wait3A_105 = arith.constant 0 : i32
      %dma_wait3A_106 = arith.constant 0 : i32
      %dma_wait3A_107 = tpu.memref_slice %arg3[%run_scoped3A_70, %add3A, %run_scoped3A_71, %dma_wait3A_105, %dma_wait3A_106] : memref<2x32x2x40x125xi32, #tpu.memory_space<hbm>> -> memref<1x1x1x40x125xi32, #tpu.memory_space<hbm>>
      %dma_wait3A_108 = tpu.memref_squeeze %dma_wait3A_107 : memref<1x1x1x40x125xi32, #tpu.memory_space<hbm>> -> memref<40x125xi32, #tpu.memory_space<hbm>>
      %dma_wait3A_109 = arith.constant 0 : i32
      %dma_wait3A_110 = arith.constant 0 : i32
      %dma_wait3A_111 = tpu.memref_slice %arg3[%run_scoped3A_70, %add3A, %run_scoped3A_71, %dma_wait3A_109, %dma_wait3A_110] : memref<2x32x2x40x125xi32, #tpu.memory_space<hbm>> -> memref<1x1x1x40x125xi32, #tpu.memory_space<hbm>>
      %dma_wait3A_112 = tpu.memref_squeeze %dma_wait3A_111 : memref<1x1x1x40x125xi32, #tpu.memory_space<hbm>> -> memref<40x125xi32, #tpu.memory_space<hbm>>
      tpu.wait_dma2 semaphore(%run_scoped3A_96 : memref<!tpu.dma_semaphore, #tpu.memory_space<semaphore_mem>>) src(%dma_wait3A_112 : memref<40x125xi32, #tpu.memory_space<hbm>>) dst(%arg7 : memref<40x125xi32, #tpu.memory_space<vmem>>)
      tpu.yield
    }) : () -> ()
    %dma_start3A_72 = arith.constant 0 : i32
    %dma_start3A_73 = arith.constant 0 : i32
    %dma_start3A_74 = tpu.memref_slice %arg6[%dma_start3A_72, %dma_start3A_73] : memref<40x125xi32, #tpu.memory_space<vmem>> -> memref<1x125xi32, #tpu.memory_space<vmem>>
    %dma_start3A_75 = tpu.memref_squeeze %dma_start3A_74 : memref<1x125xi32, #tpu.memory_space<vmem>> -> memref<125xi32, #tpu.memory_space<vmem>>
    %dma_start3A_76 = arith.constant 0 : i32
    %dma_start3A_77 = arith.constant 0 : i32
    %dma_start3A_78 = tpu.memref_slice %arg2[%dma_start3A_76, %dma_start3A_77] : memref<10000x128xf32, #tpu.memory_space<hbm>> -> memref<10000x128xf32, #tpu.memory_space<hbm>>
    tpu.enqueue_indirect_dma source(%dma_start3A_78 : memref<10000x128xf32, #tpu.memory_space<hbm>>) target(%arg8 : memref<125x128xf32, #tpu.memory_space<vmem>>) offsets(%dma_start3A_75 : memref<125xi32, #tpu.memory_space<vmem>>) semaphore(%arg11 : memref<!tpu.dma_semaphore, #tpu.memory_space<semaphore_mem>>)
    %scan3A_79 = arith.constant 0 : i32
    %scan3A_80 = arith.constant 0 : i32
    %scan3A_81 = arith.constant 20 : i32
    %scan3A_82 = arith.addi %scan3A_80, %scan3A_81 : i32
    %scan3A_83 = arith.constant 1 : i32
    scf.for %scan3A_96 = %scan3A_80 to %scan3A_82 step %scan3A_83  : i32 {
      %mul3A_97 = arith.constant 2 : i32
      %mul3A_98 = arith.muli %scan3A_96, %mul3A_97 : i32
      %add3A_99 = arith.constant 1 : i32
      %add3A_100 = arith.addi %mul3A_98, %add3A_99 : i32
      %dma_start3A_101 = arith.constant 0 : i32
      %dma_start3A_102 = tpu.memref_slice %arg6[%add3A_100, %dma_start3A_101] : memref<40x125xi32, #tpu.memory_space<vmem>> -> memref<1x125xi32, #tpu.memory_space<vmem>>
      %dma_start3A_103 = tpu.memref_squeeze %dma_start3A_102 : memref<1x125xi32, #tpu.memory_space<vmem>> -> memref<125xi32, #tpu.memory_space<vmem>>
      %dma_start3A_104 = arith.constant 0 : i32
      %dma_start3A_105 = arith.constant 0 : i32
      %dma_start3A_106 = tpu.memref_slice %arg2[%dma_start3A_104, %dma_start3A_105] : memref<10000x128xf32, #tpu.memory_space<hbm>> -> memref<10000x128xf32, #tpu.memory_space<hbm>>
      tpu.enqueue_indirect_dma source(%dma_start3A_106 : memref<10000x128xf32, #tpu.memory_space<hbm>>) target(%arg9 : memref<125x128xf32, #tpu.memory_space<vmem>>) offsets(%dma_start3A_103 : memref<125xi32, #tpu.memory_space<vmem>>) semaphore(%arg12 : memref<!tpu.dma_semaphore, #tpu.memory_space<semaphore_mem>>)
      %dma_wait3A_107 = arith.constant 0 : i32
      %dma_wait3A_108 = tpu.memref_slice %arg6[%mul3A_98, %dma_wait3A_107] : memref<40x125xi32, #tpu.memory_space<vmem>> -> memref<1x125xi32, #tpu.memory_space<vmem>>
      %dma_wait3A_109 = tpu.memref_squeeze %dma_wait3A_108 : memref<1x125xi32, #tpu.memory_space<vmem>> -> memref<125xi32, #tpu.memory_space<vmem>>
      %dma_wait3A_110 = arith.constant 0 : i32
      %dma_wait3A_111 = arith.constant 0 : i32
      %dma_wait3A_112 = tpu.memref_slice %arg2[%dma_wait3A_110, %dma_wait3A_111] : memref<10000x128xf32, #tpu.memory_space<hbm>> -> memref<10000x128xf32, #tpu.memory_space<hbm>>
      tpu.wait_indirect_dma semaphore(%arg11 : memref<!tpu.dma_semaphore, #tpu.memory_space<semaphore_mem>>) src(%dma_wait3A_112 : memref<10000x128xf32, #tpu.memory_space<hbm>>) dst(%arg8 : memref<125x128xf32, #tpu.memory_space<vmem>>)
      "tpu.region"() ({
        %run_scoped3A_130 = tpu.sem_alloc : memref<!tpu.dma_semaphore, #tpu.memory_space<semaphore_mem>>
        %dma_start3A_131 = arith.constant 0 : i32
        %dma_start3A_132 = tpu.memref_slice %arg7[%mul3A_98, %dma_start3A_131] : memref<40x125xi32, #tpu.memory_space<vmem>> -> memref<1x125xi32, #tpu.memory_space<vmem>>
        %dma_start3A_133 = tpu.memref_squeeze %dma_start3A_132 : memref<1x125xi32, #tpu.memory_space<vmem>> -> memref<125xi32, #tpu.memory_space<vmem>>
        %dma_start3A_134 = arith.constant 0 : i32
        %dma_start3A_135 = arith.constant 0 : i32
        %dma_start3A_136 = tpu.memref_slice %arg10[%dma_start3A_134, %dma_start3A_135] : memref<10000x128xf32, #tpu.memory_space<vmem_shared>> -> memref<10000x128xf32, #tpu.memory_space<vmem_shared>>
        tpu.enqueue_indirect_dma source(%arg8 : memref<125x128xf32, #tpu.memory_space<vmem>>) target(%dma_start3A_136 : memref<10000x128xf32, #tpu.memory_space<vmem_shared>>) offsets(%dma_start3A_133 : memref<125xi32, #tpu.memory_space<vmem>>) semaphore(%run_scoped3A_130 : memref<!tpu.dma_semaphore, #tpu.memory_space<semaphore_mem>>) {add = true}
        %dma_wait3A_137 = arith.constant 0 : i32
        %dma_wait3A_138 = tpu.memref_slice %arg7[%mul3A_98, %dma_wait3A_137] : memref<40x125xi32, #tpu.memory_space<vmem>> -> memref<1x125xi32, #tpu.memory_space<vmem>>
        %dma_wait3A_139 = tpu.memref_squeeze %dma_wait3A_138 : memref<1x125xi32, #tpu.memory_space<vmem>> -> memref<125xi32, #tpu.memory_space<vmem>>
        %dma_wait3A_140 = arith.constant 0 : i32
        %dma_wait3A_141 = arith.constant 0 : i32
        %dma_wait3A_142 = tpu.memref_slice %arg10[%dma_wait3A_140, %dma_wait3A_141] : memref<10000x128xf32, #tpu.memory_space<vmem_shared>> -> memref<10000x128xf32, #tpu.memory_space<vmem_shared>>
        tpu.wait_indirect_dma semaphore(%run_scoped3A_130 : memref<!tpu.dma_semaphore, #tpu.memory_space<semaphore_mem>>) src(%arg8 : memref<125x128xf32, #tpu.memory_space<vmem>>) dst(%dma_wait3A_142 : memref<10000x128xf32, #tpu.memory_space<vmem_shared>>)
        tpu.yield
      }) : () -> ()
      %add3A_113 = arith.constant 2 : i32
      %add3A_114 = arith.addi %mul3A_98, %add3A_113 : i32
      %lt3A_115 = arith.constant 40 : i32
      %lt3A_116 = arith.cmpi slt, %add3A_114, %lt3A_115 : i32
      %convert_element_type3A_117 = arith.extui %lt3A_116 : i1 to i32
      %cond3A_118 = arith.constant 0 : i32
      %cond3A_119 = arith.cmpi ne, %convert_element_type3A_117, %cond3A_118 : i32
      scf.if %cond3A_119 {
        %add3A_130 = arith.constant 2 : i32
        %add3A_131 = arith.addi %mul3A_98, %add3A_130 : i32
        %dma_start3A_132 = arith.constant 0 : i32
        %dma_start3A_133 = tpu.memref_slice %arg6[%add3A_131, %dma_start3A_132] : memref<40x125xi32, #tpu.memory_space<vmem>> -> memref<1x125xi32, #tpu.memory_space<vmem>>
        %dma_start3A_134 = tpu.memref_squeeze %dma_start3A_133 : memref<1x125xi32, #tpu.memory_space<vmem>> -> memref<125xi32, #tpu.memory_space<vmem>>
        %dma_start3A_135 = arith.constant 0 : i32
        %dma_start3A_136 = arith.constant 0 : i32
        %dma_start3A_137 = tpu.memref_slice %arg2[%dma_start3A_135, %dma_start3A_136] : memref<10000x128xf32, #tpu.memory_space<hbm>> -> memref<10000x128xf32, #tpu.memory_space<hbm>>
        tpu.enqueue_indirect_dma source(%dma_start3A_137 : memref<10000x128xf32, #tpu.memory_space<hbm>>) target(%arg8 : memref<125x128xf32, #tpu.memory_space<vmem>>) offsets(%dma_start3A_134 : memref<125xi32, #tpu.memory_space<vmem>>) semaphore(%arg11 : memref<!tpu.dma_semaphore, #tpu.memory_space<semaphore_mem>>)
      } else {
      }
      %add3A_120 = arith.constant 1 : i32
      %add3A_121 = arith.addi %mul3A_98, %add3A_120 : i32
      %dma_wait3A_122 = arith.constant 0 : i32
      %dma_wait3A_123 = tpu.memref_slice %arg6[%add3A_121, %dma_wait3A_122] : memref<40x125xi32, #tpu.memory_space<vmem>> -> memref<1x125xi32, #tpu.memory_space<vmem>>
      %dma_wait3A_124 = tpu.memref_squeeze %dma_wait3A_123 : memref<1x125xi32, #tpu.memory_space<vmem>> -> memref<125xi32, #tpu.memory_space<vmem>>
      %dma_wait3A_125 = arith.constant 0 : i32
      %dma_wait3A_126 = arith.constant 0 : i32
      %dma_wait3A_127 = tpu.memref_slice %arg2[%dma_wait3A_125, %dma_wait3A_126] : memref<10000x128xf32, #tpu.memory_space<hbm>> -> memref<10000x128xf32, #tpu.memory_space<hbm>>
      tpu.wait_indirect_dma semaphore(%arg12 : memref<!tpu.dma_semaphore, #tpu.memory_space<semaphore_mem>>) src(%dma_wait3A_127 : memref<10000x128xf32, #tpu.memory_space<hbm>>) dst(%arg9 : memref<125x128xf32, #tpu.memory_space<vmem>>)
      %add3A_128 = arith.constant 1 : i32
      %add3A_129 = arith.addi %mul3A_98, %add3A_128 : i32
      "tpu.region"() ({
        %run_scoped3A_130 = tpu.sem_alloc : memref<!tpu.dma_semaphore, #tpu.memory_space<semaphore_mem>>
        %dma_start3A_131 = arith.constant 0 : i32
        %dma_start3A_132 = tpu.memref_slice %arg7[%add3A_129, %dma_start3A_131] : memref<40x125xi32, #tpu.memory_space<vmem>> -> memref<1x125xi32, #tpu.memory_space<vmem>>
        %dma_start3A_133 = tpu.memref_squeeze %dma_start3A_132 : memref<1x125xi32, #tpu.memory_space<vmem>> -> memref<125xi32, #tpu.memory_space<vmem>>
        %dma_start3A_134 = arith.constant 0 : i32
        %dma_start3A_135 = arith.constant 0 : i32
        %dma_start3A_136 = tpu.memref_slice %arg10[%dma_start3A_134, %dma_start3A_135] : memref<10000x128xf32, #tpu.memory_space<vmem_shared>> -> memref<10000x128xf32, #tpu.memory_space<vmem_shared>>
        tpu.enqueue_indirect_dma source(%arg9 : memref<125x128xf32, #tpu.memory_space<vmem>>) target(%dma_start3A_136 : memref<10000x128xf32, #tpu.memory_space<vmem_shared>>) offsets(%dma_start3A_133 : memref<125xi32, #tpu.memory_space<vmem>>) semaphore(%run_scoped3A_130 : memref<!tpu.dma_semaphore, #tpu.memory_space<semaphore_mem>>) {add = true}
        %dma_wait3A_137 = arith.constant 0 : i32
        %dma_wait3A_138 = tpu.memref_slice %arg7[%add3A_129, %dma_wait3A_137] : memref<40x125xi32, #tpu.memory_space<vmem>> -> memref<1x125xi32, #tpu.memory_space<vmem>>
        %dma_wait3A_139 = tpu.memref_squeeze %dma_wait3A_138 : memref<1x125xi32, #tpu.memory_space<vmem>> -> memref<125xi32, #tpu.memory_space<vmem>>
        %dma_wait3A_140 = arith.constant 0 : i32
        %dma_wait3A_141 = arith.constant 0 : i32
        %dma_wait3A_142 = tpu.memref_slice %arg10[%dma_wait3A_140, %dma_wait3A_141] : memref<10000x128xf32, #tpu.memory_space<vmem_shared>> -> memref<10000x128xf32, #tpu.memory_space<vmem_shared>>
        tpu.wait_indirect_dma semaphore(%run_scoped3A_130 : memref<!tpu.dma_semaphore, #tpu.memory_space<semaphore_mem>>) src(%arg9 : memref<125x128xf32, #tpu.memory_space<vmem>>) dst(%dma_wait3A_142 : memref<10000x128xf32, #tpu.memory_space<vmem_shared>>)
        tpu.yield
      }) : () -> ()
    }
    %scan3A_84 = arith.constant 20 : i32
    %barrier3A_85 = arith.constant 0 : index
    tpu.barrier barrier_id(%barrier3A_85)
    %lt3A_86 = arith.constant 15 : i32
    %lt3A_87 = arith.cmpi slt, %arg1, %lt3A_86 : i32
    %convert_element_type3A_88 = arith.extui %lt3A_87 : i1 to i32
    %cond3A_89 = arith.constant 0 : i32
    %cond3A_90 = arith.cmpi ne, %convert_element_type3A_88, %cond3A_89 : i32
    scf.if %cond3A_90 {
      "tpu.region"() ({
        %run_scoped3A_96 = tpu.sem_alloc : memref<!tpu.dma_semaphore, #tpu.memory_space<semaphore_mem>>
        %dma_start3A_97 = arith.constant 0 : i32
        %dma_start3A_98 = tpu.memref_slice %arg5[%arg0, %multiple_of3A, %dma_start3A_97] : memref<2x10000x128xf32, #tpu.memory_space<hbm>> -> memref<1x624x128xf32, #tpu.memory_space<hbm>>
        %dma_start3A_99 = tpu.memref_squeeze %dma_start3A_98 : memref<1x624x128xf32, #tpu.memory_space<hbm>> -> memref<624x128xf32, #tpu.memory_space<hbm>>
        %dma_start3A_100 = arith.constant 0 : i32
        %dma_start3A_101 = tpu.memref_slice %arg10[%multiple_of3A, %dma_start3A_100] : memref<10000x128xf32, #tpu.memory_space<vmem_shared>> -> memref<624x128xf32, #tpu.memory_space<vmem_shared>>
        tpu.enqueue_dma source(%dma_start3A_101 : memref<624x128xf32, #tpu.memory_space<vmem_shared>>) target(%dma_start3A_99 : memref<624x128xf32, #tpu.memory_space<hbm>>) target_semaphore(%run_scoped3A_96 : memref<!tpu.dma_semaphore, #tpu.memory_space<semaphore_mem>>)
        %dma_wait3A_102 = arith.constant 0 : i32
        %dma_wait3A_103 = tpu.memref_slice %arg5[%arg0, %multiple_of3A, %dma_wait3A_102] : memref<2x10000x128xf32, #tpu.memory_space<hbm>> -> memref<1x624x128xf32, #tpu.memory_space<hbm>>
        %dma_wait3A_104 = tpu.memref_squeeze %dma_wait3A_103 : memref<1x624x128xf32, #tpu.memory_space<hbm>> -> memref<624x128xf32, #tpu.memory_space<hbm>>
        %dma_wait3A_105 = arith.constant 0 : i32
        %dma_wait3A_106 = tpu.memref_slice %arg10[%multiple_of3A, %dma_wait3A_105] : memref<10000x128xf32, #tpu.memory_space<vmem_shared>> -> memref<624x128xf32, #tpu.memory_space<vmem_shared>>
        tpu.wait_dma2 semaphore(%run_scoped3A_96 : memref<!tpu.dma_semaphore, #tpu.memory_space<semaphore_mem>>) src(%dma_wait3A_106 : memref<624x128xf32, #tpu.memory_space<vmem_shared>>) dst(%dma_wait3A_104 : memref<624x128xf32, #tpu.memory_space<hbm>>)
        tpu.yield
      }) : () -> ()
    } else {
    }
    %eq3A_91 = arith.constant 15 : i32
    %eq3A_92 = arith.cmpi eq, %arg1, %eq3A_91 : i32
    %convert_element_type3A_93 = arith.extui %eq3A_92 : i1 to i32
    %cond3A_94 = arith.constant 0 : i32
    %cond3A_95 = arith.cmpi ne, %convert_element_type3A_93, %cond3A_94 : i32
    scf.if %cond3A_95 {
      "tpu.region"() ({
        %run_scoped3A_96 = tpu.sem_alloc : memref<!tpu.dma_semaphore, #tpu.memory_space<semaphore_mem>>
        %dma_start3A_97 = arith.constant 9360 : i32
        %dma_start3A_98 = arith.constant 0 : i32
        %dma_start3A_99 = tpu.memref_slice %arg5[%arg0, %dma_start3A_97, %dma_start3A_98] : memref<2x10000x128xf32, #tpu.memory_space<hbm>> -> memref<1x640x128xf32, #tpu.memory_space<hbm>>
        %dma_start3A_100 = tpu.memref_squeeze %dma_start3A_99 : memref<1x640x128xf32, #tpu.memory_space<hbm>> -> memref<640x128xf32, #tpu.memory_space<hbm>>
        %dma_start3A_101 = arith.constant 9360 : i32
        %dma_start3A_102 = arith.constant 0 : i32
        %dma_start3A_103 = tpu.memref_slice %arg10[%dma_start3A_101, %dma_start3A_102] : memref<10000x128xf32, #tpu.memory_space<vmem_shared>> -> memref<640x128xf32, #tpu.memory_space<vmem_shared>>
        tpu.enqueue_dma source(%dma_start3A_103 : memref<640x128xf32, #tpu.memory_space<vmem_shared>>) target(%dma_start3A_100 : memref<640x128xf32, #tpu.memory_space<hbm>>) target_semaphore(%run_scoped3A_96 : memref<!tpu.dma_semaphore, #tpu.memory_space<semaphore_mem>>)
        %dma_wait3A_104 = arith.constant 9360 : i32
        %dma_wait3A_105 = arith.constant 0 : i32
        %dma_wait3A_106 = tpu.memref_slice %arg5[%arg0, %dma_wait3A_104, %dma_wait3A_105] : memref<2x10000x128xf32, #tpu.memory_space<hbm>> -> memref<1x640x128xf32, #tpu.memory_space<hbm>>
        %dma_wait3A_107 = tpu.memref_squeeze %dma_wait3A_106 : memref<1x640x128xf32, #tpu.memory_space<hbm>> -> memref<640x128xf32, #tpu.memory_space<hbm>>
        %dma_wait3A_108 = arith.constant 9360 : i32
        %dma_wait3A_109 = arith.constant 0 : i32
        %dma_wait3A_110 = tpu.memref_slice %arg10[%dma_wait3A_108, %dma_wait3A_109] : memref<10000x128xf32, #tpu.memory_space<vmem_shared>> -> memref<640x128xf32, #tpu.memory_space<vmem_shared>>
        tpu.wait_dma2 semaphore(%run_scoped3A_96 : memref<!tpu.dma_semaphore, #tpu.memory_space<semaphore_mem>>) src(%dma_wait3A_110 : memref<640x128xf32, #tpu.memory_space<vmem_shared>>) dst(%dma_wait3A_107 : memref<640x128xf32, #tpu.memory_space<hbm>>)
        tpu.yield
      }) : () -> ()
    } else {
    }
    return
  }
}

module attributes {stable_mosaic.version = 14 : i64} {
  func.func @body(%arg0: i32, %arg1: memref<2x2000x128xf32, #tpu.memory_space<vmem>>, %arg2: memref<2000x128xf32, #tpu.memory_space<vmem>>, %arg3: memref<128x128xf32, #tpu.memory_space<vmem>>, %arg4: memref<1x128xf32, #tpu.memory_space<vmem>>, %arg5: memref<128x128xf32, #tpu.memory_space<vmem>>, %arg6: memref<2000x128xf32, #tpu.memory_space<vmem>>) attributes {dimension_semantics = [#tpu.dimension_semantics<arbitrary>], iteration_bounds = array<i64: 5>, scalar_prefetch = 0 : i64, scratch_operands = 0 : i64, tpu.core_type = #tpu.core_type<tc>, window_params = [{transform_indices = @transform_0, window_bounds = array<i64: 2, 2000, 128>}, {transform_indices = @transform_1, window_bounds = array<i64: 2000, 128>}, {pipeline_mode = #tpu.pipeline_mode<synchronous>, transform_indices = @transform_2, window_bounds = array<i64: 128, 128>}, {pipeline_mode = #tpu.pipeline_mode<synchronous>, transform_indices = @transform_3, window_bounds = array<i64: 1, 128>}, {pipeline_mode = #tpu.pipeline_mode<synchronous>, transform_indices = @transform_4, window_bounds = array<i64: 128, 128>}, {transform_indices = @transform_5, window_bounds = array<i64: 2000, 128>}]} {
    %get3A = arith.constant 0 : index
    %get3A_0 = arith.constant 0 : index
    %get3A_1 = arith.constant 0 : index
    %get3A_2 = vector.load %arg1[%get3A, %get3A_0, %get3A_1] : memref<2x2000x128xf32, #tpu.memory_space<vmem>>, vector<1x2000x128xf32>
    %get3A_3 = vector.shape_cast %get3A_2 : vector<1x2000x128xf32> to vector<2000x128xf32>
    %get3A_4 = arith.constant 1 : index
    %get3A_5 = arith.constant 0 : index
    %get3A_6 = arith.constant 0 : index
    %get3A_7 = vector.load %arg1[%get3A_4, %get3A_5, %get3A_6] : memref<2x2000x128xf32, #tpu.memory_space<vmem>>, vector<1x2000x128xf32>
    %get3A_8 = vector.shape_cast %get3A_7 : vector<1x2000x128xf32> to vector<2000x128xf32>
    %add3A = arith.addf %get3A_3, %get3A_8 : vector<2000x128xf32>
    %get3A_9 = arith.constant 0 : index
    %get3A_10 = arith.constant 0 : index
    %get3A_11 = vector.load %arg3[%get3A_9, %get3A_10] : memref<128x128xf32, #tpu.memory_space<vmem>>, vector<128x128xf32>
    %dot_general3A = arith.constant dense<0.000000e+00> : vector<2000x128xf32>
    %dot_general3A_12 = tpu.matmul %add3A, %get3A_11, %dot_general3A {dimension_numbers = #tpu.dot_dimension_numbers<[1], [0], [0], [1], [0, 0, 1, 1], [], []>, transpose_lhs_hint = false} : vector<2000x128xf32>, vector<128x128xf32>, vector<2000x128xf32> -> vector<2000x128xf32>
    %get3A_13 = arith.constant 0 : index
    %get3A_14 = arith.constant 0 : index
    %get3A_15 = vector.load %arg4[%get3A_13, %get3A_14] : memref<1x128xf32, #tpu.memory_space<vmem>>, vector<1x128xf32>
    %add3A_16 = vector.broadcast %get3A_15 : vector<1x128xf32> to vector<2000x128xf32>
    %add3A_17 = arith.addf %dot_general3A_12, %add3A_16 : vector<2000x128xf32>
    %get3A_18 = arith.constant 0 : index
    %get3A_19 = arith.constant 0 : index
    %get3A_20 = vector.load %arg2[%get3A_18, %get3A_19] : memref<2000x128xf32, #tpu.memory_space<vmem>>, vector<2000x128xf32>
    %get3A_21 = arith.constant 0 : index
    %get3A_22 = arith.constant 0 : index
    %get3A_23 = vector.load %arg5[%get3A_21, %get3A_22] : memref<128x128xf32, #tpu.memory_space<vmem>>, vector<128x128xf32>
    %dot_general3A_24 = arith.constant dense<0.000000e+00> : vector<2000x128xf32>
    %dot_general3A_25 = tpu.matmul %get3A_20, %get3A_23, %dot_general3A_24 {dimension_numbers = #tpu.dot_dimension_numbers<[1], [0], [0], [1], [0, 0, 1, 1], [], []>, transpose_lhs_hint = false} : vector<2000x128xf32>, vector<128x128xf32>, vector<2000x128xf32> -> vector<2000x128xf32>
    %add3A_26 = arith.addf %add3A_17, %dot_general3A_25 : vector<2000x128xf32>
    %max3A = arith.constant 0.000000e+00 : f32
    %max3A_27 = vector.broadcast %max3A : f32 to vector<2000x128xf32>
    %max3A_28 = arith.maximumf %add3A_26, %max3A_27 : vector<2000x128xf32>
    %swap3A = arith.constant 0 : index
    %swap3A_29 = arith.constant 0 : index
    %swap3A_30 = vector.load %arg6[%swap3A, %swap3A_29] : memref<2000x128xf32, #tpu.memory_space<vmem>>, vector<2000x128xf32>
    tpu.vector_store %arg6[%swap3A, %swap3A_29], %max3A_28 {strides = array<i32>} : memref<2000x128xf32, #tpu.memory_space<vmem>>, vector<2000x128xf32>,
    return
  }
  func.func @transform_0(%arg0: i32) -> (i32, i32, i32) {
    %c0_i32 = arith.constant 0 : i32
    %c0_i32_0 = arith.constant 0 : i32
    %c0_i32_1 = arith.constant 0 : i32
    return %c0_i32, %arg0, %c0_i32_0 : i32, i32, i32
  }
  func.func @transform_1(%arg0: i32) -> (i32, i32) {
    %c0_i32 = arith.constant 0 : i32
    %c0_i32_0 = arith.constant 0 : i32
    return %arg0, %c0_i32 : i32, i32
  }
  func.func @transform_2(%arg0: i32) -> (i32, i32) {
    %c0_i32 = arith.constant 0 : i32
    %c0_i32_0 = arith.constant 0 : i32
    %c0_i32_1 = arith.constant 0 : i32
    return %c0_i32, %c0_i32_0 : i32, i32
  }
  func.func @transform_3(%arg0: i32) -> (i32, i32) {
    %c0_i32 = arith.constant 0 : i32
    %c0_i32_0 = arith.constant 0 : i32
    %c0_i32_1 = arith.constant 0 : i32
    return %c0_i32, %c0_i32_0 : i32, i32
  }
  func.func @transform_4(%arg0: i32) -> (i32, i32) {
    %c0_i32 = arith.constant 0 : i32
    %c0_i32_0 = arith.constant 0 : i32
    %c0_i32_1 = arith.constant 0 : i32
    return %c0_i32, %c0_i32_0 : i32, i32
  }
  func.func @transform_5(%arg0: i32) -> (i32, i32) {
    %c0_i32 = arith.constant 0 : i32
    %c0_i32_0 = arith.constant 0 : i32
    return %arg0, %c0_i32 : i32, i32
  }
}

module attributes {stable_mosaic.version = 14 : i64} {
  func.func @body(%arg0: i32, %arg1: memref<2x2000x128xf32, #tpu.memory_space<vmem>>, %arg2: memref<2000x128xf32, #tpu.memory_space<vmem>>, %arg3: memref<1x1x2000xi32, #tpu.memory_space<vmem>>, %arg4: memref<128x128xf32, #tpu.memory_space<vmem>>, %arg5: memref<1x128xf32, #tpu.memory_space<vmem>>, %arg6: memref<128x128xf32, #tpu.memory_space<vmem>>, %arg7: memref<128x128xf32, #tpu.memory_space<vmem>>, %arg8: memref<1x128xf32, #tpu.memory_space<vmem>>, %arg9: memref<128x10xf32, #tpu.memory_space<vmem>>, %arg10: memref<1x10xf32, #tpu.memory_space<vmem>>, %arg11: memref<64x128xf32, #tpu.memory_space<vmem>>, %arg12: memref<64x10xf32, #tpu.memory_space<vmem>>) attributes {dimension_semantics = [#tpu.dimension_semantics<arbitrary>], iteration_bounds = array<i64: 5>, scalar_prefetch = 0 : i64, scratch_operands = 0 : i64, tpu.core_type = #tpu.core_type<tc>, window_params = [{transform_indices = @transform_0, window_bounds = array<i64: 2, 2000, 128>}, {transform_indices = @transform_1, window_bounds = array<i64: 2000, 128>}, {transform_indices = @transform_2, window_bounds = array<i64: 1, 1, 2000>}, {pipeline_mode = #tpu.pipeline_mode<synchronous>, transform_indices = @transform_3, window_bounds = array<i64: 128, 128>}, {pipeline_mode = #tpu.pipeline_mode<synchronous>, transform_indices = @transform_4, window_bounds = array<i64: 1, 128>}, {pipeline_mode = #tpu.pipeline_mode<synchronous>, transform_indices = @transform_5, window_bounds = array<i64: 128, 128>}, {pipeline_mode = #tpu.pipeline_mode<synchronous>, transform_indices = @transform_6, window_bounds = array<i64: 128, 128>}, {pipeline_mode = #tpu.pipeline_mode<synchronous>, transform_indices = @transform_7, window_bounds = array<i64: 1, 128>}, {pipeline_mode = #tpu.pipeline_mode<synchronous>, transform_indices = @transform_8, window_bounds = array<i64: 128, 10>}, {pipeline_mode = #tpu.pipeline_mode<synchronous>, transform_indices = @transform_9, window_bounds = array<i64: 1, 10>}, {pipeline_mode = #tpu.pipeline_mode<synchronous>, transform_indices = @transform_10, window_bounds = array<i64: 64, 128>}, {pipeline_mode = #tpu.pipeline_mode<synchronous>, transform_indices = @transform_11, window_bounds = array<i64: 64, 10>}]} {
    %get3A = arith.constant 0 : index
    %get3A_0 = arith.constant 0 : index
    %get3A_1 = arith.constant 0 : index
    %get3A_2 = vector.load %arg1[%get3A, %get3A_0, %get3A_1] : memref<2x2000x128xf32, #tpu.memory_space<vmem>>, vector<1x2000x128xf32>
    %get3A_3 = vector.shape_cast %get3A_2 : vector<1x2000x128xf32> to vector<2000x128xf32>
    %get3A_4 = arith.constant 1 : index
    %get3A_5 = arith.constant 0 : index
    %get3A_6 = arith.constant 0 : index
    %get3A_7 = vector.load %arg1[%get3A_4, %get3A_5, %get3A_6] : memref<2x2000x128xf32, #tpu.memory_space<vmem>>, vector<1x2000x128xf32>
    %get3A_8 = vector.shape_cast %get3A_7 : vector<1x2000x128xf32> to vector<2000x128xf32>
    %add3A = arith.addf %get3A_3, %get3A_8 : vector<2000x128xf32>
    %get3A_9 = arith.constant 0 : index
    %get3A_10 = arith.constant 0 : index
    %get3A_11 = vector.load %arg4[%get3A_9, %get3A_10] : memref<128x128xf32, #tpu.memory_space<vmem>>, vector<128x128xf32>
    %dot_general3A = arith.constant dense<0.000000e+00> : vector<2000x128xf32>
    %dot_general3A_12 = tpu.matmul %add3A, %get3A_11, %dot_general3A {dimension_numbers = #tpu.dot_dimension_numbers<[1], [0], [0], [1], [0, 0, 1, 1], [], []>, transpose_lhs_hint = false} : vector<2000x128xf32>, vector<128x128xf32>, vector<2000x128xf32> -> vector<2000x128xf32>
    %get3A_13 = arith.constant 0 : index
    %get3A_14 = arith.constant 0 : index
    %get3A_15 = vector.load %arg5[%get3A_13, %get3A_14] : memref<1x128xf32, #tpu.memory_space<vmem>>, vector<1x128xf32>
    %add3A_16 = vector.broadcast %get3A_15 : vector<1x128xf32> to vector<2000x128xf32>
    %add3A_17 = arith.addf %dot_general3A_12, %add3A_16 : vector<2000x128xf32>
    %get3A_18 = arith.constant 0 : index
    %get3A_19 = arith.constant 0 : index
    %get3A_20 = vector.load %arg2[%get3A_18, %get3A_19] : memref<2000x128xf32, #tpu.memory_space<vmem>>, vector<2000x128xf32>
    %get3A_21 = arith.constant 0 : index
    %get3A_22 = arith.constant 0 : index
    %get3A_23 = vector.load %arg6[%get3A_21, %get3A_22] : memref<128x128xf32, #tpu.memory_space<vmem>>, vector<128x128xf32>
    %dot_general3A_24 = arith.constant dense<0.000000e+00> : vector<2000x128xf32>
    %dot_general3A_25 = tpu.matmul %get3A_20, %get3A_23, %dot_general3A_24 {dimension_numbers = #tpu.dot_dimension_numbers<[1], [0], [0], [1], [0, 0, 1, 1], [], []>, transpose_lhs_hint = false} : vector<2000x128xf32>, vector<128x128xf32>, vector<2000x128xf32> -> vector<2000x128xf32>
    %add3A_26 = arith.addf %add3A_17, %dot_general3A_25 : vector<2000x128xf32>
    %max3A = arith.constant 0.000000e+00 : f32
    %max3A_27 = vector.broadcast %max3A : f32 to vector<2000x128xf32>
    %max3A_28 = arith.maximumf %add3A_26, %max3A_27 : vector<2000x128xf32>
    %get3A_29 = arith.constant 0 : index
    %get3A_30 = arith.constant 0 : index
    %get3A_31 = arith.constant 0 : index
    %get3A_32 = vector.load %arg3[%get3A_29, %get3A_30, %get3A_31] : memref<1x1x2000xi32, #tpu.memory_space<vmem>>, vector<1x1x2000xi32>
    %get3A_33 = vector.shape_cast %get3A_32 : vector<1x1x2000xi32> to vector<2000xi32>
    %iota3A = tpu.iota {dimensions = array<i32: 0>} : vector<64x2000xi32>
    %broadcast_in_dim3A = vector.shape_cast %get3A_33 : vector<2000xi32> to vector<1x2000xi32>
    %eq3A = vector.broadcast %broadcast_in_dim3A : vector<1x2000xi32> to vector<64x2000xi32>
    %eq3A_34 = arith.cmpi eq, %iota3A, %eq3A : vector<64x2000xi32>
    %convert_element_type3A = arith.extui %eq3A_34 : vector<64x2000xi1> to vector<64x2000xi32>
    %convert_element_type3A_35 = arith.sitofp %convert_element_type3A : vector<64x2000xi32> to vector<64x2000xf32>
    %dot_general3A_36 = arith.constant dense<0.000000e+00> : vector<64x128xf32>
    %dot_general3A_37 = tpu.matmul %convert_element_type3A_35, %max3A_28, %dot_general3A_36 {dimension_numbers = #tpu.dot_dimension_numbers<[1], [0], [0], [1], [0, 0, 1, 1], [], []>, transpose_lhs_hint = false} : vector<64x2000xf32>, vector<2000x128xf32>, vector<64x128xf32> -> vector<64x128xf32>
    %eq3A_38 = arith.constant 0 : i32
    %eq3A_39 = arith.cmpi eq, %arg0, %eq3A_38 : i32
    %convert_element_type3A_40 = arith.extui %eq3A_39 : i1 to i32
    %cond3A = arith.constant 0 : i32
    %cond3A_41 = arith.cmpi ne, %convert_element_type3A_40, %cond3A : i32
    scf.if %cond3A_41 {
      %swap3A = arith.constant 0 : index
      %swap3A_51 = arith.constant 0 : index
      %swap3A_52 = vector.load %arg11[%swap3A, %swap3A_51] : memref<64x128xf32, #tpu.memory_space<vmem>>, vector<64x128xf32>
      tpu.vector_store %arg11[%swap3A, %swap3A_51], %dot_general3A_37 {strides = array<i32>} : memref<64x128xf32, #tpu.memory_space<vmem>>, vector<64x128xf32>,
    } else {
    }
    %gt3A = arith.constant 0 : i32
    %gt3A_42 = arith.cmpi sgt, %arg0, %gt3A : i32
    %convert_element_type3A_43 = arith.extui %gt3A_42 : i1 to i32
    %cond3A_44 = arith.constant 0 : i32
    %cond3A_45 = arith.cmpi ne, %convert_element_type3A_43, %cond3A_44 : i32
    scf.if %cond3A_45 {
      %get3A_51 = arith.constant 0 : index
      %get3A_52 = arith.constant 0 : index
      %get3A_53 = vector.load %arg11[%get3A_51, %get3A_52] : memref<64x128xf32, #tpu.memory_space<vmem>>, vector<64x128xf32>
      %add3A_54 = arith.addf %get3A_53, %dot_general3A_37 : vector<64x128xf32>
      %swap3A = arith.constant 0 : index
      %swap3A_55 = arith.constant 0 : index
      %swap3A_56 = vector.load %arg11[%swap3A, %swap3A_55] : memref<64x128xf32, #tpu.memory_space<vmem>>, vector<64x128xf32>
      tpu.vector_store %arg11[%swap3A, %swap3A_55], %add3A_54 {strides = array<i32>} : memref<64x128xf32, #tpu.memory_space<vmem>>, vector<64x128xf32>,
    } else {
    }
    %eq3A_46 = arith.constant 4 : i32
    %eq3A_47 = arith.cmpi eq, %arg0, %eq3A_46 : i32
    %convert_element_type3A_48 = arith.extui %eq3A_47 : i1 to i32
    %cond3A_49 = arith.constant 0 : i32
    %cond3A_50 = arith.cmpi ne, %convert_element_type3A_48, %cond3A_49 : i32
    scf.if %cond3A_50 {
      %get3A_51 = arith.constant 0 : index
      %get3A_52 = arith.constant 0 : index
      %get3A_53 = vector.load %arg11[%get3A_51, %get3A_52] : memref<64x128xf32, #tpu.memory_space<vmem>>, vector<64x128xf32>
      %get3A_54 = arith.constant 0 : index
      %get3A_55 = arith.constant 0 : index
      %get3A_56 = vector.load %arg7[%get3A_54, %get3A_55] : memref<128x128xf32, #tpu.memory_space<vmem>>, vector<128x128xf32>
      %dot_general3A_57 = arith.constant dense<0.000000e+00> : vector<64x128xf32>
      %dot_general3A_58 = tpu.matmul %get3A_53, %get3A_56, %dot_general3A_57 {dimension_numbers = #tpu.dot_dimension_numbers<[1], [0], [0], [1], [0, 0, 1, 1], [], []>, transpose_lhs_hint = false} : vector<64x128xf32>, vector<128x128xf32>, vector<64x128xf32> -> vector<64x128xf32>
      %get3A_59 = arith.constant 0 : index
      %get3A_60 = arith.constant 0 : index
      %get3A_61 = vector.load %arg8[%get3A_59, %get3A_60] : memref<1x128xf32, #tpu.memory_space<vmem>>, vector<1x128xf32>
      %add3A_62 = vector.broadcast %get3A_61 : vector<1x128xf32> to vector<64x128xf32>
      %add3A_63 = arith.addf %dot_general3A_58, %add3A_62 : vector<64x128xf32>
      %max3A_64 = arith.constant 0.000000e+00 : f32
      %max3A_65 = vector.broadcast %max3A_64 : f32 to vector<64x128xf32>
      %max3A_66 = arith.maximumf %add3A_63, %max3A_65 : vector<64x128xf32>
      %get3A_67 = arith.constant 0 : index
      %get3A_68 = arith.constant 0 : index
      %get3A_69 = vector.load %arg9[%get3A_67, %get3A_68] : memref<128x10xf32, #tpu.memory_space<vmem>>, vector<128x10xf32>
      %dot_general3A_70 = arith.constant dense<0.000000e+00> : vector<64x10xf32>
      %dot_general3A_71 = tpu.matmul %max3A_66, %get3A_69, %dot_general3A_70 {dimension_numbers = #tpu.dot_dimension_numbers<[1], [0], [0], [1], [0, 0, 1, 1], [], []>, transpose_lhs_hint = false} : vector<64x128xf32>, vector<128x10xf32>, vector<64x10xf32> -> vector<64x10xf32>
      %get3A_72 = arith.constant 0 : index
      %get3A_73 = arith.constant 0 : index
      %get3A_74 = vector.load %arg10[%get3A_72, %get3A_73] : memref<1x10xf32, #tpu.memory_space<vmem>>, vector<1x10xf32>
      %add3A_75 = vector.broadcast %get3A_74 : vector<1x10xf32> to vector<64x10xf32>
      %add3A_76 = arith.addf %dot_general3A_71, %add3A_75 : vector<64x10xf32>
      %swap3A = arith.constant 0 : index
      %swap3A_77 = arith.constant 0 : index
      %swap3A_78 = vector.load %arg12[%swap3A, %swap3A_77] : memref<64x10xf32, #tpu.memory_space<vmem>>, vector<64x10xf32>
      tpu.vector_store %arg12[%swap3A, %swap3A_77], %add3A_76 {strides = array<i32>} : memref<64x10xf32, #tpu.memory_space<vmem>>, vector<64x10xf32>,
    } else {
    }
    return
  }
  func.func @transform_0(%arg0: i32) -> (i32, i32, i32) {
    %c0_i32 = arith.constant 0 : i32
    %c0_i32_0 = arith.constant 0 : i32
    %c0_i32_1 = arith.constant 0 : i32
    return %c0_i32, %arg0, %c0_i32_0 : i32, i32, i32
  }
  func.func @transform_1(%arg0: i32) -> (i32, i32) {
    %c0_i32 = arith.constant 0 : i32
    %c0_i32_0 = arith.constant 0 : i32
    return %arg0, %c0_i32 : i32, i32
  }
  func.func @transform_2(%arg0: i32) -> (i32, i32, i32) {
    %c0_i32 = arith.constant 0 : i32
    %c0_i32_0 = arith.constant 0 : i32
    %c0_i32_1 = arith.constant 0 : i32
    return %arg0, %c0_i32, %c0_i32_0 : i32, i32, i32
  }
  func.func @transform_3(%arg0: i32) -> (i32, i32) {
    %c0_i32 = arith.constant 0 : i32
    %c0_i32_0 = arith.constant 0 : i32
    %c0_i32_1 = arith.constant 0 : i32
    return %c0_i32, %c0_i32_0 : i32, i32
  }
  func.func @transform_4(%arg0: i32) -> (i32, i32) {
    %c0_i32 = arith.constant 0 : i32
    %c0_i32_0 = arith.constant 0 : i32
    %c0_i32_1 = arith.constant 0 : i32
    return %c0_i32, %c0_i32_0 : i32, i32
  }
  func.func @transform_5(%arg0: i32) -> (i32, i32) {
    %c0_i32 = arith.constant 0 : i32
    %c0_i32_0 = arith.constant 0 : i32
    %c0_i32_1 = arith.constant 0 : i32
    return %c0_i32, %c0_i32_0 : i32, i32
  }
  func.func @transform_6(%arg0: i32) -> (i32, i32) {
    %c0_i32 = arith.constant 0 : i32
    %c0_i32_0 = arith.constant 0 : i32
    %c0_i32_1 = arith.constant 0 : i32
    return %c0_i32, %c0_i32_0 : i32, i32
  }
  func.func @transform_7(%arg0: i32) -> (i32, i32) {
    %c0_i32 = arith.constant 0 : i32
    %c0_i32_0 = arith.constant 0 : i32
    %c0_i32_1 = arith.constant 0 : i32
    return %c0_i32, %c0_i32_0 : i32, i32
  }
  func.func @transform_8(%arg0: i32) -> (i32, i32) {
    %c0_i32 = arith.constant 0 : i32
    %c0_i32_0 = arith.constant 0 : i32
    %c0_i32_1 = arith.constant 0 : i32
    return %c0_i32, %c0_i32_0 : i32, i32
  }
  func.func @transform_9(%arg0: i32) -> (i32, i32) {
    %c0_i32 = arith.constant 0 : i32
    %c0_i32_0 = arith.constant 0 : i32
    %c0_i32_1 = arith.constant 0 : i32
    return %c0_i32, %c0_i32_0 : i32, i32
  }
  func.func @transform_10(%arg0: i32) -> (i32, i32) {
    %c0_i32 = arith.constant 0 : i32
    %c0_i32_0 = arith.constant 0 : i32
    %c0_i32_1 = arith.constant 0 : i32
    return %c0_i32, %c0_i32_0 : i32, i32
  }
  func.func @transform_11(%arg0: i32) -> (i32, i32) {
    %c0_i32 = arith.constant 0 : i32
    %c0_i32_0 = arith.constant 0 : i32
    %c0_i32_1 = arith.constant 0 : i32
    return %c0_i32, %c0_i32_0 : i32, i32
  }
}

</mosaic_0001>

<sc_bundles>
// kernel: kernel.11.cloned.1.call-start
scs
__scs_entry_jumppad:
0x0: {  	(pc) =	sbr.rel $0x88, $3  }
0x1: {  	(tag) =	ssettag $0x0;
	lr =	simm.s32 $0x1  }
0x2: {  	[smem:$0x3F91] =	sst lr;
	_ =	strace $0xD0000000  }
0x3: {  	_ = 	snop  }
0x4: {  	_ = 	snop  }
0x5: {  	_ = 	snop  }
0x6: {  	_ = 	snop  }
0x7: {  	_ = 	snop  }
__scs_overlays_trampoline_lowered:
0x8: {  	[smem:$0x3FA0] =	sst s0  }
0x9: {  	[smem:$0x3FA1] =	sst s1  }
0xa: {  	[smem:$0x3FA2] =	sst s2  }
0xb: {  	[smem:$0x3FA3] =	sst s3  }
0xc: {  	[smem:$0x3FA4] =	sst s4  }
0xd: {  	[smem:$0x3FA5] =	sst s5  }
0xe: {  	[smem:$0x3FA6] =	sst s6  }
0xf: {  	[smem:$0x3FA7] =	sst s7  }
0x10: {  	[smem:$0x3FA8] =	sst s8  }
0x11: {  	[smem:$0x3FA9] =	sst s9;
	s0 =	simm.s32 @!p0 $0x0  }
0x12: {  	s1 =	sld [smem:$0x3F8F];
	s0 =	simm.s32 @p0 $0x1  }
0x13: {  	[smem:$0x3FAA] =	sst s0;
	s0 =	simm.s32 @!p1 $0x0  }
0x14: {  	s2 =	sld [smem:$0x3F8E];
	s0 =	simm.s32 @p1 $0x1  }
0x15: {  	[smem:$0x3FAB] =	sst s0;
	s0 =	simm.s32 @!p2 $0x0  }
0x16: {  	s3 =	sld [smem:$0x3FDB];
	s0 =	simm.s32 @p2 $0x1  }
0x17: {  	s4 =	simm.s32 $0x1BF5;
	[smem:$0x3FAD] =	sst s0  }
0x18: {  	s0 =	sld [smem:$0x3F90];
	_ =	swait.ge [sflag:s4], $0x0  }
0x19: {  	s7 =	sld [smem:$0x3F91]  }
0x1a: {  	s8 =	sadd.s32 $0xFFFFE003, lr  }
0x1b: {  	s9 =	sadd.s32 $0xFFFFFEF7, lr;
	s5 =	simm.s32 $0xFFFFFFFF;
	p2 =	slt.u32 s8, $0xFFFFF086  }
0x1c: {  	p1 =	slt.u32 s9, $0xF7A;
	s5 =	simm.s32 @!p2 $0x0  }
0x1d: {  	s5 =	simm.s32 @p1 $0x1;
	p0 =	seq.s32 s7, s2  }
0x1e: {  	s7 =	smul.u32 @!p0 $0xF7A, s2;
	p2 =	seq.s32 @!p0 s5, $0x0  }
0x1f: {  	s9 =	smul.u32 $0xF7A, s1;
	s8 =	simm.s32 @!p0 $0x1BF5;
	p2 =	por !p2, p0  }
0x20: {  	[sflag:s8] =	ssyncset.s32 @!p0 $0xFFFFF086;
	s6 =	sadd.s32 @!p0 s3, s7;
	s7 =	simm.s32 @!p0 $0x108  }
0x21: {  	s3 =	sadd.s32 s3, s9;
	s6 =	sadd.s32 @!p0 $0x88, s6;
	s7 =	simm.s32 @p2 $0x1082  }
0x22: {  	[simem:s7], [sflag:s8] =	dma.local @!p0 [hbm:s6], $0xF7A  }
0x23: {  	s9 =	sor.u32 $0xD0000000, s2;
	s6 =	simm.s32 $0x108;
	_ =	swait.ge @!p0 [sflag:s8], $0x0  }
0x24: {  	s3 =	sadd.s32 $0x88, s3;
	s6 =	simm.s32 @!p1 $0x1082;
	[sflag:s4] =	ssyncset.s32 $0xFFFFF086  }
0x25: {  	[simem:s6], [sflag:s4] =	dma.local [hbm:s3], $0xF7A  }
0x26: {  	[smem:$0x3F91] =	sst s1;
	(tag) =	ssettag s2;
	_ =	strace s9  }
0x27: {  	s1 =	sld [smem:$0x3FA1]  }
0x28: {  	s2 =	sld [smem:$0x3FA2]  }
0x29: {  	s4 =	sld [smem:$0x3FA4]  }
0x2a: {  	p0 =	seq.s32 s5, $0x0;
	s5 =	sld [smem:$0x3FA5]  }
0x2b: {  	s6 =	sld [smem:$0x3FA6]  }
0x2c: {  	s7 =	sld [smem:$0x3FA7]  }
0x2d: {  	s3 =	simm.s32 $0x108;
	s8 =	sld [smem:$0x3FA8]  }
0x2e: {  	s3 =	simm.s32 @!p0 $0x1082;
	s9 =	sld [smem:$0x3FA9]  }
0x2f: {  	lr =	sadd.s32 s0, s3;
	s0 =	sld [smem:$0x3FA0]  }
0x30: {  	s3 =	sld [smem:$0x3FA3]  }
0x31: {  	[smem:$0x3FAC] =	sst s10  }
0x32: {  	s10 =	sld [smem:$0x3FAA];
	_ =	sdelay $0x3  }
0x33: {  	p0 =	seq.s32 s10, $0x1;
	s10 =	sld [smem:$0x3FAC];
	_ =	sdelay $0x3  }
0x34: {  	[smem:$0x3FAC] =	sst s10  }
0x35: {  	s10 =	sld [smem:$0x3FAB];
	_ =	sdelay $0x3  }
0x36: {  	p1 =	seq.s32 s10, $0x1;
	s10 =	sld [smem:$0x3FAC];
	_ =	sdelay $0x3  }
0x37: {  	[smem:$0x3FAC] =	sst s10  }
0x38: {  	s10 =	sld [smem:$0x3FAD]  }
0x39: {  	_ = 	snop;
	(pc) =	sbr.ind lr, $3  }
0x3a: {  	_ = 	snop  }
0x3b: {  	_ = 	snop  }
0x3c: {  	p2 =	seq.s32 s10, $0x1;
	s10 =	sld [smem:$0x3FAC]  }
0x3d: {  	_ =	shalt  }
0x3e: {  	_ =	shalt  }
0x3f: {  	_ =	shalt  }
0x40: {  	_ =	shalt  }
0x41: {  	_ =	shalt  }
0x42: {  	_ =	shalt  }
0x43: {  	_ =	shalt  }
0x44: {  	_ =	shalt  }
0x45: {  	_ =	shalt  }
0x46: {  	_ =	shalt  }
0x47: {  	_ =	shalt  }
0x48: {  	_ =	shalt  }
0x49: {  	_ =	shalt  }
0x4a: {  	_ =	shalt  }
0x4b: {  	_ =	shalt  }
0x4c: {  	_ =	shalt  }
0x4d: {  	_ =	shalt  }
0x4e: {  	_ =	shalt  }
0x4f: {  	_ =	shalt  }
0x50: {  	_ =	shalt  }
0x51: {  	_ =	shalt  }
0x52: {  	_ =	shalt  }
0x53: {  	_ =	shalt  }
0x54: {  	_ =	shalt  }
0x55: {  	_ =	shalt  }
0x56: {  	_ =	shalt  }
0x57: {  	_ =	shalt  }
0x58: {  	_ =	shalt  }
0x59: {  	_ =	shalt  }
0x5a: {  	_ =	shalt  }
0x5b: {  	_ =	shalt  }
0x5c: {  	_ =	shalt  }
0x5d: {  	_ =	shalt  }
0x5e: {  	_ =	shalt  }
0x5f: {  	_ =	shalt  }
0x60: {  	_ =	shalt  }
0x61: {  	_ =	shalt  }
0x62: {  	_ =	shalt  }
0x63: {  	_ =	shalt  }
0x64: {  	_ =	shalt  }
0x65: {  	_ =	shalt  }
0x66: {  	_ =	shalt  }
0x67: {  	_ =	shalt  }
0x68: {  	_ =	shalt  }
0x69: {  	_ =	shalt  }
0x6a: {  	_ =	shalt  }
0x6b: {  	_ =	shalt  }
0x6c: {  	_ =	shalt  }
0x6d: {  	_ =	shalt  }
0x6e: {  	_ =	shalt  }
0x6f: {  	_ =	shalt  }
0x70: {  	_ =	shalt  }
0x71: {  	_ =	shalt  }
0x72: {  	_ =	shalt  }
0x73: {  	_ =	shalt  }
0x74: {  	_ =	shalt  }
0x75: {  	_ =	shalt  }
0x76: {  	_ =	shalt  }
0x77: {  	_ =	shalt  }
0x78: {  	_ =	shalt  }
0x79: {  	_ =	shalt  }
0x7a: {  	_ =	shalt  }
0x7b: {  	_ =	shalt  }
0x7c: {  	_ =	shalt  }
0x7d: {  	_ =	shalt  }
0x7e: {  	_ =	shalt  }
0x7f: {  	_ =	shalt  }
0x80: {  	_ =	shalt  }
0x81: {  	_ =	shalt  }
0x82: {  	_ =	shalt  }
0x83: {  	_ =	shalt  }
0x84: {  	_ =	shalt  }
0x85: {  	_ =	shalt  }
0x86: {  	_ =	shalt  }
0x87: {  	_ =	shalt  }
.Lfunc_end0:
.L_simem_size_0:
called_computation.1_lowered:
.L_overlay_start_0:
0x88: {  	s2 =	sld [smem:$0x3FD9]  }
0x89: {  	s3 =	sld [smem:$0x3FFE];
	_ =	sdelay $0x1  }
0x8a: {  	s1 =	srdreg.scid  }
0x8b: {  	s0 =	sand.u32 $0x1, s1  }
0x8c: {  	s16 =	sshll.u32 s0, $0xA;
	s2 =	sadd.s32 s3, s2  }
0x8d: {  	s2 =	sadd.s32 s2, s16  }
0x8e: {  	[smem:$0x3FB8] =	sst s2  }
0x8f: {  	_ = 	snop  }
0x90: {  	(tm) =	ssettm $0x1  }
0x91: {  	s17 =	sld [smem:$0x3FFB];
	_ =	sdelay $0x3  }
0x92: {  	_ =	strace s17  }
0x93: {  	s2 =	sld [smem:$0x3FFC];
	_ =	sdelay $0x3  }
0x94: {  	_ =	strace s2  }
0x95: {  	s2 =	sld [smem:$0x3FFD];
	_ =	sdelay $0x3  }
0x96: {  	_ =	strace s2  }
0x97: {  	_ =	strace $0x8FFFFFFF  }
0x98: {  	s18 =	sld [smem:$0x3FDB];
	_ =	sdelay $0x1  }
0x99: {  	s19 =	simm.s32 $_scs_section_size  }
0x9a: {  	s4 =	simm.s32 $_size__tile_overlayer_lowered;
	s5 =	simm.s32 $_tile_overlayer_lowered  }
0x9b: {  	s22 =	simm.s32 $0x1BFF;
	s21 =	sshll.u32 s5, $0x1;
	s2 =	sadd.s32 s19, s18  }
0x9c: {  	s6 =	simm.s32 $0x0;
	s20 =	sshll.u32 s4, $0x1;
	s4 =	sadd.s32 s21, s2  }
0x9d: {  	[timem:s6], [sflag:s22] =	dma.local [hbm:s4], s20  }
0x9e: {  	_ =	swait.ge [sflag:s22], s20  }
0x9f: {  	s3 =	ssub.s32 $0x0, s20;
	[sflag:s22] =	ssyncset.done $0x0  }
0xa0: {  	[sflag:s22] =	ssyncadd.s32 s3;
	_ =	sdelay $0x1  }
0xa1: {  	s23 =	simm.s32 $0x1B8B  }
0xa2: {  	_ =	swait.ge [sflag:s23], $0x1  }
0xa3: {  	[sflag:s23] =	ssyncset.done $0x0  }
0xa4: {  	s25 =	simm.s32 $0x1B8E;
	s24 =	sld [smem:$0x3FFE];
	[sflag:s23] =	ssyncadd.s32 $0xFFFFFFFF  }
0xa5: {  	s26 =	simm.s32 $execute0_lowered;
	[smem:$0x3FD2] =	sst s25  }
0xa6: {  	s4 =	sshll.u32 s26, $0x1;
	_ =	strace $0x80000049;
	[dreg:$0x1] =	wrdreg $0xFFFFFFFF  }
0xa7: {  	s28 =	simm.s32 $_size_execute0_lowered;
	s2 =	sadd.s32 s2, s4;
	[dreg:$0x0] =	wrdreg $0x0  }
0xa8: {  	s4 =	sshll.u32 s28, $0x1;
	[dreg:$0x2] =	wrdreg s2  }
0xa9: {  	[dreg:$0x3] =	wrdreg s4  }
0xaa: {  	[dreg:$0x4] =	wrdreg $0xC0  }
0xab: {  	_ =	task [dreg:s6], $0x5FFFF  }
0xac: {  	[dreg:$0x1] =	wrdreg $0xFFFFFFFF  }
0xad: {  	[dreg:$0x0] =	wrdreg $0x60  }
0xae: {  	[dreg:$0x2] =	wrdreg s24  }
0xaf: {  	[dreg:$0x3] =	wrdreg $0xA8000  }
0xb0: {  	[dreg:$0x4] =	wrdreg $0x9  }
0xb1: {  	_ =	task.clear_ibuf [dreg:s6], $0x5FFFF;
	_ =	strace $0x90000049  }
0xb2: {  	s29 =	simm.s32 $0x9;
	_ =	strace $0x8000004B  }
0xb3: {  	_ =	swait.ge [sflag:s29], $0x1  }
0xb4: {  	[sflag:s29] =	ssyncadd.s32 $0xFFFFFFFF  }
0xb5: {  	_ =	strace $0x9000004B  }
0xb6: {  	_ =	sfence  }
0xb7: {  	s30 =	sld [smem:$0x0];
	_ =	sdelay $0x2  }
0xb8: {  	s31 =	sshll.u32 s1, $0xD;
	s1 =	sshrl.u32 s1, $0x2  }
0xb9: {  	s3 =	sand.u32 $0x4000, s31;
	s1 =	sadd.s32 s1, s30  }
0xba: {  	s0 =	sor.u32 s3, s0;
	s1 =	sshll.u32 s1, $0x11  }
0xbb: {  	s0 =	sor.u32 s1, s0  }
0xbc: {  	s0 =	sadd.s32 $0x8F2B, s0  }
0xbd: {  	[sflag:s0] =	ssyncadd.remote.s32 $0x1  }
0xbe: {  	_ =	sfence.sel $0xFFFF  }
0xbf: {  	[dreg:$0x0] =	wrdreg $0xFFFFFFFF;
	(pc) =	sbr.abs _section_cstart, $3  }
0xc0: {  	[dreg:$0x1] =	wrdreg $0xFFFFFFFF  }
0xc1: {  	_ =	task.clear_ibuf [dreg:s6], $0x2FFFF;
	_ =	strace $0x9FFFFFFF  }
0xc2: {  	(tm) =	ssettm $0x7FFFFFFF  }
0xc3: {  	_ =	shalt  }
tec
execute0_lowered:
.L_overlay_start_1:
0x0: {  	(tag) =	ssettag $0x1  }
0x1: {  	s6 =	rddreg [dreg:$0x0];
	s1 =	srdreg.scid  }
0x2: {  	s0 =	stileid.u32;
	s2 =	rddreg [dreg:$0x1];
	s3 =	simm.s32 $0x0  }
0x3: {  	s18 =	simm.s32 $0x1400;
	s19 =	simm.s32 $0x1;
	s20 =	simm.s32 $0x2  }
0x4: {  	s21 =	simm.s32 $0x7D;
	s22 =	simm.s32 $0x2800;
	s23 =	simm.s32 $0x6800  }
0x5: {  	s28 =	simm.s32 $0x2780;
	s29 =	simm.s32 $0x0;
	s7 =	sand.u32 $0x1, s1  }
0x6: {  	s4 =	sshll.u32 s0, $0x1;
	[smem:$0x7FF] =	sst s3;
	s8 =	smul.u32 $0x2700, s0  }
0x7: {  	s10 =	smul.u32 $0x4E000, s0;
	s12 =	sadd.s32 $0x66400, s6;
	s15 =	sadd.s32 $0x124800, s2  }
0x8: {  	s16 =	smul.u32 $0x13800, s0;
	p0 =	seq.s32 s0, $0xF;
	s4 =	sor.u32 s7, s4  }
0x9: {  	_ =	strace $0x8000004A;
	s9 =	ssub.s32 $0x2, s7;
	s13 =	smul.u32 $0x138800, s7  }
0xa: {  	s15 =	sshrl.u32 @p0 s15, $0x3;
	s5 =	smul.u32 $0x2800, s4;
	s4 =	sadd.s32 $0x3F200, s6  }
0xb: {  	s24 =	sadd.s32 s8, s6;
	s25 =	sshrl.u32 s9, $0x1;
	s26 =	sshrl.u32 s10, $0x2  }
0xc: {  	s14 =	ssub.s32 s9, s25;
	s17 =	sadd.s32 s26, s2;
	s30 =	sadd.s32 $0x18000, s24  }
0xd: {  	s31 =	sadd.s32 s16, s13;
	s13 =	sshrl.u32 s13, $0x3;
	s24 =	simm.s32 $0x4  }
0xe: {  	s25 =	simm.s32 $0x1380;
	s26 =	simm.s32 $0x2700;
	s5 =	sshrl.u32 s5, $0x3  }
0xf: {  	[dreg:$0x3] =	wrdreg s30;
	s13 =	sadd.s32 s12, s13;
	s11 =	sadd.s32 s5, s6  }
0x10: {  	s14 =	smax.u32 s14, $0x1;
	s7 =	sadd.s32 $0x4000, s11;
	s8 =	sadd.s32 $0xE000, s11  }
0x11: {  	s9 =	sadd.s32 $0x4280, s11;
	s10 =	sadd.s32 $0xE280, s11;
	s11 =	sshrl.u32 s31, $0x3  }
0x12: {  	s11 =	sadd.s32 s12, s11;
	s12 =	sadd.s32 $0x24900, s13;
	s13 =	sshll.u32 @!p0 s0, $0x6  }
0x13: {  	s17 =	sshrl.u32 @!p0 s17, $0x3;
	s6 =	sadd.s32 $0x3C900, s6;
	s16 =	sor.u32 @!p0 $0x1C03, s13  }
.LBB2_1:
0x14: {  	s30 =	simm.s32 @p0 $0x1FC3  }
0x15: {  	[spmem:s15], [sflag:s30] =	dma.local @p0 [hbm:s6], $0x2800  }
0x16: {  	s0 =	rddreg [dreg:$0x3]  }
0x17: {  	[spmem:s17], [sflag:s16] =	dma.local @!p0 [hbm:s0], $0x2700  }
0x18: {  	[tilespmem:s3], [sflag:$0x1] =	stream.linear.gather [hbm4b:s7+s3], $0x1400, $0x38;
	[tilespmem:$0x1E080] =	vst v63  }
0x19: {  	_ = 	snop  }
0x1a: {  	[tilespmem:s18], [sflag:$0x2] =	stream.linear.gather [hbm4b:s8+s3], $0x1400, $0x38;
	[tilespmem:$0x1E080] =	vst v63  }
0x1b: {  	_ =	swait.ge [sflag:s19], $0x1400  }
0x1c: {  	[sflag:s19] =	ssyncset.done $0x0  }
0x1d: {  	[sflag:s19] =	ssyncadd.s32 $0xFFFFEC00  }
0x1e: {  	_ =	swait.ge [sflag:s20], $0x1400  }
0x1f: {  	[sflag:s20] =	ssyncset.done $0x0  }
0x20: {  	s30 =	simm.s32 @p0 $0x3;
	[sflag:s20] =	ssyncadd.s32 $0xFFFFEC00  }
0x21: {  	_ =	swait.ge @p0 [sflag:s30], $0x2800  }
0x22: {  	[sflag:s30] =	ssyncset.done @p0 $0x0  }
0x23: {  	[sflag:s30] =	ssyncadd.s32 @p0 $0xFFFFD800;
	s30 =	simm.s32 @!p0 $0x3  }
0x24: {  	_ =	swait.ge @!p0 [sflag:s30], $0x2700  }
0x25: {  	[sflag:s30] =	ssyncset.done @!p0 $0x0  }
0x26: {  	[sflag:s30] =	ssyncadd.s32 @!p0 $0xFFFFD900  }
0x27: {  	[bflag:$0x0] =	sbarrier.arrive $0xFFFF  }
0x28: {  	[tilespmem:s22], [sflag:$0x1] =	stream.indirect.gather [hbm4b:s4+s21], $0x80, s3, s21, $0xb8;
	[tilespmem:$0x1E080] =	vst v63  }
0x29: {  	s30 =	simm.s32 $0x80  }
0x2a: {  	[tilespmem:s23], [sflag:$0x2] =	stream.indirect.gather [hbm4b:s4+s21], $0x80, s30, s21, $0xb8;
	[tilespmem:$0x1E080] =	vst v63  }
0x2b: {  	_ =	swait.ge [sflag:s19], $0x3E80  }
0x2c: {  	[sflag:s19] =	ssyncset.done $0x0  }
0x2d: {  	s30 =	simm.s32 $0x1400;
	[sflag:s19] =	ssyncadd.s32 $0xFFFFC180  }
0x2e: {  	[spmem:s2] =	stream.indirect.scatter.add.f32 [tilespmem:s22], [sflag:$0x4], $0x80, s30, s21, $0xb8;
	[tilespmem:$0x1E080] =	vst v63  }
0x2f: {  	_ =	swait.ge [sflag:s24], $0x3E80  }
0x30: {  	[sflag:s24] =	ssyncset.done $0x0  }
0x31: {  	s30 =	simm.s32 $0x100;
	[sflag:s24] =	ssyncadd.s32 $0xFFFFC180  }
0x32: {  	[tilespmem:s22], [sflag:$0x1] =	stream.indirect.gather [hbm4b:s4+s21], $0x80, s30, s21, $0xb8;
	[tilespmem:$0x1E080] =	vst v63  }
0x33: {  	_ =	swait.ge [sflag:s20], $0x3E80  }
0x34: {  	[sflag:s20] =	ssyncset.done $0x0  }
0x35: {  	s30 =	simm.s32 $0x1480;
	[sflag:s20] =	ssyncadd.s32 $0xFFFFC180  }
0x36: {  	[spmem:s2] =	stream.indirect.scatter.add.f32 [tilespmem:s23], [sflag:$0x4], $0x80, s30, s21, $0xb8;
	[tilespmem:$0x1E080] =	vst v63  }
0x37: {  	_ =	swait.ge [sflag:s24], $0x3E80  }
0x38: {  	s31 =	simm.s32 $0x800;
	s30 =	simm.s32 $0x100;
	[sflag:s24] =	ssyncset.done $0x0  }
.LBB2_2:
0x39: {  	s1 =	sadd.s32 $0x80, s30  }
0x3a: {  	[sflag:s24] =	ssyncadd.s32 $0xFFFFC180;
	s0 =	smov.u32 s31;
	s5 =	sadd.s32 $0x400, s31  }
0x3b: {  	[tilespmem:s23], [sflag:$0x2] =	stream.indirect.gather [hbm4b:s4+s21], $0x80, s1, s21, $0xb8;
	[tilespmem:$0x1E080] =	vst v63  }
0x3c: {  	p1 =	sne.s32 s31, $0x4800;
	_ =	swait.ge [sflag:s19], $0x3E80  }
0x3d: {  	[sflag:s19] =	ssyncset.done $0x0  }
0x3e: {  	s1 =	sadd.s32 $0x1400, s30;
	[sflag:s19] =	ssyncadd.s32 $0xFFFFC180  }
0x3f: {  	[spmem:s2] =	stream.indirect.scatter.add.f32 [tilespmem:s22], [sflag:$0x4], $0x80, s1, s21, $0xb8;
	[tilespmem:$0x1E080] =	vst v63  }
0x40: {  	_ =	swait.ge [sflag:s24], $0x3E80  }
0x41: {  	[sflag:s24] =	ssyncset.done $0x0  }
0x42: {  	s1 =	sadd.s32 $0x100, s30;
	[sflag:s24] =	ssyncadd.s32 $0xFFFFC180  }
0x43: {  	[tilespmem:s22], [sflag:$0x1] =	stream.indirect.gather [hbm4b:s4+s21], $0x80, s1, s21, $0xb8;
	[tilespmem:$0x1E080] =	vst v63  }
0x44: {  	_ =	swait.ge [sflag:s20], $0x3E80  }
.Ltmp0:
0x45: {  	[sflag:s20] =	ssyncset.done $0x0;
	(pc) =	sbr.rel @p1 .LBB2_2-.Ltmp0, $4  }
0x46: {  	s1 =	sadd.s32 $0x1480, s30;
	[sflag:s20] =	ssyncadd.s32 $0xFFFFC180  }
0x47: {  	[spmem:s2] =	stream.indirect.scatter.add.f32 [tilespmem:s23], [sflag:$0x4], $0x80, s1, s21, $0xb8;
	[tilespmem:$0x1E080] =	vst v63  }
0x48: {  	_ =	swait.ge [sflag:s24], $0x3E80  }
0x49: {  	s31 =	smov.u32 s5;
	s30 =	sshra.s32 s0, $0x2;
	[sflag:s24] =	ssyncset.done $0x0  }
0x4a: {  	s0 =	sadd.s32 $0x80, s30;
	[sflag:s24] =	ssyncadd.s32 $0xFFFFC180  }
0x4b: {  	[tilespmem:s23], [sflag:$0x2] =	stream.indirect.gather [hbm4b:s4+s21], $0x80, s0, s21, $0xb8;
	[tilespmem:$0x1E080] =	vst v63  }
0x4c: {  	_ =	swait.ge [sflag:s19], $0x3E80  }
0x4d: {  	[sflag:s19] =	ssyncset.done $0x0  }
0x4e: {  	s1 =	sadd.s32 $0x1400, s30;
	[sflag:s19] =	ssyncadd.s32 $0xFFFFC180  }
0x4f: {  	[spmem:s2] =	stream.indirect.scatter.add.f32 [tilespmem:s22], [sflag:$0x4], $0x80, s1, s21, $0xb8;
	[tilespmem:$0x1E080] =	vst v63  }
0x50: {  	_ =	swait.ge [sflag:s24], $0x3E80  }
0x51: {  	[sflag:s24] =	ssyncset.done $0x0  }
0x52: {  	s5 =	sadd.s32 $0x100, s30;
	[sflag:s24] =	ssyncadd.s32 $0xFFFFC180  }
0x53: {  	[tilespmem:s22], [sflag:$0x1] =	stream.indirect.gather [hbm4b:s4+s21], $0x80, s5, s21, $0xb8;
	[tilespmem:$0x1E080] =	vst v63  }
0x54: {  	_ =	swait.ge [sflag:s20], $0x3E80  }
0x55: {  	[sflag:s20] =	ssyncset.done $0x0  }
0x56: {  	s1 =	sadd.s32 $0x1480, s30;
	[sflag:s20] =	ssyncadd.s32 $0xFFFFC180  }
0x57: {  	[spmem:s2] =	stream.indirect.scatter.add.f32 [tilespmem:s23], [sflag:$0x4], $0x80, s1, s21, $0xb8;
	[tilespmem:$0x1E080] =	vst v63  }
0x58: {  	_ =	swait.ge [sflag:s24], $0x3E80  }
0x59: {  	[sflag:s24] =	ssyncset.done $0x0  }
0x5a: {  	[sflag:s24] =	ssyncadd.s32 $0xFFFFC180  }
0x5b: {  	[tilespmem:s23], [sflag:$0x2] =	stream.indirect.gather [hbm4b:s4+s21], $0x80, s25, s21, $0xb8;
	[tilespmem:$0x1E080] =	vst v63  }
0x5c: {  	_ =	swait.ge [sflag:s19], $0x3E80  }
0x5d: {  	[sflag:s19] =	ssyncset.done $0x0  }
0x5e: {  	[sflag:s19] =	ssyncadd.s32 $0xFFFFC180  }
0x5f: {  	[spmem:s2] =	stream.indirect.scatter.add.f32 [tilespmem:s22], [sflag:$0x4], $0x80, s26, s21, $0xb8;
	[tilespmem:$0x1E080] =	vst v63  }
0x60: {  	_ =	swait.ge [sflag:s24], $0x3E80  }
0x61: {  	[sflag:s24] =	ssyncset.done $0x0  }
0x62: {  	[sflag:s24] =	ssyncadd.s32 $0xFFFFC180  }
0x63: {  	_ =	swait.ge [sflag:s20], $0x3E80  }
0x64: {  	[sflag:s20] =	ssyncset.done $0x0  }
0x65: {  	[sflag:s20] =	ssyncadd.s32 $0xFFFFC180  }
0x66: {  	[spmem:s2] =	stream.indirect.scatter.add.f32 [tilespmem:s23], [sflag:$0x4], $0x80, s28, s21, $0xb8;
	[tilespmem:$0x1E080] =	vst v63  }
0x67: {  	_ =	swait.ge [sflag:s24], $0x3E80  }
0x68: {  	[sflag:s24] =	ssyncset.done $0x0  }
0x69: {  	s5 =	simm.s32 $0x0;
	[sflag:s24] =	ssyncadd.s32 $0xFFFFC180  }
0x6a: {  	[tilespmem:s5], [sflag:$0x4] =	stream.linear.gather [hbm4b:s9+s5], $0x1400, $0x38;
	[tilespmem:$0x1E080] =	vst v63  }
0x6b: {  	_ =	swait.ge [sflag:s24], $0x1400  }
0x6c: {  	[sflag:s24] =	ssyncset.done $0x0  }
0x6d: {  	[sflag:s24] =	ssyncadd.s32 $0xFFFFEC00  }
0x6e: {  	[tilespmem:s18], [sflag:$0x4] =	stream.linear.gather [hbm4b:s10+s5], $0x1400, $0x38;
	[tilespmem:$0x1E080] =	vst v63  }
0x6f: {  	_ =	swait.ge [sflag:s24], $0x1400  }
0x70: {  	[sflag:s24] =	ssyncset.done $0x0  }
0x71: {  	[sflag:s24] =	ssyncadd.s32 $0xFFFFEC00  }
0x72: {  	[tilespmem:s22], [sflag:$0x1] =	stream.indirect.gather [hbm4b:s4+s21], $0x80, s5, s21, $0xb8;
	[tilespmem:$0x1E080] =	vst v63  }
0x73: {  	s1 =	simm.s32 $0x80  }
0x74: {  	[tilespmem:s23], [sflag:$0x2] =	stream.indirect.gather [hbm4b:s4+s21], $0x80, s1, s21, $0xb8;
	[tilespmem:$0x1E080] =	vst v63  }
0x75: {  	_ =	swait.ge [sflag:s19], $0x3E80  }
0x76: {  	[sflag:s19] =	ssyncset.done $0x0  }
0x77: {  	s5 =	simm.s32 $0x1400;
	[sflag:s19] =	ssyncadd.s32 $0xFFFFC180  }
0x78: {  	[spmem:s2] =	stream.indirect.scatter.add.f32 [tilespmem:s22], [sflag:$0x4], $0x80, s5, s21, $0xb8;
	[tilespmem:$0x1E080] =	vst v63  }
0x79: {  	_ =	swait.ge [sflag:s24], $0x3E80  }
0x7a: {  	[sflag:s24] =	ssyncset.done $0x0  }
0x7b: {  	s1 =	simm.s32 $0x100;
	[sflag:s24] =	ssyncadd.s32 $0xFFFFC180  }
0x7c: {  	[tilespmem:s22], [sflag:$0x1] =	stream.indirect.gather [hbm4b:s4+s21], $0x80, s1, s21, $0xb8;
	[tilespmem:$0x1E080] =	vst v63  }
0x7d: {  	_ =	swait.ge [sflag:s20], $0x3E80  }
0x7e: {  	[sflag:s20] =	ssyncset.done $0x0  }
0x7f: {  	s5 =	simm.s32 $0x1480;
	[sflag:s20] =	ssyncadd.s32 $0xFFFFC180  }
0x80: {  	[spmem:s2] =	stream.indirect.scatter.add.f32 [tilespmem:s23], [sflag:$0x4], $0x80, s5, s21, $0xb8;
	[tilespmem:$0x1E080] =	vst v63  }
0x81: {  	_ =	swait.ge [sflag:s24], $0x3E80  }
0x82: {  	s31 =	simm.s32 $0x800;
	s30 =	simm.s32 $0x100;
	[sflag:s24] =	ssyncset.done $0x0  }
.LBB2_4:
0x83: {  	s0 =	sadd.s32 $0x80, s30  }
0x84: {  	[sflag:s24] =	ssyncadd.s32 $0xFFFFC180;
	s1 =	smov.u32 s31;
	s5 =	sadd.s32 $0x400, s31  }
0x85: {  	[tilespmem:s23], [sflag:$0x2] =	stream.indirect.gather [hbm4b:s4+s21], $0x80, s0, s21, $0xb8;
	[tilespmem:$0x1E080] =	vst v63  }
0x86: {  	p1 =	sne.s32 s31, $0x4800;
	_ =	swait.ge [sflag:s19], $0x3E80  }
0x87: {  	[sflag:s19] =	ssyncset.done $0x0  }
0x88: {  	s0 =	sadd.s32 $0x1400, s30;
	[sflag:s19] =	ssyncadd.s32 $0xFFFFC180  }
0x89: {  	[spmem:s2] =	stream.indirect.scatter.add.f32 [tilespmem:s22], [sflag:$0x4], $0x80, s0, s21, $0xb8;
	[tilespmem:$0x1E080] =	vst v63  }
0x8a: {  	_ =	swait.ge [sflag:s24], $0x3E80  }
0x8b: {  	[sflag:s24] =	ssyncset.done $0x0  }
0x8c: {  	s0 =	sadd.s32 $0x100, s30;
	[sflag:s24] =	ssyncadd.s32 $0xFFFFC180  }
0x8d: {  	[tilespmem:s22], [sflag:$0x1] =	stream.indirect.gather [hbm4b:s4+s21], $0x80, s0, s21, $0xb8;
	[tilespmem:$0x1E080] =	vst v63  }
0x8e: {  	_ =	swait.ge [sflag:s20], $0x3E80  }
.Ltmp1:
0x8f: {  	[sflag:s20] =	ssyncset.done $0x0;
	(pc) =	sbr.rel @p1 .LBB2_4-.Ltmp1, $4  }
0x90: {  	s0 =	sadd.s32 $0x1480, s30;
	[sflag:s20] =	ssyncadd.s32 $0xFFFFC180  }
0x91: {  	[spmem:s2] =	stream.indirect.scatter.add.f32 [tilespmem:s23], [sflag:$0x4], $0x80, s0, s21, $0xb8;
	[tilespmem:$0x1E080] =	vst v63  }
0x92: {  	_ =	swait.ge [sflag:s24], $0x3E80  }
0x93: {  	s31 =	smov.u32 s5;
	s30 =	sshra.s32 s1, $0x2;
	[sflag:s24] =	ssyncset.done $0x0  }
0x94: {  	s0 =	sadd.s32 $0x80, s30;
	[sflag:s24] =	ssyncadd.s32 $0xFFFFC180  }
0x95: {  	[tilespmem:s23], [sflag:$0x2] =	stream.indirect.gather [hbm4b:s4+s21], $0x80, s0, s21, $0xb8;
	[tilespmem:$0x1E080] =	vst v63  }
0x96: {  	_ =	swait.ge [sflag:s19], $0x3E80  }
0x97: {  	[sflag:s19] =	ssyncset.done $0x0  }
0x98: {  	s1 =	sadd.s32 $0x1400, s30;
	[sflag:s19] =	ssyncadd.s32 $0xFFFFC180  }
0x99: {  	[spmem:s2] =	stream.indirect.scatter.add.f32 [tilespmem:s22], [sflag:$0x4], $0x80, s1, s21, $0xb8;
	[tilespmem:$0x1E080] =	vst v63  }
0x9a: {  	_ =	swait.ge [sflag:s24], $0x3E80  }
0x9b: {  	[sflag:s24] =	ssyncset.done $0x0  }
0x9c: {  	s5 =	sadd.s32 $0x100, s30;
	[sflag:s24] =	ssyncadd.s32 $0xFFFFC180  }
0x9d: {  	[tilespmem:s22], [sflag:$0x1] =	stream.indirect.gather [hbm4b:s4+s21], $0x80, s5, s21, $0xb8;
	[tilespmem:$0x1E080] =	vst v63  }
0x9e: {  	_ =	swait.ge [sflag:s20], $0x3E80  }
0x9f: {  	[sflag:s20] =	ssyncset.done $0x0  }
0xa0: {  	s31 =	sadd.s32 $0x1480, s30;
	[sflag:s20] =	ssyncadd.s32 $0xFFFFC180  }
0xa1: {  	[spmem:s2] =	stream.indirect.scatter.add.f32 [tilespmem:s23], [sflag:$0x4], $0x80, s31, s21, $0xb8;
	[tilespmem:$0x1E080] =	vst v63  }
0xa2: {  	_ =	swait.ge [sflag:s24], $0x3E80  }
0xa3: {  	[sflag:s24] =	ssyncset.done $0x0  }
0xa4: {  	[sflag:s24] =	ssyncadd.s32 $0xFFFFC180  }
0xa5: {  	[tilespmem:s23], [sflag:$0x2] =	stream.indirect.gather [hbm4b:s4+s21], $0x80, s25, s21, $0xb8;
	[tilespmem:$0x1E080] =	vst v63  }
0xa6: {  	_ =	swait.ge [sflag:s19], $0x3E80  }
0xa7: {  	[sflag:s19] =	ssyncset.done $0x0  }
0xa8: {  	[sflag:s19] =	ssyncadd.s32 $0xFFFFC180  }
0xa9: {  	[spmem:s2] =	stream.indirect.scatter.add.f32 [tilespmem:s22], [sflag:$0x4], $0x80, s26, s21, $0xb8;
	[tilespmem:$0x1E080] =	vst v63  }
0xaa: {  	_ =	swait.ge [sflag:s24], $0x3E80  }
0xab: {  	[sflag:s24] =	ssyncset.done $0x0  }
0xac: {  	[sflag:s24] =	ssyncadd.s32 $0xFFFFC180  }
0xad: {  	_ =	swait.ge [sflag:s20], $0x3E80  }
0xae: {  	[sflag:s20] =	ssyncset.done $0x0  }
0xaf: {  	[sflag:s20] =	ssyncadd.s32 $0xFFFFC180  }
0xb0: {  	[spmem:s2] =	stream.indirect.scatter.add.f32 [tilespmem:s23], [sflag:$0x4], $0x80, s28, s21, $0xb8;
	[tilespmem:$0x1E080] =	vst v63  }
0xb1: {  	_ =	swait.ge [sflag:s24], $0x3E80  }
0xb2: {  	[sflag:s24] =	ssyncset.done $0x0  }
0xb3: {  	[sflag:s24] =	ssyncadd.s32 $0xFFFFC180  }
0xb4: {  	s0 =	simm.s32 @p0 $0x1FC4;
	[bflag:$0x0] =	sbarrier.arrive $0xFFFF  }
0xb5: {  	[hbm:s12], [sflag:s0] =	dma.local @p0 [spmem:s15], $0x2800  }
0xb6: {  	s0 =	simm.s32 @p0 $0x4  }
0xb7: {  	_ =	swait.ge @p0 [sflag:s0], $0x2800  }
0xb8: {  	s29 =	sadd.s32 $0x1, s29;
	[sflag:s0] =	ssyncset.done @p0 $0x0  }
0xb9: {  	p1 =	sne.s32 s29, s14;
	[sflag:s0] =	ssyncadd.s32 @p0 $0xFFFFD800;
	s0 =	sor.u32 @!p0 $0x1C04, s13  }
0xba: {  	[hbm:s11], [sflag:s0] =	dma.local @!p0 [spmem:s17], $0x2700  }
.Ltmp2:
0xbb: {  	_ = 	snop;
	(pc) =	sbr.rel @p1 .LBB2_1-.Ltmp2, $4  }
0xbc: {  	s0 =	simm.s32 @!p0 $0x4  }
0xbd: {  	_ =	swait.ge @!p0 [sflag:s0], $0x2700  }
0xbe: {  	[sflag:s0] =	ssyncset.done @!p0 $0x0  }
0xbf: {  	[sflag:s0] =	ssyncadd.s32 @!p0 $0xFFFFD900  }
0xc0: {  	_ =	sfence.sel $0x180000  }
0xc1: {  	[bflag:$0x0] =	sbarrier.arrive $0xFFFF  }
0xc2: {  	_ =	strace $0x9000004A  }
0xc3: {  	s0 =	stileid.u32;
	[bflag:$0x2] =	sbarrier.arrive $0xFFFF  }
0xc4: {  	p0 =	sne.s32 s0, $0x0;
	s0 =	rddreg [dreg:$0x2]  }
0xc5: {  	s0 =	sadd.s32 @!p0 $0x100000, s0  }
0xc6: {  	[sflag:s0] =	ssyncadd.tile.s32 @!p0 $0x1;
	_ =	shalt  }
.Lfunc_end2:
_tile_overlayer_lowered:
.L_overlay_start_2:
0xc7: {  	(tag) =	ssettag $0x2  }
0xc8: {  	s0 =	rddreg [dreg:$0x0];
	s2 =	stileid.u32  }
0xc9: {  	s1 =	rddreg [dreg:$0x1];
	p0 =	sne.s32 s2, $0x0  }
0xca: {  	s3 =	rddreg [dreg:$0x2];
	[bflag:$0x3] =	sbarrier.arrive $0xFFFF;
	s2 =	simm.s32 @!p0 $0x1C04  }
0xcb: {  	[timem:s3], [sflag:s2] =	dma.local @!p0 [hbm:s0], s1  }
0xcc: {  	s0 =	simm.s32 @!p0 $0x4  }
0xcd: {  	_ =	swait.ge @!p0 [sflag:s0], s1  }
0xce: {  	s1 =	ssub.s32 @!p0 $0x0, s1;
	[sflag:s0] =	ssyncset.done @!p0 $0x0  }
0xcf: {  	[sflag:s0] =	ssyncadd.s32 @!p0 s1  }
0xd0: {  	[bflag:$0x3] =	sbarrier.arrive $0xFFFF  }
0xd1: {  	_ =	shalt  }

// kernel: kernel.14.cloned.1.call-start
scs
__scs_entry_jumppad:
0x0: {  	(pc) =	sbr.rel $0x88, $3  }
0x1: {  	(tag) =	ssettag $0x0;
	lr =	simm.s32 $0x1  }
0x2: {  	[smem:$0x3F91] =	sst lr;
	_ =	strace $0xD0000000  }
0x3: {  	_ = 	snop  }
0x4: {  	_ = 	snop  }
0x5: {  	_ = 	snop  }
0x6: {  	_ = 	snop  }
0x7: {  	_ = 	snop  }
__scs_overlays_trampoline_lowered:
0x8: {  	[smem:$0x3FA0] =	sst s0  }
0x9: {  	[smem:$0x3FA1] =	sst s1  }
0xa: {  	[smem:$0x3FA2] =	sst s2  }
0xb: {  	[smem:$0x3FA3] =	sst s3  }
0xc: {  	[smem:$0x3FA4] =	sst s4  }
0xd: {  	[smem:$0x3FA5] =	sst s5  }
0xe: {  	[smem:$0x3FA6] =	sst s6  }
0xf: {  	[smem:$0x3FA7] =	sst s7  }
0x10: {  	[smem:$0x3FA8] =	sst s8  }
0x11: {  	[smem:$0x3FA9] =	sst s9;
	s0 =	simm.s32 @!p0 $0x0  }
0x12: {  	s1 =	sld [smem:$0x3F8F];
	s0 =	simm.s32 @p0 $0x1  }
0x13: {  	[smem:$0x3FAA] =	sst s0;
	s0 =	simm.s32 @!p1 $0x0  }
0x14: {  	s2 =	sld [smem:$0x3F8E];
	s0 =	simm.s32 @p1 $0x1  }
0x15: {  	[smem:$0x3FAB] =	sst s0;
	s0 =	simm.s32 @!p2 $0x0  }
0x16: {  	s3 =	sld [smem:$0x3FDB];
	s0 =	simm.s32 @p2 $0x1  }
0x17: {  	s4 =	simm.s32 $0x1BF5;
	[smem:$0x3FAD] =	sst s0  }
0x18: {  	s0 =	sld [smem:$0x3F90];
	_ =	swait.ge [sflag:s4], $0x0  }
0x19: {  	s7 =	sld [smem:$0x3F91]  }
0x1a: {  	s8 =	sadd.s32 $0xFFFFE003, lr  }
0x1b: {  	s9 =	sadd.s32 $0xFFFFFEF7, lr;
	s5 =	simm.s32 $0xFFFFFFFF;
	p2 =	slt.u32 s8, $0xFFFFF086  }
0x1c: {  	p1 =	slt.u32 s9, $0xF7A;
	s5 =	simm.s32 @!p2 $0x0  }
0x1d: {  	s5 =	simm.s32 @p1 $0x1;
	p0 =	seq.s32 s7, s2  }
0x1e: {  	s7 =	smul.u32 @!p0 $0xF7A, s2;
	p2 =	seq.s32 @!p0 s5, $0x0  }
0x1f: {  	s9 =	smul.u32 $0xF7A, s1;
	s8 =	simm.s32 @!p0 $0x1BF5;
	p2 =	por !p2, p0  }
0x20: {  	[sflag:s8] =	ssyncset.s32 @!p0 $0xFFFFF086;
	s6 =	sadd.s32 @!p0 s3, s7;
	s7 =	simm.s32 @!p0 $0x108  }
0x21: {  	s3 =	sadd.s32 s3, s9;
	s6 =	sadd.s32 @!p0 $0x88, s6;
	s7 =	simm.s32 @p2 $0x1082  }
0x22: {  	[simem:s7], [sflag:s8] =	dma.local @!p0 [hbm:s6], $0xF7A  }
0x23: {  	s9 =	sor.u32 $0xD0000000, s2;
	s6 =	simm.s32 $0x108;
	_ =	swait.ge @!p0 [sflag:s8], $0x0  }
0x24: {  	s3 =	sadd.s32 $0x88, s3;
	s6 =	simm.s32 @!p1 $0x1082;
	[sflag:s4] =	ssyncset.s32 $0xFFFFF086  }
0x25: {  	[simem:s6], [sflag:s4] =	dma.local [hbm:s3], $0xF7A  }
0x26: {  	[smem:$0x3F91] =	sst s1;
	(tag) =	ssettag s2;
	_ =	strace s9  }
0x27: {  	s1 =	sld [smem:$0x3FA1]  }
0x28: {  	s2 =	sld [smem:$0x3FA2]  }
0x29: {  	s4 =	sld [smem:$0x3FA4]  }
0x2a: {  	p0 =	seq.s32 s5, $0x0;
	s5 =	sld [smem:$0x3FA5]  }
0x2b: {  	s6 =	sld [smem:$0x3FA6]  }
0x2c: {  	s7 =	sld [smem:$0x3FA7]  }
0x2d: {  	s3 =	simm.s32 $0x108;
	s8 =	sld [smem:$0x3FA8]  }
0x2e: {  	s3 =	simm.s32 @!p0 $0x1082;
	s9 =	sld [smem:$0x3FA9]  }
0x2f: {  	lr =	sadd.s32 s0, s3;
	s0 =	sld [smem:$0x3FA0]  }
0x30: {  	s3 =	sld [smem:$0x3FA3]  }
0x31: {  	[smem:$0x3FAC] =	sst s10  }
0x32: {  	s10 =	sld [smem:$0x3FAA];
	_ =	sdelay $0x3  }
0x33: {  	p0 =	seq.s32 s10, $0x1;
	s10 =	sld [smem:$0x3FAC];
	_ =	sdelay $0x3  }
0x34: {  	[smem:$0x3FAC] =	sst s10  }
0x35: {  	s10 =	sld [smem:$0x3FAB];
	_ =	sdelay $0x3  }
0x36: {  	p1 =	seq.s32 s10, $0x1;
	s10 =	sld [smem:$0x3FAC];
	_ =	sdelay $0x3  }
0x37: {  	[smem:$0x3FAC] =	sst s10  }
0x38: {  	s10 =	sld [smem:$0x3FAD]  }
0x39: {  	_ = 	snop;
	(pc) =	sbr.ind lr, $3  }
0x3a: {  	_ = 	snop  }
0x3b: {  	_ = 	snop  }
0x3c: {  	p2 =	seq.s32 s10, $0x1;
	s10 =	sld [smem:$0x3FAC]  }
0x3d: {  	_ =	shalt  }
0x3e: {  	_ =	shalt  }
0x3f: {  	_ =	shalt  }
0x40: {  	_ =	shalt  }
0x41: {  	_ =	shalt  }
0x42: {  	_ =	shalt  }
0x43: {  	_ =	shalt  }
0x44: {  	_ =	shalt  }
0x45: {  	_ =	shalt  }
0x46: {  	_ =	shalt  }
0x47: {  	_ =	shalt  }
0x48: {  	_ =	shalt  }
0x49: {  	_ =	shalt  }
0x4a: {  	_ =	shalt  }
0x4b: {  	_ =	shalt  }
0x4c: {  	_ =	shalt  }
0x4d: {  	_ =	shalt  }
0x4e: {  	_ =	shalt  }
0x4f: {  	_ =	shalt  }
0x50: {  	_ =	shalt  }
0x51: {  	_ =	shalt  }
0x52: {  	_ =	shalt  }
0x53: {  	_ =	shalt  }
0x54: {  	_ =	shalt  }
0x55: {  	_ =	shalt  }
0x56: {  	_ =	shalt  }
0x57: {  	_ =	shalt  }
0x58: {  	_ =	shalt  }
0x59: {  	_ =	shalt  }
0x5a: {  	_ =	shalt  }
0x5b: {  	_ =	shalt  }
0x5c: {  	_ =	shalt  }
0x5d: {  	_ =	shalt  }
0x5e: {  	_ =	shalt  }
0x5f: {  	_ =	shalt  }
0x60: {  	_ =	shalt  }
0x61: {  	_ =	shalt  }
0x62: {  	_ =	shalt  }
0x63: {  	_ =	shalt  }
0x64: {  	_ =	shalt  }
0x65: {  	_ =	shalt  }
0x66: {  	_ =	shalt  }
0x67: {  	_ =	shalt  }
0x68: {  	_ =	shalt  }
0x69: {  	_ =	shalt  }
0x6a: {  	_ =	shalt  }
0x6b: {  	_ =	shalt  }
0x6c: {  	_ =	shalt  }
0x6d: {  	_ =	shalt  }
0x6e: {  	_ =	shalt  }
0x6f: {  	_ =	shalt  }
0x70: {  	_ =	shalt  }
0x71: {  	_ =	shalt  }
0x72: {  	_ =	shalt  }
0x73: {  	_ =	shalt  }
0x74: {  	_ =	shalt  }
0x75: {  	_ =	shalt  }
0x76: {  	_ =	shalt  }
0x77: {  	_ =	shalt  }
0x78: {  	_ =	shalt  }
0x79: {  	_ =	shalt  }
0x7a: {  	_ =	shalt  }
0x7b: {  	_ =	shalt  }
0x7c: {  	_ =	shalt  }
0x7d: {  	_ =	shalt  }
0x7e: {  	_ =	shalt  }
0x7f: {  	_ =	shalt  }
0x80: {  	_ =	shalt  }
0x81: {  	_ =	shalt  }
0x82: {  	_ =	shalt  }
0x83: {  	_ =	shalt  }
0x84: {  	_ =	shalt  }
0x85: {  	_ =	shalt  }
0x86: {  	_ =	shalt  }
0x87: {  	_ =	shalt  }
.Lfunc_end0:
.L_simem_size_0:
called_computation.2_lowered:
.L_overlay_start_0:
0x88: {  	s2 =	sld [smem:$0x3FD9]  }
0x89: {  	s3 =	sld [smem:$0x3FFE];
	_ =	sdelay $0x1  }
0x8a: {  	s1 =	srdreg.scid  }
0x8b: {  	s0 =	sand.u32 $0x1, s1  }
0x8c: {  	s16 =	sshll.u32 s0, $0xA;
	s2 =	sadd.s32 s3, s2  }
0x8d: {  	s2 =	sadd.s32 s2, s16  }
0x8e: {  	[smem:$0x3FB8] =	sst s2  }
0x8f: {  	_ = 	snop  }
0x90: {  	(tm) =	ssettm $0x1  }
0x91: {  	s17 =	sld [smem:$0x3FFB];
	_ =	sdelay $0x3  }
0x92: {  	_ =	strace s17  }
0x93: {  	s2 =	sld [smem:$0x3FFC];
	_ =	sdelay $0x3  }
0x94: {  	_ =	strace s2  }
0x95: {  	s2 =	sld [smem:$0x3FFD];
	_ =	sdelay $0x3  }
0x96: {  	_ =	strace s2  }
0x97: {  	_ =	strace $0x8FFFFFFF  }
0x98: {  	s18 =	sld [smem:$0x3FDB];
	_ =	sdelay $0x1  }
0x99: {  	s19 =	simm.s32 $_scs_section_size  }
0x9a: {  	s4 =	simm.s32 $_size__tile_overlayer_lowered;
	s5 =	simm.s32 $_tile_overlayer_lowered  }
0x9b: {  	s22 =	simm.s32 $0x1BFF;
	s21 =	sshll.u32 s5, $0x1;
	s2 =	sadd.s32 s19, s18  }
0x9c: {  	s6 =	simm.s32 $0x0;
	s20 =	sshll.u32 s4, $0x1;
	s4 =	sadd.s32 s21, s2  }
0x9d: {  	[timem:s6], [sflag:s22] =	dma.local [hbm:s4], s20  }
0x9e: {  	_ =	swait.ge [sflag:s22], s20  }
0x9f: {  	s3 =	ssub.s32 $0x0, s20;
	[sflag:s22] =	ssyncset.done $0x0  }
0xa0: {  	[sflag:s22] =	ssyncadd.s32 s3;
	_ =	sdelay $0x1  }
0xa1: {  	s23 =	simm.s32 $0x1B8B  }
0xa2: {  	_ =	swait.ge [sflag:s23], $0x1  }
0xa3: {  	[sflag:s23] =	ssyncset.done $0x0  }
0xa4: {  	s25 =	simm.s32 $0x1B8E;
	s24 =	sld [smem:$0x3FFE];
	[sflag:s23] =	ssyncadd.s32 $0xFFFFFFFF  }
0xa5: {  	s26 =	simm.s32 $execute0_lowered;
	[smem:$0x3FD2] =	sst s25  }
0xa6: {  	s4 =	sshll.u32 s26, $0x1;
	_ =	strace $0x8000004C;
	[dreg:$0x1] =	wrdreg $0xFFFFFFFF  }
0xa7: {  	s28 =	simm.s32 $_size_execute0_lowered;
	s2 =	sadd.s32 s2, s4;
	[dreg:$0x0] =	wrdreg $0x0  }
0xa8: {  	s4 =	sshll.u32 s28, $0x1;
	[dreg:$0x2] =	wrdreg s2  }
0xa9: {  	[dreg:$0x3] =	wrdreg s4  }
0xaa: {  	[dreg:$0x4] =	wrdreg $0xC0  }
0xab: {  	_ =	task [dreg:s6], $0x5FFFF  }
0xac: {  	[dreg:$0x1] =	wrdreg $0xFFFFFFFF  }
0xad: {  	[dreg:$0x0] =	wrdreg $0x60  }
0xae: {  	[dreg:$0x2] =	wrdreg s24  }
0xaf: {  	[dreg:$0x3] =	wrdreg $0xA8000  }
0xb0: {  	[dreg:$0x4] =	wrdreg $0x9  }
0xb1: {  	_ =	task.clear_ibuf [dreg:s6], $0x5FFFF;
	_ =	strace $0x9000004C  }
0xb2: {  	s29 =	simm.s32 $0x9;
	_ =	strace $0x8000004E  }
0xb3: {  	_ =	swait.ge [sflag:s29], $0x1  }
0xb4: {  	[sflag:s29] =	ssyncadd.s32 $0xFFFFFFFF  }
0xb5: {  	_ =	strace $0x9000004E  }
0xb6: {  	_ =	sfence  }
0xb7: {  	s30 =	sld [smem:$0x0];
	_ =	sdelay $0x2  }
0xb8: {  	s31 =	sshll.u32 s1, $0xD;
	s1 =	sshrl.u32 s1, $0x2  }
0xb9: {  	s3 =	sand.u32 $0x4000, s31;
	s1 =	sadd.s32 s1, s30  }
0xba: {  	s0 =	sor.u32 s3, s0;
	s1 =	sshll.u32 s1, $0x11  }
0xbb: {  	s0 =	sor.u32 s1, s0  }
0xbc: {  	s0 =	sadd.s32 $0x8F2B, s0  }
0xbd: {  	[sflag:s0] =	ssyncadd.remote.s32 $0x1  }
0xbe: {  	_ =	sfence.sel $0xFFFF  }
0xbf: {  	[dreg:$0x0] =	wrdreg $0xFFFFFFFF;
	(pc) =	sbr.abs _section_cstart, $3  }
0xc0: {  	[dreg:$0x1] =	wrdreg $0xFFFFFFFF  }
0xc1: {  	_ =	task.clear_ibuf [dreg:s6], $0x2FFFF;
	_ =	strace $0x9FFFFFFF  }
0xc2: {  	(tm) =	ssettm $0x7FFFFFFF  }
0xc3: {  	_ =	shalt  }
tec
execute0_lowered:
.L_overlay_start_1:
0x0: {  	(tag) =	ssettag $0x1  }
0x1: {  	s6 =	rddreg [dreg:$0x0];
	s1 =	srdreg.scid  }
0x2: {  	s0 =	stileid.u32;
	s2 =	rddreg [dreg:$0x1];
	s3 =	simm.s32 $0x0  }
0x3: {  	s18 =	simm.s32 $0x1400;
	s19 =	simm.s32 $0x1;
	s20 =	simm.s32 $0x2  }
0x4: {  	s21 =	simm.s32 $0x7D;
	s22 =	simm.s32 $0x2800;
	s23 =	simm.s32 $0x6800  }
0x5: {  	s28 =	simm.s32 $0x2780;
	s29 =	simm.s32 $0x0;
	s7 =	sand.u32 $0x1, s1  }
0x6: {  	s4 =	sshll.u32 s0, $0x1;
	[smem:$0x7FF] =	sst s3;
	s8 =	smul.u32 $0x2700, s0  }
0x7: {  	s10 =	smul.u32 $0x4E000, s0;
	s12 =	sadd.s32 $0x66400, s6;
	s15 =	sadd.s32 $0x124800, s2  }
0x8: {  	s16 =	smul.u32 $0x13800, s0;
	p0 =	seq.s32 s0, $0xF;
	s4 =	sor.u32 s7, s4  }
0x9: {  	_ =	strace $0x8000004D;
	s9 =	ssub.s32 $0x2, s7;
	s13 =	smul.u32 $0x138800, s7  }
0xa: {  	s15 =	sshrl.u32 @p0 s15, $0x3;
	s5 =	smul.u32 $0x2800, s4;
	s4 =	sadd.s32 $0x3F200, s6  }
0xb: {  	s24 =	sadd.s32 s8, s6;
	s25 =	sshrl.u32 s9, $0x1;
	s26 =	sshrl.u32 s10, $0x2  }
0xc: {  	s14 =	ssub.s32 s9, s25;
	s17 =	sadd.s32 s26, s2;
	s30 =	sadd.s32 $0x18000, s24  }
0xd: {  	s31 =	sadd.s32 s16, s13;
	s13 =	sshrl.u32 s13, $0x3;
	s24 =	simm.s32 $0x4  }
0xe: {  	s25 =	simm.s32 $0x1380;
	s26 =	simm.s32 $0x2700;
	s5 =	sshrl.u32 s5, $0x3  }
0xf: {  	[dreg:$0x3] =	wrdreg s30;
	s13 =	sadd.s32 s12, s13;
	s11 =	sadd.s32 s5, s6  }
0x10: {  	s14 =	smax.u32 s14, $0x1;
	s7 =	sadd.s32 $0x4000, s11;
	s8 =	sadd.s32 $0xE000, s11  }
0x11: {  	s9 =	sadd.s32 $0x4280, s11;
	s10 =	sadd.s32 $0xE280, s11;
	s11 =	sshrl.u32 s31, $0x3  }
0x12: {  	s11 =	sadd.s32 s12, s11;
	s12 =	sadd.s32 $0x24900, s13;
	s13 =	sshll.u32 @!p0 s0, $0x6  }
0x13: {  	s17 =	sshrl.u32 @!p0 s17, $0x3;
	s6 =	sadd.s32 $0x3C900, s6;
	s16 =	sor.u32 @!p0 $0x1C03, s13  }
.LBB2_1:
0x14: {  	s30 =	simm.s32 @p0 $0x1FC3  }
0x15: {  	[spmem:s15], [sflag:s30] =	dma.local @p0 [hbm:s6], $0x2800  }
0x16: {  	s0 =	rddreg [dreg:$0x3]  }
0x17: {  	[spmem:s17], [sflag:s16] =	dma.local @!p0 [hbm:s0], $0x2700  }
0x18: {  	[tilespmem:s3], [sflag:$0x1] =	stream.linear.gather [hbm4b:s7+s3], $0x1400, $0x38;
	[tilespmem:$0x1E080] =	vst v63  }
0x19: {  	_ = 	snop  }
0x1a: {  	[tilespmem:s18], [sflag:$0x2] =	stream.linear.gather [hbm4b:s8+s3], $0x1400, $0x38;
	[tilespmem:$0x1E080] =	vst v63  }
0x1b: {  	_ =	swait.ge [sflag:s19], $0x1400  }
0x1c: {  	[sflag:s19] =	ssyncset.done $0x0  }
0x1d: {  	[sflag:s19] =	ssyncadd.s32 $0xFFFFEC00  }
0x1e: {  	_ =	swait.ge [sflag:s20], $0x1400  }
0x1f: {  	[sflag:s20] =	ssyncset.done $0x0  }
0x20: {  	s30 =	simm.s32 @p0 $0x3;
	[sflag:s20] =	ssyncadd.s32 $0xFFFFEC00  }
0x21: {  	_ =	swait.ge @p0 [sflag:s30], $0x2800  }
0x22: {  	[sflag:s30] =	ssyncset.done @p0 $0x0  }
0x23: {  	[sflag:s30] =	ssyncadd.s32 @p0 $0xFFFFD800;
	s30 =	simm.s32 @!p0 $0x3  }
0x24: {  	_ =	swait.ge @!p0 [sflag:s30], $0x2700  }
0x25: {  	[sflag:s30] =	ssyncset.done @!p0 $0x0  }
0x26: {  	[sflag:s30] =	ssyncadd.s32 @!p0 $0xFFFFD900  }
0x27: {  	[bflag:$0x0] =	sbarrier.arrive $0xFFFF  }
0x28: {  	[tilespmem:s22], [sflag:$0x1] =	stream.indirect.gather [hbm4b:s4+s21], $0x80, s3, s21, $0xb8;
	[tilespmem:$0x1E080] =	vst v63  }
0x29: {  	s30 =	simm.s32 $0x80  }
0x2a: {  	[tilespmem:s23], [sflag:$0x2] =	stream.indirect.gather [hbm4b:s4+s21], $0x80, s30, s21, $0xb8;
	[tilespmem:$0x1E080] =	vst v63  }
0x2b: {  	_ =	swait.ge [sflag:s19], $0x3E80  }
0x2c: {  	[sflag:s19] =	ssyncset.done $0x0  }
0x2d: {  	s30 =	simm.s32 $0x1400;
	[sflag:s19] =	ssyncadd.s32 $0xFFFFC180  }
0x2e: {  	[spmem:s2] =	stream.indirect.scatter.add.f32 [tilespmem:s22], [sflag:$0x4], $0x80, s30, s21, $0xb8;
	[tilespmem:$0x1E080] =	vst v63  }
0x2f: {  	_ =	swait.ge [sflag:s24], $0x3E80  }
0x30: {  	[sflag:s24] =	ssyncset.done $0x0  }
0x31: {  	s30 =	simm.s32 $0x100;
	[sflag:s24] =	ssyncadd.s32 $0xFFFFC180  }
0x32: {  	[tilespmem:s22], [sflag:$0x1] =	stream.indirect.gather [hbm4b:s4+s21], $0x80, s30, s21, $0xb8;
	[tilespmem:$0x1E080] =	vst v63  }
0x33: {  	_ =	swait.ge [sflag:s20], $0x3E80  }
0x34: {  	[sflag:s20] =	ssyncset.done $0x0  }
0x35: {  	s30 =	simm.s32 $0x1480;
	[sflag:s20] =	ssyncadd.s32 $0xFFFFC180  }
0x36: {  	[spmem:s2] =	stream.indirect.scatter.add.f32 [tilespmem:s23], [sflag:$0x4], $0x80, s30, s21, $0xb8;
	[tilespmem:$0x1E080] =	vst v63  }
0x37: {  	_ =	swait.ge [sflag:s24], $0x3E80  }
0x38: {  	s31 =	simm.s32 $0x800;
	s30 =	simm.s32 $0x100;
	[sflag:s24] =	ssyncset.done $0x0  }
.LBB2_2:
0x39: {  	s1 =	sadd.s32 $0x80, s30  }
0x3a: {  	[sflag:s24] =	ssyncadd.s32 $0xFFFFC180;
	s0 =	smov.u32 s31;
	s5 =	sadd.s32 $0x400, s31  }
0x3b: {  	[tilespmem:s23], [sflag:$0x2] =	stream.indirect.gather [hbm4b:s4+s21], $0x80, s1, s21, $0xb8;
	[tilespmem:$0x1E080] =	vst v63  }
0x3c: {  	p1 =	sne.s32 s31, $0x4800;
	_ =	swait.ge [sflag:s19], $0x3E80  }
0x3d: {  	[sflag:s19] =	ssyncset.done $0x0  }
0x3e: {  	s1 =	sadd.s32 $0x1400, s30;
	[sflag:s19] =	ssyncadd.s32 $0xFFFFC180  }
0x3f: {  	[spmem:s2] =	stream.indirect.scatter.add.f32 [tilespmem:s22], [sflag:$0x4], $0x80, s1, s21, $0xb8;
	[tilespmem:$0x1E080] =	vst v63  }
0x40: {  	_ =	swait.ge [sflag:s24], $0x3E80  }
0x41: {  	[sflag:s24] =	ssyncset.done $0x0  }
0x42: {  	s1 =	sadd.s32 $0x100, s30;
	[sflag:s24] =	ssyncadd.s32 $0xFFFFC180  }
0x43: {  	[tilespmem:s22], [sflag:$0x1] =	stream.indirect.gather [hbm4b:s4+s21], $0x80, s1, s21, $0xb8;
	[tilespmem:$0x1E080] =	vst v63  }
0x44: {  	_ =	swait.ge [sflag:s20], $0x3E80  }
.Ltmp0:
0x45: {  	[sflag:s20] =	ssyncset.done $0x0;
	(pc) =	sbr.rel @p1 .LBB2_2-.Ltmp0, $4  }
0x46: {  	s1 =	sadd.s32 $0x1480, s30;
	[sflag:s20] =	ssyncadd.s32 $0xFFFFC180  }
0x47: {  	[spmem:s2] =	stream.indirect.scatter.add.f32 [tilespmem:s23], [sflag:$0x4], $0x80, s1, s21, $0xb8;
	[tilespmem:$0x1E080] =	vst v63  }
0x48: {  	_ =	swait.ge [sflag:s24], $0x3E80  }
0x49: {  	s31 =	smov.u32 s5;
	s30 =	sshra.s32 s0, $0x2;
	[sflag:s24] =	ssyncset.done $0x0  }
0x4a: {  	s0 =	sadd.s32 $0x80, s30;
	[sflag:s24] =	ssyncadd.s32 $0xFFFFC180  }
0x4b: {  	[tilespmem:s23], [sflag:$0x2] =	stream.indirect.gather [hbm4b:s4+s21], $0x80, s0, s21, $0xb8;
	[tilespmem:$0x1E080] =	vst v63  }
0x4c: {  	_ =	swait.ge [sflag:s19], $0x3E80  }
0x4d: {  	[sflag:s19] =	ssyncset.done $0x0  }
0x4e: {  	s1 =	sadd.s32 $0x1400, s30;
	[sflag:s19] =	ssyncadd.s32 $0xFFFFC180  }
0x4f: {  	[spmem:s2] =	stream.indirect.scatter.add.f32 [tilespmem:s22], [sflag:$0x4], $0x80, s1, s21, $0xb8;
	[tilespmem:$0x1E080] =	vst v63  }
0x50: {  	_ =	swait.ge [sflag:s24], $0x3E80  }
0x51: {  	[sflag:s24] =	ssyncset.done $0x0  }
0x52: {  	s5 =	sadd.s32 $0x100, s30;
	[sflag:s24] =	ssyncadd.s32 $0xFFFFC180  }
0x53: {  	[tilespmem:s22], [sflag:$0x1] =	stream.indirect.gather [hbm4b:s4+s21], $0x80, s5, s21, $0xb8;
	[tilespmem:$0x1E080] =	vst v63  }
0x54: {  	_ =	swait.ge [sflag:s20], $0x3E80  }
0x55: {  	[sflag:s20] =	ssyncset.done $0x0  }
0x56: {  	s1 =	sadd.s32 $0x1480, s30;
	[sflag:s20] =	ssyncadd.s32 $0xFFFFC180  }
0x57: {  	[spmem:s2] =	stream.indirect.scatter.add.f32 [tilespmem:s23], [sflag:$0x4], $0x80, s1, s21, $0xb8;
	[tilespmem:$0x1E080] =	vst v63  }
0x58: {  	_ =	swait.ge [sflag:s24], $0x3E80  }
0x59: {  	[sflag:s24] =	ssyncset.done $0x0  }
0x5a: {  	[sflag:s24] =	ssyncadd.s32 $0xFFFFC180  }
0x5b: {  	[tilespmem:s23], [sflag:$0x2] =	stream.indirect.gather [hbm4b:s4+s21], $0x80, s25, s21, $0xb8;
	[tilespmem:$0x1E080] =	vst v63  }
0x5c: {  	_ =	swait.ge [sflag:s19], $0x3E80  }
0x5d: {  	[sflag:s19] =	ssyncset.done $0x0  }
0x5e: {  	[sflag:s19] =	ssyncadd.s32 $0xFFFFC180  }
0x5f: {  	[spmem:s2] =	stream.indirect.scatter.add.f32 [tilespmem:s22], [sflag:$0x4], $0x80, s26, s21, $0xb8;
	[tilespmem:$0x1E080] =	vst v63  }
0x60: {  	_ =	swait.ge [sflag:s24], $0x3E80  }
0x61: {  	[sflag:s24] =	ssyncset.done $0x0  }
0x62: {  	[sflag:s24] =	ssyncadd.s32 $0xFFFFC180  }
0x63: {  	_ =	swait.ge [sflag:s20], $0x3E80  }
0x64: {  	[sflag:s20] =	ssyncset.done $0x0  }
0x65: {  	[sflag:s20] =	ssyncadd.s32 $0xFFFFC180  }
0x66: {  	[spmem:s2] =	stream.indirect.scatter.add.f32 [tilespmem:s23], [sflag:$0x4], $0x80, s28, s21, $0xb8;
	[tilespmem:$0x1E080] =	vst v63  }
0x67: {  	_ =	swait.ge [sflag:s24], $0x3E80  }
0x68: {  	[sflag:s24] =	ssyncset.done $0x0  }
0x69: {  	s5 =	simm.s32 $0x0;
	[sflag:s24] =	ssyncadd.s32 $0xFFFFC180  }
0x6a: {  	[tilespmem:s5], [sflag:$0x4] =	stream.linear.gather [hbm4b:s9+s5], $0x1400, $0x38;
	[tilespmem:$0x1E080] =	vst v63  }
0x6b: {  	_ =	swait.ge [sflag:s24], $0x1400  }
0x6c: {  	[sflag:s24] =	ssyncset.done $0x0  }
0x6d: {  	[sflag:s24] =	ssyncadd.s32 $0xFFFFEC00  }
0x6e: {  	[tilespmem:s18], [sflag:$0x4] =	stream.linear.gather [hbm4b:s10+s5], $0x1400, $0x38;
	[tilespmem:$0x1E080] =	vst v63  }
0x6f: {  	_ =	swait.ge [sflag:s24], $0x1400  }
0x70: {  	[sflag:s24] =	ssyncset.done $0x0  }
0x71: {  	[sflag:s24] =	ssyncadd.s32 $0xFFFFEC00  }
0x72: {  	[tilespmem:s22], [sflag:$0x1] =	stream.indirect.gather [hbm4b:s4+s21], $0x80, s5, s21, $0xb8;
	[tilespmem:$0x1E080] =	vst v63  }
0x73: {  	s1 =	simm.s32 $0x80  }
0x74: {  	[tilespmem:s23], [sflag:$0x2] =	stream.indirect.gather [hbm4b:s4+s21], $0x80, s1, s21, $0xb8;
	[tilespmem:$0x1E080] =	vst v63  }
0x75: {  	_ =	swait.ge [sflag:s19], $0x3E80  }
0x76: {  	[sflag:s19] =	ssyncset.done $0x0  }
0x77: {  	s5 =	simm.s32 $0x1400;
	[sflag:s19] =	ssyncadd.s32 $0xFFFFC180  }
0x78: {  	[spmem:s2] =	stream.indirect.scatter.add.f32 [tilespmem:s22], [sflag:$0x4], $0x80, s5, s21, $0xb8;
	[tilespmem:$0x1E080] =	vst v63  }
0x79: {  	_ =	swait.ge [sflag:s24], $0x3E80  }
0x7a: {  	[sflag:s24] =	ssyncset.done $0x0  }
0x7b: {  	s1 =	simm.s32 $0x100;
	[sflag:s24] =	ssyncadd.s32 $0xFFFFC180  }
0x7c: {  	[tilespmem:s22], [sflag:$0x1] =	stream.indirect.gather [hbm4b:s4+s21], $0x80, s1, s21, $0xb8;
	[tilespmem:$0x1E080] =	vst v63  }
0x7d: {  	_ =	swait.ge [sflag:s20], $0x3E80  }
0x7e: {  	[sflag:s20] =	ssyncset.done $0x0  }
0x7f: {  	s5 =	simm.s32 $0x1480;
	[sflag:s20] =	ssyncadd.s32 $0xFFFFC180  }
0x80: {  	[spmem:s2] =	stream.indirect.scatter.add.f32 [tilespmem:s23], [sflag:$0x4], $0x80, s5, s21, $0xb8;
	[tilespmem:$0x1E080] =	vst v63  }
0x81: {  	_ =	swait.ge [sflag:s24], $0x3E80  }
0x82: {  	s31 =	simm.s32 $0x800;
	s30 =	simm.s32 $0x100;
	[sflag:s24] =	ssyncset.done $0x0  }
.LBB2_4:
0x83: {  	s0 =	sadd.s32 $0x80, s30  }
0x84: {  	[sflag:s24] =	ssyncadd.s32 $0xFFFFC180;
	s1 =	smov.u32 s31;
	s5 =	sadd.s32 $0x400, s31  }
0x85: {  	[tilespmem:s23], [sflag:$0x2] =	stream.indirect.gather [hbm4b:s4+s21], $0x80, s0, s21, $0xb8;
	[tilespmem:$0x1E080] =	vst v63  }
0x86: {  	p1 =	sne.s32 s31, $0x4800;
	_ =	swait.ge [sflag:s19], $0x3E80  }
0x87: {  	[sflag:s19] =	ssyncset.done $0x0  }
0x88: {  	s0 =	sadd.s32 $0x1400, s30;
	[sflag:s19] =	ssyncadd.s32 $0xFFFFC180  }
0x89: {  	[spmem:s2] =	stream.indirect.scatter.add.f32 [tilespmem:s22], [sflag:$0x4], $0x80, s0, s21, $0xb8;
	[tilespmem:$0x1E080] =	vst v63  }
0x8a: {  	_ =	swait.ge [sflag:s24], $0x3E80  }
0x8b: {  	[sflag:s24] =	ssyncset.done $0x0  }
0x8c: {  	s0 =	sadd.s32 $0x100, s30;
	[sflag:s24] =	ssyncadd.s32 $0xFFFFC180  }
0x8d: {  	[tilespmem:s22], [sflag:$0x1] =	stream.indirect.gather [hbm4b:s4+s21], $0x80, s0, s21, $0xb8;
	[tilespmem:$0x1E080] =	vst v63  }
0x8e: {  	_ =	swait.ge [sflag:s20], $0x3E80  }
.Ltmp1:
0x8f: {  	[sflag:s20] =	ssyncset.done $0x0;
	(pc) =	sbr.rel @p1 .LBB2_4-.Ltmp1, $4  }
0x90: {  	s0 =	sadd.s32 $0x1480, s30;
	[sflag:s20] =	ssyncadd.s32 $0xFFFFC180  }
0x91: {  	[spmem:s2] =	stream.indirect.scatter.add.f32 [tilespmem:s23], [sflag:$0x4], $0x80, s0, s21, $0xb8;
	[tilespmem:$0x1E080] =	vst v63  }
0x92: {  	_ =	swait.ge [sflag:s24], $0x3E80  }
0x93: {  	s31 =	smov.u32 s5;
	s30 =	sshra.s32 s1, $0x2;
	[sflag:s24] =	ssyncset.done $0x0  }
0x94: {  	s0 =	sadd.s32 $0x80, s30;
	[sflag:s24] =	ssyncadd.s32 $0xFFFFC180  }
0x95: {  	[tilespmem:s23], [sflag:$0x2] =	stream.indirect.gather [hbm4b:s4+s21], $0x80, s0, s21, $0xb8;
	[tilespmem:$0x1E080] =	vst v63  }
0x96: {  	_ =	swait.ge [sflag:s19], $0x3E80  }
0x97: {  	[sflag:s19] =	ssyncset.done $0x0  }
0x98: {  	s1 =	sadd.s32 $0x1400, s30;
	[sflag:s19] =	ssyncadd.s32 $0xFFFFC180  }
0x99: {  	[spmem:s2] =	stream.indirect.scatter.add.f32 [tilespmem:s22], [sflag:$0x4], $0x80, s1, s21, $0xb8;
	[tilespmem:$0x1E080] =	vst v63  }
0x9a: {  	_ =	swait.ge [sflag:s24], $0x3E80  }
0x9b: {  	[sflag:s24] =	ssyncset.done $0x0  }
0x9c: {  	s5 =	sadd.s32 $0x100, s30;
	[sflag:s24] =	ssyncadd.s32 $0xFFFFC180  }
0x9d: {  	[tilespmem:s22], [sflag:$0x1] =	stream.indirect.gather [hbm4b:s4+s21], $0x80, s5, s21, $0xb8;
	[tilespmem:$0x1E080] =	vst v63  }
0x9e: {  	_ =	swait.ge [sflag:s20], $0x3E80  }
0x9f: {  	[sflag:s20] =	ssyncset.done $0x0  }
0xa0: {  	s31 =	sadd.s32 $0x1480, s30;
	[sflag:s20] =	ssyncadd.s32 $0xFFFFC180  }
0xa1: {  	[spmem:s2] =	stream.indirect.scatter.add.f32 [tilespmem:s23], [sflag:$0x4], $0x80, s31, s21, $0xb8;
	[tilespmem:$0x1E080] =	vst v63  }
0xa2: {  	_ =	swait.ge [sflag:s24], $0x3E80  }
0xa3: {  	[sflag:s24] =	ssyncset.done $0x0  }
0xa4: {  	[sflag:s24] =	ssyncadd.s32 $0xFFFFC180  }
0xa5: {  	[tilespmem:s23], [sflag:$0x2] =	stream.indirect.gather [hbm4b:s4+s21], $0x80, s25, s21, $0xb8;
	[tilespmem:$0x1E080] =	vst v63  }
0xa6: {  	_ =	swait.ge [sflag:s19], $0x3E80  }
0xa7: {  	[sflag:s19] =	ssyncset.done $0x0  }
0xa8: {  	[sflag:s19] =	ssyncadd.s32 $0xFFFFC180  }
0xa9: {  	[spmem:s2] =	stream.indirect.scatter.add.f32 [tilespmem:s22], [sflag:$0x4], $0x80, s26, s21, $0xb8;
	[tilespmem:$0x1E080] =	vst v63  }
0xaa: {  	_ =	swait.ge [sflag:s24], $0x3E80  }
0xab: {  	[sflag:s24] =	ssyncset.done $0x0  }
0xac: {  	[sflag:s24] =	ssyncadd.s32 $0xFFFFC180  }
0xad: {  	_ =	swait.ge [sflag:s20], $0x3E80  }
0xae: {  	[sflag:s20] =	ssyncset.done $0x0  }
0xaf: {  	[sflag:s20] =	ssyncadd.s32 $0xFFFFC180  }
0xb0: {  	[spmem:s2] =	stream.indirect.scatter.add.f32 [tilespmem:s23], [sflag:$0x4], $0x80, s28, s21, $0xb8;
	[tilespmem:$0x1E080] =	vst v63  }
0xb1: {  	_ =	swait.ge [sflag:s24], $0x3E80  }
0xb2: {  	[sflag:s24] =	ssyncset.done $0x0  }
0xb3: {  	[sflag:s24] =	ssyncadd.s32 $0xFFFFC180  }
0xb4: {  	s0 =	simm.s32 @p0 $0x1FC4;
	[bflag:$0x0] =	sbarrier.arrive $0xFFFF  }
0xb5: {  	[hbm:s12], [sflag:s0] =	dma.local @p0 [spmem:s15], $0x2800  }
0xb6: {  	s0 =	simm.s32 @p0 $0x4  }
0xb7: {  	_ =	swait.ge @p0 [sflag:s0], $0x2800  }
0xb8: {  	s29 =	sadd.s32 $0x1, s29;
	[sflag:s0] =	ssyncset.done @p0 $0x0  }
0xb9: {  	p1 =	sne.s32 s29, s14;
	[sflag:s0] =	ssyncadd.s32 @p0 $0xFFFFD800;
	s0 =	sor.u32 @!p0 $0x1C04, s13  }
0xba: {  	[hbm:s11], [sflag:s0] =	dma.local @!p0 [spmem:s17], $0x2700  }
.Ltmp2:
0xbb: {  	_ = 	snop;
	(pc) =	sbr.rel @p1 .LBB2_1-.Ltmp2, $4  }
0xbc: {  	s0 =	simm.s32 @!p0 $0x4  }
0xbd: {  	_ =	swait.ge @!p0 [sflag:s0], $0x2700  }
0xbe: {  	[sflag:s0] =	ssyncset.done @!p0 $0x0  }
0xbf: {  	[sflag:s0] =	ssyncadd.s32 @!p0 $0xFFFFD900  }
0xc0: {  	_ =	sfence.sel $0x180000  }
0xc1: {  	[bflag:$0x0] =	sbarrier.arrive $0xFFFF  }
0xc2: {  	_ =	strace $0x9000004D  }
0xc3: {  	s0 =	stileid.u32;
	[bflag:$0x2] =	sbarrier.arrive $0xFFFF  }
0xc4: {  	p0 =	sne.s32 s0, $0x0;
	s0 =	rddreg [dreg:$0x2]  }
0xc5: {  	s0 =	sadd.s32 @!p0 $0x100000, s0  }
0xc6: {  	[sflag:s0] =	ssyncadd.tile.s32 @!p0 $0x1;
	_ =	shalt  }
.Lfunc_end2:
_tile_overlayer_lowered:
.L_overlay_start_2:
0xc7: {  	(tag) =	ssettag $0x2  }
0xc8: {  	s0 =	rddreg [dreg:$0x0];
	s2 =	stileid.u32  }
0xc9: {  	s1 =	rddreg [dreg:$0x1];
	p0 =	sne.s32 s2, $0x0  }
0xca: {  	s3 =	rddreg [dreg:$0x2];
	[bflag:$0x3] =	sbarrier.arrive $0xFFFF;
	s2 =	simm.s32 @!p0 $0x1C04  }
0xcb: {  	[timem:s3], [sflag:s2] =	dma.local @!p0 [hbm:s0], s1  }
0xcc: {  	s0 =	simm.s32 @!p0 $0x4  }
0xcd: {  	_ =	swait.ge @!p0 [sflag:s0], s1  }
0xce: {  	s1 =	ssub.s32 @!p0 $0x0, s1;
	[sflag:s0] =	ssyncset.done @!p0 $0x0  }
0xcf: {  	[sflag:s0] =	ssyncadd.s32 @!p0 s1  }
0xd0: {  	[bflag:$0x3] =	sbarrier.arrive $0xFFFF  }
0xd1: {  	_ =	shalt  }

// kernel: kernel.8.cloned.1.call-start
scs
__scs_entry_jumppad:
0x0: {  	(pc) =	sbr.rel $0x88, $3  }
0x1: {  	(tag) =	ssettag $0x0;
	lr =	simm.s32 $0x1  }
0x2: {  	[smem:$0x3F91] =	sst lr;
	_ =	strace $0xD0000000  }
0x3: {  	_ = 	snop  }
0x4: {  	_ = 	snop  }
0x5: {  	_ = 	snop  }
0x6: {  	_ = 	snop  }
0x7: {  	_ = 	snop  }
__scs_overlays_trampoline_lowered:
0x8: {  	[smem:$0x3FA0] =	sst s0  }
0x9: {  	[smem:$0x3FA1] =	sst s1  }
0xa: {  	[smem:$0x3FA2] =	sst s2  }
0xb: {  	[smem:$0x3FA3] =	sst s3  }
0xc: {  	[smem:$0x3FA4] =	sst s4  }
0xd: {  	[smem:$0x3FA5] =	sst s5  }
0xe: {  	[smem:$0x3FA6] =	sst s6  }
0xf: {  	[smem:$0x3FA7] =	sst s7  }
0x10: {  	[smem:$0x3FA8] =	sst s8  }
0x11: {  	[smem:$0x3FA9] =	sst s9;
	s0 =	simm.s32 @!p0 $0x0  }
0x12: {  	s1 =	sld [smem:$0x3F8F];
	s0 =	simm.s32 @p0 $0x1  }
0x13: {  	[smem:$0x3FAA] =	sst s0;
	s0 =	simm.s32 @!p1 $0x0  }
0x14: {  	s2 =	sld [smem:$0x3F8E];
	s0 =	simm.s32 @p1 $0x1  }
0x15: {  	[smem:$0x3FAB] =	sst s0;
	s0 =	simm.s32 @!p2 $0x0  }
0x16: {  	s3 =	sld [smem:$0x3FDB];
	s0 =	simm.s32 @p2 $0x1  }
0x17: {  	s4 =	simm.s32 $0x1BF5;
	[smem:$0x3FAD] =	sst s0  }
0x18: {  	s0 =	sld [smem:$0x3F90];
	_ =	swait.ge [sflag:s4], $0x0  }
0x19: {  	s7 =	sld [smem:$0x3F91]  }
0x1a: {  	s8 =	sadd.s32 $0xFFFFE003, lr  }
0x1b: {  	s9 =	sadd.s32 $0xFFFFFEF7, lr;
	s5 =	simm.s32 $0xFFFFFFFF;
	p2 =	slt.u32 s8, $0xFFFFF086  }
0x1c: {  	p1 =	slt.u32 s9, $0xF7A;
	s5 =	simm.s32 @!p2 $0x0  }
0x1d: {  	s5 =	simm.s32 @p1 $0x1;
	p0 =	seq.s32 s7, s2  }
0x1e: {  	s7 =	smul.u32 @!p0 $0xF7A, s2;
	p2 =	seq.s32 @!p0 s5, $0x0  }
0x1f: {  	s9 =	smul.u32 $0xF7A, s1;
	s8 =	simm.s32 @!p0 $0x1BF5;
	p2 =	por !p2, p0  }
0x20: {  	[sflag:s8] =	ssyncset.s32 @!p0 $0xFFFFF086;
	s6 =	sadd.s32 @!p0 s3, s7;
	s7 =	simm.s32 @!p0 $0x108  }
0x21: {  	s3 =	sadd.s32 s3, s9;
	s6 =	sadd.s32 @!p0 $0x88, s6;
	s7 =	simm.s32 @p2 $0x1082  }
0x22: {  	[simem:s7], [sflag:s8] =	dma.local @!p0 [hbm:s6], $0xF7A  }
0x23: {  	s9 =	sor.u32 $0xD0000000, s2;
	s6 =	simm.s32 $0x108;
	_ =	swait.ge @!p0 [sflag:s8], $0x0  }
0x24: {  	s3 =	sadd.s32 $0x88, s3;
	s6 =	simm.s32 @!p1 $0x1082;
	[sflag:s4] =	ssyncset.s32 $0xFFFFF086  }
0x25: {  	[simem:s6], [sflag:s4] =	dma.local [hbm:s3], $0xF7A  }
0x26: {  	[smem:$0x3F91] =	sst s1;
	(tag) =	ssettag s2;
	_ =	strace s9  }
0x27: {  	s1 =	sld [smem:$0x3FA1]  }
0x28: {  	s2 =	sld [smem:$0x3FA2]  }
0x29: {  	s4 =	sld [smem:$0x3FA4]  }
0x2a: {  	p0 =	seq.s32 s5, $0x0;
	s5 =	sld [smem:$0x3FA5]  }
0x2b: {  	s6 =	sld [smem:$0x3FA6]  }
0x2c: {  	s7 =	sld [smem:$0x3FA7]  }
0x2d: {  	s3 =	simm.s32 $0x108;
	s8 =	sld [smem:$0x3FA8]  }
0x2e: {  	s3 =	simm.s32 @!p0 $0x1082;
	s9 =	sld [smem:$0x3FA9]  }
0x2f: {  	lr =	sadd.s32 s0, s3;
	s0 =	sld [smem:$0x3FA0]  }
0x30: {  	s3 =	sld [smem:$0x3FA3]  }
0x31: {  	[smem:$0x3FAC] =	sst s10  }
0x32: {  	s10 =	sld [smem:$0x3FAA];
	_ =	sdelay $0x3  }
0x33: {  	p0 =	seq.s32 s10, $0x1;
	s10 =	sld [smem:$0x3FAC];
	_ =	sdelay $0x3  }
0x34: {  	[smem:$0x3FAC] =	sst s10  }
0x35: {  	s10 =	sld [smem:$0x3FAB];
	_ =	sdelay $0x3  }
0x36: {  	p1 =	seq.s32 s10, $0x1;
	s10 =	sld [smem:$0x3FAC];
	_ =	sdelay $0x3  }
0x37: {  	[smem:$0x3FAC] =	sst s10  }
0x38: {  	s10 =	sld [smem:$0x3FAD]  }
0x39: {  	_ = 	snop;
	(pc) =	sbr.ind lr, $3  }
0x3a: {  	_ = 	snop  }
0x3b: {  	_ = 	snop  }
0x3c: {  	p2 =	seq.s32 s10, $0x1;
	s10 =	sld [smem:$0x3FAC]  }
0x3d: {  	_ =	shalt  }
0x3e: {  	_ =	shalt  }
0x3f: {  	_ =	shalt  }
0x40: {  	_ =	shalt  }
0x41: {  	_ =	shalt  }
0x42: {  	_ =	shalt  }
0x43: {  	_ =	shalt  }
0x44: {  	_ =	shalt  }
0x45: {  	_ =	shalt  }
0x46: {  	_ =	shalt  }
0x47: {  	_ =	shalt  }
0x48: {  	_ =	shalt  }
0x49: {  	_ =	shalt  }
0x4a: {  	_ =	shalt  }
0x4b: {  	_ =	shalt  }
0x4c: {  	_ =	shalt  }
0x4d: {  	_ =	shalt  }
0x4e: {  	_ =	shalt  }
0x4f: {  	_ =	shalt  }
0x50: {  	_ =	shalt  }
0x51: {  	_ =	shalt  }
0x52: {  	_ =	shalt  }
0x53: {  	_ =	shalt  }
0x54: {  	_ =	shalt  }
0x55: {  	_ =	shalt  }
0x56: {  	_ =	shalt  }
0x57: {  	_ =	shalt  }
0x58: {  	_ =	shalt  }
0x59: {  	_ =	shalt  }
0x5a: {  	_ =	shalt  }
0x5b: {  	_ =	shalt  }
0x5c: {  	_ =	shalt  }
0x5d: {  	_ =	shalt  }
0x5e: {  	_ =	shalt  }
0x5f: {  	_ =	shalt  }
0x60: {  	_ =	shalt  }
0x61: {  	_ =	shalt  }
0x62: {  	_ =	shalt  }
0x63: {  	_ =	shalt  }
0x64: {  	_ =	shalt  }
0x65: {  	_ =	shalt  }
0x66: {  	_ =	shalt  }
0x67: {  	_ =	shalt  }
0x68: {  	_ =	shalt  }
0x69: {  	_ =	shalt  }
0x6a: {  	_ =	shalt  }
0x6b: {  	_ =	shalt  }
0x6c: {  	_ =	shalt  }
0x6d: {  	_ =	shalt  }
0x6e: {  	_ =	shalt  }
0x6f: {  	_ =	shalt  }
0x70: {  	_ =	shalt  }
0x71: {  	_ =	shalt  }
0x72: {  	_ =	shalt  }
0x73: {  	_ =	shalt  }
0x74: {  	_ =	shalt  }
0x75: {  	_ =	shalt  }
0x76: {  	_ =	shalt  }
0x77: {  	_ =	shalt  }
0x78: {  	_ =	shalt  }
0x79: {  	_ =	shalt  }
0x7a: {  	_ =	shalt  }
0x7b: {  	_ =	shalt  }
0x7c: {  	_ =	shalt  }
0x7d: {  	_ =	shalt  }
0x7e: {  	_ =	shalt  }
0x7f: {  	_ =	shalt  }
0x80: {  	_ =	shalt  }
0x81: {  	_ =	shalt  }
0x82: {  	_ =	shalt  }
0x83: {  	_ =	shalt  }
0x84: {  	_ =	shalt  }
0x85: {  	_ =	shalt  }
0x86: {  	_ =	shalt  }
0x87: {  	_ =	shalt  }
.Lfunc_end0:
.L_simem_size_0:
called_computation_lowered:
.L_overlay_start_0:
0x88: {  	s2 =	sld [smem:$0x3FD9]  }
0x89: {  	s3 =	sld [smem:$0x3FFE];
	_ =	sdelay $0x1  }
0x8a: {  	s1 =	srdreg.scid  }
0x8b: {  	s0 =	sand.u32 $0x1, s1  }
0x8c: {  	s17 =	sshll.u32 s0, $0xA;
	s2 =	sadd.s32 s3, s2  }
0x8d: {  	s2 =	sadd.s32 s2, s17  }
0x8e: {  	[smem:$0x3FB8] =	sst s2  }
0x8f: {  	_ = 	snop  }
0x90: {  	s2 =	sld [smem:$0x3FC9];
	(tm) =	ssettm $0x1  }
0x91: {  	s18 =	sld [smem:$0x3FFB];
	_ =	sdelay $0x3  }
0x92: {  	_ =	strace s18  }
0x93: {  	s3 =	sld [smem:$0x3FFC];
	_ =	sdelay $0x3  }
0x94: {  	_ =	strace s3  }
0x95: {  	s3 =	sld [smem:$0x3FFD];
	_ =	sdelay $0x3  }
0x96: {  	_ =	strace s3  }
0x97: {  	_ =	strace $0x8FFFFFFF  }
0x98: {  	s19 =	sld [smem:$0x3FDB];
	_ =	sdelay $0x1  }
0x99: {  	s4 =	simm.s32 $_scs_section_size  }
0x9a: {  	s5 =	simm.s32 $_size__tile_overlayer_lowered;
	s6 =	simm.s32 $_tile_overlayer_lowered  }
0x9b: {  	s22 =	simm.s32 $0x1BFF;
	s21 =	sshll.u32 s6, $0x1;
	s3 =	sadd.s32 s4, s19  }
0x9c: {  	s7 =	simm.s32 $0x0;
	s20 =	sshll.u32 s5, $0x1;
	s5 =	sadd.s32 s21, s3  }
0x9d: {  	[timem:s7], [sflag:s22] =	dma.local [hbm:s5], s20  }
0x9e: {  	_ =	swait.ge [sflag:s22], s20  }
0x9f: {  	s4 =	ssub.s32 $0x0, s20;
	[sflag:s22] =	ssyncset.done $0x0  }
0xa0: {  	[sflag:s22] =	ssyncadd.s32 s4;
	_ =	sdelay $0x1  }
0xa1: {  	s23 =	simm.s32 $0x1B8B  }
0xa2: {  	_ =	swait.ge [sflag:s23], $0x1  }
0xa3: {  	[sflag:s23] =	ssyncset.done $0x0  }
0xa4: {  	s25 =	simm.s32 $0x1B8E;
	s24 =	sld [smem:$0x3FFE];
	[sflag:s23] =	ssyncadd.s32 $0xFFFFFFFF  }
0xa5: {  	s26 =	simm.s32 $execute0_lowered;
	[smem:$0x3FD2] =	sst s25  }
0xa6: {  	s5 =	sshll.u32 s26, $0x1;
	_ =	strace $0x80000046;
	[dreg:$0x1] =	wrdreg $0xFFFFFFFF  }
0xa7: {  	s28 =	simm.s32 $_size_execute0_lowered;
	s3 =	sadd.s32 s3, s5;
	[dreg:$0x0] =	wrdreg $0x0  }
0xa8: {  	s5 =	sshll.u32 s28, $0x1;
	[dreg:$0x2] =	wrdreg s3  }
0xa9: {  	[dreg:$0x3] =	wrdreg s5  }
0xaa: {  	[dreg:$0x4] =	wrdreg $0xC0  }
0xab: {  	_ =	task [dreg:s7], $0x5FFFF  }
0xac: {  	[dreg:$0x1] =	wrdreg $0xFFFFFFFF  }
0xad: {  	[dreg:$0x0] =	wrdreg $0x60  }
0xae: {  	[dreg:$0x2] =	wrdreg s2  }
0xaf: {  	[dreg:$0x3] =	wrdreg s24  }
0xb0: {  	[dreg:$0x4] =	wrdreg $0xA8000  }
0xb1: {  	[dreg:$0x5] =	wrdreg $0x9  }
0xb2: {  	_ =	task.clear_ibuf [dreg:s7], $0x6FFFF;
	_ =	strace $0x90000046  }
0xb3: {  	s29 =	simm.s32 $0x9;
	_ =	strace $0x80000048  }
0xb4: {  	_ =	swait.ge [sflag:s29], $0x1  }
0xb5: {  	[sflag:s29] =	ssyncadd.s32 $0xFFFFFFFF  }
0xb6: {  	_ =	strace $0x90000048  }
0xb7: {  	_ =	sfence  }
0xb8: {  	s30 =	sld [smem:$0x0];
	_ =	sdelay $0x2  }
0xb9: {  	s31 =	sshll.u32 s1, $0xD;
	s1 =	sshrl.u32 s1, $0x2  }
0xba: {  	s3 =	sand.u32 $0x4000, s31;
	s1 =	sadd.s32 s1, s30  }
0xbb: {  	s0 =	sor.u32 s3, s0;
	s1 =	sshll.u32 s1, $0x11  }
0xbc: {  	s0 =	sor.u32 s1, s0  }
0xbd: {  	s0 =	sadd.s32 $0x8F2B, s0  }
0xbe: {  	[sflag:s0] =	ssyncadd.remote.s32 $0x1  }
0xbf: {  	_ =	sfence.sel $0xFFFF  }
0xc0: {  	[dreg:$0x0] =	wrdreg $0xFFFFFFFF;
	(pc) =	sbr.abs _section_cstart, $3  }
0xc1: {  	[dreg:$0x1] =	wrdreg $0xFFFFFFFF  }
0xc2: {  	_ =	task.clear_ibuf [dreg:s7], $0x2FFFF;
	_ =	strace $0x9FFFFFFF  }
0xc3: {  	(tm) =	ssettm $0x7FFFFFFF  }
tec
execute0_lowered:
.L_overlay_start_1:
0x0: {  	(tag) =	ssettag $0x1  }
0x1: {  	s1 =	rddreg [dreg:$0x0]  }
0x2: {  	s6 =	rddreg [dreg:$0x1];
	s2 =	srdreg.scid  }
0x3: {  	s0 =	stileid.u32;
	s3 =	rddreg [dreg:$0x2]  }
0x4: {  	s4 =	simm.s32 $0x0;
	s18 =	simm.s32 $0x1400;
	s19 =	simm.s32 $0x1  }
0x5: {  	s20 =	simm.s32 $0x2;
	s21 =	simm.s32 $0x7D;
	s22 =	simm.s32 $0x2800  }
0x6: {  	s23 =	simm.s32 $0x6800;
	s28 =	simm.s32 $0x2780;
	s29 =	simm.s32 $0x0  }
0x7: {  	s7 =	sand.u32 $0x1, s2;
	s5 =	sshll.u32 s0, $0x1;
	s8 =	smul.u32 $0x2700, s0  }
0x8: {  	[smem:$0x7FF] =	sst s4;
	s10 =	smul.u32 $0x4E000, s0;
	s12 =	sadd.s32 $0x3F200, s6  }
0x9: {  	s15 =	sadd.s32 $0x124800, s3;
	s16 =	smul.u32 $0x13800, s0;
	p0 =	seq.s32 s0, $0xF  }
0xa: {  	s5 =	sor.u32 s7, s5;
	_ =	strace $0x80000047;
	s13 =	smul.u32 $0x138800, s7  }
0xb: {  	s9 =	ssub.s32 $0x2, s7;
	s15 =	sshrl.u32 @p0 s15, $0x3;
	s5 =	smul.u32 $0x2800, s5  }
0xc: {  	s24 =	sadd.s32 s8, s6;
	s25 =	sshrl.u32 s9, $0x1;
	s26 =	sshrl.u32 s10, $0x2  }
0xd: {  	s14 =	ssub.s32 s9, s25;
	s17 =	sadd.s32 s26, s3;
	s30 =	sadd.s32 $0x18000, s24  }
0xe: {  	s31 =	sadd.s32 s16, s13;
	s13 =	sshrl.u32 s13, $0x3;
	s24 =	simm.s32 $0x4  }
0xf: {  	s25 =	simm.s32 $0x1380;
	s26 =	simm.s32 $0x2700;
	s5 =	sshrl.u32 s5, $0x3  }
0x10: {  	[dreg:$0x4] =	wrdreg s30;
	s13 =	sadd.s32 s12, s13;
	s11 =	sadd.s32 s5, s6  }
0x11: {  	s14 =	smax.u32 s14, $0x1;
	s7 =	sadd.s32 $0x4000, s11;
	s8 =	sadd.s32 $0xE000, s11  }
0x12: {  	s9 =	sadd.s32 $0x4280, s11;
	s10 =	sadd.s32 $0xE280, s11;
	s11 =	sshrl.u32 s31, $0x3  }
0x13: {  	s11 =	sadd.s32 s12, s11;
	s12 =	sadd.s32 $0x24900, s13;
	s13 =	sshll.u32 @!p0 s0, $0x6  }
0x14: {  	s17 =	sshrl.u32 @!p0 s17, $0x3;
	s6 =	sadd.s32 $0x3C900, s6;
	s16 =	sor.u32 @!p0 $0x1C03, s13  }
.LBB2_1:
0x15: {  	s30 =	simm.s32 @p0 $0x1FC3  }
0x16: {  	[spmem:s15], [sflag:s30] =	dma.local @p0 [hbm:s6], $0x2800  }
0x17: {  	s0 =	rddreg [dreg:$0x4]  }
0x18: {  	[spmem:s17], [sflag:s16] =	dma.local @!p0 [hbm:s0], $0x2700  }
0x19: {  	[tilespmem:s4], [sflag:$0x1] =	stream.linear.gather [hbm4b:s7+s4], $0x1400, $0x38;
	[tilespmem:$0x1E080] =	vst v63  }
0x1a: {  	_ = 	snop  }
0x1b: {  	[tilespmem:s18], [sflag:$0x2] =	stream.linear.gather [hbm4b:s8+s4], $0x1400, $0x38;
	[tilespmem:$0x1E080] =	vst v63  }
0x1c: {  	_ =	swait.ge [sflag:s19], $0x1400  }
0x1d: {  	[sflag:s19] =	ssyncset.done $0x0  }
0x1e: {  	[sflag:s19] =	ssyncadd.s32 $0xFFFFEC00  }
0x1f: {  	_ =	swait.ge [sflag:s20], $0x1400  }
0x20: {  	[sflag:s20] =	ssyncset.done $0x0  }
0x21: {  	s30 =	simm.s32 @p0 $0x3;
	[sflag:s20] =	ssyncadd.s32 $0xFFFFEC00  }
0x22: {  	_ =	swait.ge @p0 [sflag:s30], $0x2800  }
0x23: {  	[sflag:s30] =	ssyncset.done @p0 $0x0  }
0x24: {  	[sflag:s30] =	ssyncadd.s32 @p0 $0xFFFFD800;
	s30 =	simm.s32 @!p0 $0x3  }
0x25: {  	_ =	swait.ge @!p0 [sflag:s30], $0x2700  }
0x26: {  	[sflag:s30] =	ssyncset.done @!p0 $0x0  }
0x27: {  	[sflag:s30] =	ssyncadd.s32 @!p0 $0xFFFFD900  }
0x28: {  	[bflag:$0x0] =	sbarrier.arrive $0xFFFF  }
0x29: {  	[tilespmem:s22], [sflag:$0x1] =	stream.indirect.gather [hbm4b:s1+s21], $0x80, s4, s21, $0xb8;
	[tilespmem:$0x1E080] =	vst v63  }
0x2a: {  	s30 =	simm.s32 $0x80  }
0x2b: {  	[tilespmem:s23], [sflag:$0x2] =	stream.indirect.gather [hbm4b:s1+s21], $0x80, s30, s21, $0xb8;
	[tilespmem:$0x1E080] =	vst v63  }
0x2c: {  	_ =	swait.ge [sflag:s19], $0x3E80  }
0x2d: {  	[sflag:s19] =	ssyncset.done $0x0  }
0x2e: {  	s30 =	simm.s32 $0x1400;
	[sflag:s19] =	ssyncadd.s32 $0xFFFFC180  }
0x2f: {  	[spmem:s3] =	stream.indirect.scatter.add.f32 [tilespmem:s22], [sflag:$0x4], $0x80, s30, s21, $0xb8;
	[tilespmem:$0x1E080] =	vst v63  }
0x30: {  	_ =	swait.ge [sflag:s24], $0x3E80  }
0x31: {  	[sflag:s24] =	ssyncset.done $0x0  }
0x32: {  	s30 =	simm.s32 $0x100;
	[sflag:s24] =	ssyncadd.s32 $0xFFFFC180  }
0x33: {  	[tilespmem:s22], [sflag:$0x1] =	stream.indirect.gather [hbm4b:s1+s21], $0x80, s30, s21, $0xb8;
	[tilespmem:$0x1E080] =	vst v63  }
0x34: {  	_ =	swait.ge [sflag:s20], $0x3E80  }
0x35: {  	[sflag:s20] =	ssyncset.done $0x0  }
0x36: {  	s30 =	simm.s32 $0x1480;
	[sflag:s20] =	ssyncadd.s32 $0xFFFFC180  }
0x37: {  	[spmem:s3] =	stream.indirect.scatter.add.f32 [tilespmem:s23], [sflag:$0x4], $0x80, s30, s21, $0xb8;
	[tilespmem:$0x1E080] =	vst v63  }
0x38: {  	_ =	swait.ge [sflag:s24], $0x3E80  }
0x39: {  	s31 =	simm.s32 $0x800;
	s30 =	simm.s32 $0x100;
	[sflag:s24] =	ssyncset.done $0x0  }
.LBB2_2:
0x3a: {  	s2 =	sadd.s32 $0x80, s30  }
0x3b: {  	[sflag:s24] =	ssyncadd.s32 $0xFFFFC180;
	s0 =	smov.u32 s31;
	s5 =	sadd.s32 $0x400, s31  }
0x3c: {  	[tilespmem:s23], [sflag:$0x2] =	stream.indirect.gather [hbm4b:s1+s21], $0x80, s2, s21, $0xb8;
	[tilespmem:$0x1E080] =	vst v63  }
0x3d: {  	p1 =	sne.s32 s31, $0x4800;
	_ =	swait.ge [sflag:s19], $0x3E80  }
0x3e: {  	[sflag:s19] =	ssyncset.done $0x0  }
0x3f: {  	s2 =	sadd.s32 $0x1400, s30;
	[sflag:s19] =	ssyncadd.s32 $0xFFFFC180  }
0x40: {  	[spmem:s3] =	stream.indirect.scatter.add.f32 [tilespmem:s22], [sflag:$0x4], $0x80, s2, s21, $0xb8;
	[tilespmem:$0x1E080] =	vst v63  }
0x41: {  	_ =	swait.ge [sflag:s24], $0x3E80  }
0x42: {  	[sflag:s24] =	ssyncset.done $0x0  }
0x43: {  	s2 =	sadd.s32 $0x100, s30;
	[sflag:s24] =	ssyncadd.s32 $0xFFFFC180  }
0x44: {  	[tilespmem:s22], [sflag:$0x1] =	stream.indirect.gather [hbm4b:s1+s21], $0x80, s2, s21, $0xb8;
	[tilespmem:$0x1E080] =	vst v63  }
0x45: {  	_ =	swait.ge [sflag:s20], $0x3E80  }
.Ltmp0:
0x46: {  	[sflag:s20] =	ssyncset.done $0x0;
	(pc) =	sbr.rel @p1 .LBB2_2-.Ltmp0, $4  }
0x47: {  	s2 =	sadd.s32 $0x1480, s30;
	[sflag:s20] =	ssyncadd.s32 $0xFFFFC180  }
0x48: {  	[spmem:s3] =	stream.indirect.scatter.add.f32 [tilespmem:s23], [sflag:$0x4], $0x80, s2, s21, $0xb8;
	[tilespmem:$0x1E080] =	vst v63  }
0x49: {  	_ =	swait.ge [sflag:s24], $0x3E80  }
0x4a: {  	s31 =	smov.u32 s5;
	s30 =	sshra.s32 s0, $0x2;
	[sflag:s24] =	ssyncset.done $0x0  }
0x4b: {  	s0 =	sadd.s32 $0x80, s30;
	[sflag:s24] =	ssyncadd.s32 $0xFFFFC180  }
0x4c: {  	[tilespmem:s23], [sflag:$0x2] =	stream.indirect.gather [hbm4b:s1+s21], $0x80, s0, s21, $0xb8;
	[tilespmem:$0x1E080] =	vst v63  }
0x4d: {  	_ =	swait.ge [sflag:s19], $0x3E80  }
0x4e: {  	[sflag:s19] =	ssyncset.done $0x0  }
0x4f: {  	s2 =	sadd.s32 $0x1400, s30;
	[sflag:s19] =	ssyncadd.s32 $0xFFFFC180  }
0x50: {  	[spmem:s3] =	stream.indirect.scatter.add.f32 [tilespmem:s22], [sflag:$0x4], $0x80, s2, s21, $0xb8;
	[tilespmem:$0x1E080] =	vst v63  }
0x51: {  	_ =	swait.ge [sflag:s24], $0x3E80  }
0x52: {  	[sflag:s24] =	ssyncset.done $0x0  }
0x53: {  	s5 =	sadd.s32 $0x100, s30;
	[sflag:s24] =	ssyncadd.s32 $0xFFFFC180  }
0x54: {  	[tilespmem:s22], [sflag:$0x1] =	stream.indirect.gather [hbm4b:s1+s21], $0x80, s5, s21, $0xb8;
	[tilespmem:$0x1E080] =	vst v63  }
0x55: {  	_ =	swait.ge [sflag:s20], $0x3E80  }
0x56: {  	[sflag:s20] =	ssyncset.done $0x0  }
0x57: {  	s2 =	sadd.s32 $0x1480, s30;
	[sflag:s20] =	ssyncadd.s32 $0xFFFFC180  }
0x58: {  	[spmem:s3] =	stream.indirect.scatter.add.f32 [tilespmem:s23], [sflag:$0x4], $0x80, s2, s21, $0xb8;
	[tilespmem:$0x1E080] =	vst v63  }
0x59: {  	_ =	swait.ge [sflag:s24], $0x3E80  }
0x5a: {  	[sflag:s24] =	ssyncset.done $0x0  }
0x5b: {  	[sflag:s24] =	ssyncadd.s32 $0xFFFFC180  }
0x5c: {  	[tilespmem:s23], [sflag:$0x2] =	stream.indirect.gather [hbm4b:s1+s21], $0x80, s25, s21, $0xb8;
	[tilespmem:$0x1E080] =	vst v63  }
0x5d: {  	_ =	swait.ge [sflag:s19], $0x3E80  }
0x5e: {  	[sflag:s19] =	ssyncset.done $0x0  }
0x5f: {  	[sflag:s19] =	ssyncadd.s32 $0xFFFFC180  }
0x60: {  	[spmem:s3] =	stream.indirect.scatter.add.f32 [tilespmem:s22], [sflag:$0x4], $0x80, s26, s21, $0xb8;
	[tilespmem:$0x1E080] =	vst v63  }
0x61: {  	_ =	swait.ge [sflag:s24], $0x3E80  }
0x62: {  	[sflag:s24] =	ssyncset.done $0x0  }
0x63: {  	[sflag:s24] =	ssyncadd.s32 $0xFFFFC180  }
0x64: {  	_ =	swait.ge [sflag:s20], $0x3E80  }
0x65: {  	[sflag:s20] =	ssyncset.done $0x0  }
0x66: {  	[sflag:s20] =	ssyncadd.s32 $0xFFFFC180  }
0x67: {  	[spmem:s3] =	stream.indirect.scatter.add.f32 [tilespmem:s23], [sflag:$0x4], $0x80, s28, s21, $0xb8;
	[tilespmem:$0x1E080] =	vst v63  }
0x68: {  	_ =	swait.ge [sflag:s24], $0x3E80  }
0x69: {  	[sflag:s24] =	ssyncset.done $0x0  }
0x6a: {  	s5 =	simm.s32 $0x0;
	[sflag:s24] =	ssyncadd.s32 $0xFFFFC180  }
0x6b: {  	[tilespmem:s5], [sflag:$0x4] =	stream.linear.gather [hbm4b:s9+s5], $0x1400, $0x38;
	[tilespmem:$0x1E080] =	vst v63  }
0x6c: {  	_ =	swait.ge [sflag:s24], $0x1400  }
0x6d: {  	[sflag:s24] =	ssyncset.done $0x0  }
0x6e: {  	[sflag:s24] =	ssyncadd.s32 $0xFFFFEC00  }
0x6f: {  	[tilespmem:s18], [sflag:$0x4] =	stream.linear.gather [hbm4b:s10+s5], $0x1400, $0x38;
	[tilespmem:$0x1E080] =	vst v63  }
0x70: {  	_ =	swait.ge [sflag:s24], $0x1400  }
0x71: {  	[sflag:s24] =	ssyncset.done $0x0  }
0x72: {  	[sflag:s24] =	ssyncadd.s32 $0xFFFFEC00  }
0x73: {  	[tilespmem:s22], [sflag:$0x1] =	stream.indirect.gather [hbm4b:s1+s21], $0x80, s5, s21, $0xb8;
	[tilespmem:$0x1E080] =	vst v63  }
0x74: {  	s2 =	simm.s32 $0x80  }
0x75: {  	[tilespmem:s23], [sflag:$0x2] =	stream.indirect.gather [hbm4b:s1+s21], $0x80, s2, s21, $0xb8;
	[tilespmem:$0x1E080] =	vst v63  }
0x76: {  	_ =	swait.ge [sflag:s19], $0x3E80  }
0x77: {  	[sflag:s19] =	ssyncset.done $0x0  }
0x78: {  	s5 =	simm.s32 $0x1400;
	[sflag:s19] =	ssyncadd.s32 $0xFFFFC180  }
0x79: {  	[spmem:s3] =	stream.indirect.scatter.add.f32 [tilespmem:s22], [sflag:$0x4], $0x80, s5, s21, $0xb8;
	[tilespmem:$0x1E080] =	vst v63  }
0x7a: {  	_ =	swait.ge [sflag:s24], $0x3E80  }
0x7b: {  	[sflag:s24] =	ssyncset.done $0x0  }
0x7c: {  	s2 =	simm.s32 $0x100;
	[sflag:s24] =	ssyncadd.s32 $0xFFFFC180  }
0x7d: {  	[tilespmem:s22], [sflag:$0x1] =	stream.indirect.gather [hbm4b:s1+s21], $0x80, s2, s21, $0xb8;
	[tilespmem:$0x1E080] =	vst v63  }
0x7e: {  	_ =	swait.ge [sflag:s20], $0x3E80  }
0x7f: {  	[sflag:s20] =	ssyncset.done $0x0  }
0x80: {  	s5 =	simm.s32 $0x1480;
	[sflag:s20] =	ssyncadd.s32 $0xFFFFC180  }
0x81: {  	[spmem:s3] =	stream.indirect.scatter.add.f32 [tilespmem:s23], [sflag:$0x4], $0x80, s5, s21, $0xb8;
	[tilespmem:$0x1E080] =	vst v63  }
0x82: {  	_ =	swait.ge [sflag:s24], $0x3E80  }
0x83: {  	s31 =	simm.s32 $0x800;
	s30 =	simm.s32 $0x100;
	[sflag:s24] =	ssyncset.done $0x0  }
.LBB2_4:
0x84: {  	s0 =	sadd.s32 $0x80, s30  }
0x85: {  	[sflag:s24] =	ssyncadd.s32 $0xFFFFC180;
	s2 =	smov.u32 s31;
	s5 =	sadd.s32 $0x400, s31  }
0x86: {  	[tilespmem:s23], [sflag:$0x2] =	stream.indirect.gather [hbm4b:s1+s21], $0x80, s0, s21, $0xb8;
	[tilespmem:$0x1E080] =	vst v63  }
0x87: {  	p1 =	sne.s32 s31, $0x4800;
	_ =	swait.ge [sflag:s19], $0x3E80  }
0x88: {  	[sflag:s19] =	ssyncset.done $0x0  }
0x89: {  	s0 =	sadd.s32 $0x1400, s30;
	[sflag:s19] =	ssyncadd.s32 $0xFFFFC180  }
0x8a: {  	[spmem:s3] =	stream.indirect.scatter.add.f32 [tilespmem:s22], [sflag:$0x4], $0x80, s0, s21, $0xb8;
	[tilespmem:$0x1E080] =	vst v63  }
0x8b: {  	_ =	swait.ge [sflag:s24], $0x3E80  }
0x8c: {  	[sflag:s24] =	ssyncset.done $0x0  }
0x8d: {  	s0 =	sadd.s32 $0x100, s30;
	[sflag:s24] =	ssyncadd.s32 $0xFFFFC180  }
0x8e: {  	[tilespmem:s22], [sflag:$0x1] =	stream.indirect.gather [hbm4b:s1+s21], $0x80, s0, s21, $0xb8;
	[tilespmem:$0x1E080] =	vst v63  }
0x8f: {  	_ =	swait.ge [sflag:s20], $0x3E80  }
.Ltmp1:
0x90: {  	[sflag:s20] =	ssyncset.done $0x0;
	(pc) =	sbr.rel @p1 .LBB2_4-.Ltmp1, $4  }
0x91: {  	s0 =	sadd.s32 $0x1480, s30;
	[sflag:s20] =	ssyncadd.s32 $0xFFFFC180  }
0x92: {  	[spmem:s3] =	stream.indirect.scatter.add.f32 [tilespmem:s23], [sflag:$0x4], $0x80, s0, s21, $0xb8;
	[tilespmem:$0x1E080] =	vst v63  }
0x93: {  	_ =	swait.ge [sflag:s24], $0x3E80  }
0x94: {  	s31 =	smov.u32 s5;
	s30 =	sshra.s32 s2, $0x2;
	[sflag:s24] =	ssyncset.done $0x0  }
0x95: {  	s0 =	sadd.s32 $0x80, s30;
	[sflag:s24] =	ssyncadd.s32 $0xFFFFC180  }
0x96: {  	[tilespmem:s23], [sflag:$0x2] =	stream.indirect.gather [hbm4b:s1+s21], $0x80, s0, s21, $0xb8;
	[tilespmem:$0x1E080] =	vst v63  }
0x97: {  	_ =	swait.ge [sflag:s19], $0x3E80  }
0x98: {  	[sflag:s19] =	ssyncset.done $0x0  }
0x99: {  	s2 =	sadd.s32 $0x1400, s30;
	[sflag:s19] =	ssyncadd.s32 $0xFFFFC180  }
0x9a: {  	[spmem:s3] =	stream.indirect.scatter.add.f32 [tilespmem:s22], [sflag:$0x4], $0x80, s2, s21, $0xb8;
	[tilespmem:$0x1E080] =	vst v63  }
0x9b: {  	_ =	swait.ge [sflag:s24], $0x3E80  }
0x9c: {  	[sflag:s24] =	ssyncset.done $0x0  }
0x9d: {  	s5 =	sadd.s32 $0x100, s30;
	[sflag:s24] =	ssyncadd.s32 $0xFFFFC180  }
0x9e: {  	[tilespmem:s22], [sflag:$0x1] =	stream.indirect.gather [hbm4b:s1+s21], $0x80, s5, s21, $0xb8;
	[tilespmem:$0x1E080] =	vst v63  }
0x9f: {  	_ =	swait.ge [sflag:s20], $0x3E80  }
0xa0: {  	[sflag:s20] =	ssyncset.done $0x0  }
0xa1: {  	s31 =	sadd.s32 $0x1480, s30;
	[sflag:s20] =	ssyncadd.s32 $0xFFFFC180  }
0xa2: {  	[spmem:s3] =	stream.indirect.scatter.add.f32 [tilespmem:s23], [sflag:$0x4], $0x80, s31, s21, $0xb8;
	[tilespmem:$0x1E080] =	vst v63  }
0xa3: {  	_ =	swait.ge [sflag:s24], $0x3E80  }
0xa4: {  	[sflag:s24] =	ssyncset.done $0x0  }
0xa5: {  	[sflag:s24] =	ssyncadd.s32 $0xFFFFC180  }
0xa6: {  	[tilespmem:s23], [sflag:$0x2] =	stream.indirect.gather [hbm4b:s1+s21], $0x80, s25, s21, $0xb8;
	[tilespmem:$0x1E080] =	vst v63  }
0xa7: {  	_ =	swait.ge [sflag:s19], $0x3E80  }
0xa8: {  	[sflag:s19] =	ssyncset.done $0x0  }
0xa9: {  	[sflag:s19] =	ssyncadd.s32 $0xFFFFC180  }
0xaa: {  	[spmem:s3] =	stream.indirect.scatter.add.f32 [tilespmem:s22], [sflag:$0x4], $0x80, s26, s21, $0xb8;
	[tilespmem:$0x1E080] =	vst v63  }
0xab: {  	_ =	swait.ge [sflag:s24], $0x3E80  }
0xac: {  	[sflag:s24] =	ssyncset.done $0x0  }
0xad: {  	[sflag:s24] =	ssyncadd.s32 $0xFFFFC180  }
0xae: {  	_ =	swait.ge [sflag:s20], $0x3E80  }
0xaf: {  	[sflag:s20] =	ssyncset.done $0x0  }
0xb0: {  	[sflag:s20] =	ssyncadd.s32 $0xFFFFC180  }
0xb1: {  	[spmem:s3] =	stream.indirect.scatter.add.f32 [tilespmem:s23], [sflag:$0x4], $0x80, s28, s21, $0xb8;
	[tilespmem:$0x1E080] =	vst v63  }
0xb2: {  	_ =	swait.ge [sflag:s24], $0x3E80  }
0xb3: {  	[sflag:s24] =	ssyncset.done $0x0  }
0xb4: {  	[sflag:s24] =	ssyncadd.s32 $0xFFFFC180  }
0xb5: {  	s0 =	simm.s32 @p0 $0x1FC4;
	[bflag:$0x0] =	sbarrier.arrive $0xFFFF  }
0xb6: {  	[hbm:s12], [sflag:s0] =	dma.local @p0 [spmem:s15], $0x2800  }
0xb7: {  	s0 =	simm.s32 @p0 $0x4  }
0xb8: {  	_ =	swait.ge @p0 [sflag:s0], $0x2800  }
0xb9: {  	s29 =	sadd.s32 $0x1, s29;
	[sflag:s0] =	ssyncset.done @p0 $0x0  }
0xba: {  	p1 =	sne.s32 s29, s14;
	[sflag:s0] =	ssyncadd.s32 @p0 $0xFFFFD800;
	s0 =	sor.u32 @!p0 $0x1C04, s13  }
0xbb: {  	[hbm:s11], [sflag:s0] =	dma.local @!p0 [spmem:s17], $0x2700  }
.Ltmp2:
0xbc: {  	_ = 	snop;
	(pc) =	sbr.rel @p1 .LBB2_1-.Ltmp2, $4  }
0xbd: {  	s0 =	simm.s32 @!p0 $0x4  }
0xbe: {  	_ =	swait.ge @!p0 [sflag:s0], $0x2700  }
0xbf: {  	[sflag:s0] =	ssyncset.done @!p0 $0x0  }
0xc0: {  	[sflag:s0] =	ssyncadd.s32 @!p0 $0xFFFFD900  }
0xc1: {  	_ =	sfence.sel $0x180000  }
0xc2: {  	[bflag:$0x0] =	sbarrier.arrive $0xFFFF  }
0xc3: {  	_ =	strace $0x90000047  }
0xc4: {  	s0 =	stileid.u32;
	[bflag:$0x2] =	sbarrier.arrive $0xFFFF  }
0xc5: {  	p0 =	sne.s32 s0, $0x0;
	s0 =	rddreg [dreg:$0x3]  }
0xc6: {  	s0 =	sadd.s32 @!p0 $0x100000, s0  }
0xc7: {  	[sflag:s0] =	ssyncadd.tile.s32 @!p0 $0x1;
	_ =	shalt  }
.Lfunc_end2:
_tile_overlayer_lowered:
.L_overlay_start_2:
0xc8: {  	(tag) =	ssettag $0x2  }
0xc9: {  	s0 =	rddreg [dreg:$0x0];
	s2 =	stileid.u32  }
0xca: {  	s1 =	rddreg [dreg:$0x1];
	p0 =	sne.s32 s2, $0x0  }
0xcb: {  	s3 =	rddreg [dreg:$0x2];
	[bflag:$0x3] =	sbarrier.arrive $0xFFFF;
	s2 =	simm.s32 @!p0 $0x1C04  }
0xcc: {  	[timem:s3], [sflag:s2] =	dma.local @!p0 [hbm:s0], s1  }
0xcd: {  	s0 =	simm.s32 @!p0 $0x4  }
0xce: {  	_ =	swait.ge @!p0 [sflag:s0], s1  }
0xcf: {  	s1 =	ssub.s32 @!p0 $0x0, s1;
	[sflag:s0] =	ssyncset.done @!p0 $0x0  }
0xd0: {  	[sflag:s0] =	ssyncadd.s32 @!p0 s1  }
0xd1: {  	[bflag:$0x3] =	sbarrier.arrive $0xFFFF  }
0xd2: {  	_ =	shalt  }

</sc_bundles>
